<compile_context>
chip_gen: v7x
topology: tpu7x:2x2x1
jax: 0.10.2.dev20260603
libtpu: 0.0.44.dev20260713+nightly
codegen_flags: <defaults>
</compile_context>

<pallas_src>
import functools

import jax
import jax.numpy as jnp
from jax import lax
from jax.experimental import pallas as pl
from jax.experimental.pallas import tpu as pltpu
from jax.experimental.pallas import tpu_sc as plsc

_B = 16384
_E = 256
_NQ = 4
_SUB = 64
_NE = 1024
_BETA = 0.25
_BLK = 512
_NBLK = _B // _BLK

_NC = 2
_NS = 16
_NW = _NC * _NS
_ROWS = _B * _NQ
_R_PER_W = _ROWS // _NW
_CHUNK = 128
_NCHUNK = _R_PER_W // _CHUNK


def _tc_body(x_ref, cbs_ref, dist_ref, fidx_ref, loss_ref, cb2_ref):
    i = pl.program_id(0)

    @pl.when(i == 0)
    def _init():
        loss_ref[0, 0] = 0.0
        for q in range(_NQ):
            cb2_ref[q, :] = jnp.sum(cbs_ref[q] * cbs_ref[q], axis=1)

    acc = jnp.float32(0.0)
    for q in range(_NQ):
        xs = x_ref[:, q * _SUB:(q + 1) * _SUB]
        prod2 = lax.dot_general(
            -2.0 * xs, cbs_ref[q], (((1,), (1,)), ((), ())),
            preferred_element_type=jnp.float32)
        xs2 = jnp.sum(xs * xs, axis=1)
        dist = xs2[:, None] + cb2_ref[q, :][None, :] + prod2
        dist_ref[:, q, :] = dist
        m_run = dist[:, 0:128]
        c_run = jnp.zeros((_BLK, 128), jnp.int32)
        for c in range(1, _NE // 128):
            d_c = dist[:, c * 128:(c + 1) * 128]
            lt = d_c < m_run
            m_run = jnp.minimum(d_c, m_run)
            c_run = jnp.where(lt, jnp.int32(c), c_run)
        m = jnp.min(m_run, axis=1)
        gidx = c_run * 128 + lax.broadcasted_iota(jnp.int32, (_BLK, 128), 1)
        big = jnp.where(m_run == m[:, None], gidx, jnp.int32(_NE))
        idx = jnp.min(big, axis=1) + jnp.int32(q * _NE)
        for r in range(4):
            fidx_ref[q * 4 + r, :] = idx[r * 128:(r + 1) * 128]
        acc += jnp.sum(m)

    loss_ref[0, 0] += acc

    @pl.when(i == _NBLK - 1)
    def _finalize():
        loss_ref[0, 0] = loss_ref[0, 0] * ((1.0 + _BETA) / (_NQ * _B * _SUB))


def _tc_call(x, cbs):
    return pl.pallas_call(
        _tc_body,
        grid=(_NBLK,),
        in_specs=[
            pl.BlockSpec((_BLK, _E), lambda i: (i, 0)),
            pl.BlockSpec((_NQ, _NE, _SUB), lambda i: (0, 0, 0)),
        ],
        out_specs=[
            pl.BlockSpec((_BLK, _NQ, _NE), lambda i: (i, 0, 0)),
            pl.BlockSpec((16, 128), lambda i: (i, 0)),
            pl.BlockSpec((1, 1), lambda i: (0, 0), memory_space=pltpu.SMEM),
        ],
        out_shape=[
            jax.ShapeDtypeStruct((_B, _NQ, _NE), jnp.float32),
            jax.ShapeDtypeStruct((_NBLK * 16, 128), jnp.int32),
            jax.ShapeDtypeStruct((1, 1), jnp.float32),
        ],
        scratch_shapes=[pltpu.VMEM((_NQ, _NE), jnp.float32)],
        compiler_params=pltpu.CompilerParams(
            dimension_semantics=("arbitrary",)),
    )(x, cbs)


def _sc_gather_body(table_hbm, idx_hbm, out_hbm, idx_v, rows_v, gsems, wsems):
    wid = lax.axis_index("s") * _NC + lax.axis_index("c")
    pltpu.sync_copy(idx_hbm.at[wid], idx_v)
    gcp = [None] * _NCHUNK
    wcp = [None] * _NCHUNK
    for j in range(3):
        gcp[j] = pltpu.async_copy(table_hbm.at[idx_v.at[j]], rows_v.at[j],
                                  gsems.at[j])
    for j in range(_NCHUNK):
        if j + 3 < _NCHUNK:
            if j - 1 >= 0:
                wcp[j - 1].wait()
            gcp[j + 3] = pltpu.async_copy(
                table_hbm.at[idx_v.at[j + 3]], rows_v.at[(j + 3) % 4],
                gsems.at[(j + 3) % 4])
        gcp[j].wait()
        q = j // 4
        t0 = wid * _BLK + (j % 4) * _CHUNK
        wcp[j] = pltpu.async_copy(
            rows_v.at[j % 4],
            out_hbm.at[pl.ds(t0, _CHUNK), pl.ds(q * _SUB, _SUB)],
            wsems.at[j % 4])
    for j in range(_NCHUNK - 4, _NCHUNK):
        wcp[j].wait()


@functools.cache
def _sc_gather_fn():
    return functools.partial(
        pl.kernel,
        mesh=plsc.VectorSubcoreMesh(core_axis_name="c", subcore_axis_name="s"),
        out_type=jax.ShapeDtypeStruct((_B, _E), jnp.float32),
        scratch_types=[
            pltpu.VMEM((_NCHUNK, _CHUNK), jnp.int32),
            pltpu.VMEM((4, _CHUNK, _SUB), jnp.float32),
            pltpu.SemaphoreType.DMA((4,)),
            pltpu.SemaphoreType.DMA((4,)),
        ],
        compiler_params=pltpu.CompilerParams(use_tc_tiling_on_sc=False),
    )(_sc_gather_body)


def _sc_gather(table, idx):
    return _sc_gather_fn()(table, idx)


def kernel(x, codebook_0, codebook_1, codebook_2, codebook_3):
    cbs = jnp.stack([codebook_0, codebook_1, codebook_2, codebook_3])
    dist3d, fidx, loss = _tc_call(x, cbs)
    table = cbs.reshape(_NQ * _NE, _SUB)
    x_q = _sc_gather(table, fidx.reshape(_NW, _NCHUNK, _CHUNK))
    idx = (fidx.reshape(_NBLK, _NQ, _BLK)
           .transpose(0, 2, 1).reshape(_B, _NQ)
           - jnp.arange(_NQ, dtype=jnp.int32)[None, :] * _NE)
    return (x_q, loss[0, 0], idx, dist3d)

# --- scband reference (transcript-rebuilt; emitter-appended) ---
"""Pipeline reference for scband-product-vector-quantizer-38122129719815 (READ-ONLY COPY).

The authoritative reference and input builder live on the scoring server;
editing this copy changes nothing except your own understanding.
"""

import jax, jax.numpy as jnp
import numpy as np

B = 16384
E_DIM = 256
NUM_Q = 4
SUB = E_DIM // NUM_Q
N_E_LIST = [1024, 1024, 1024, 1024]
BETA = 0.25


def setup_inputs(seed: int = 0) -> dict:
    key = jax.random.key(seed)
    ks = jax.random.split(key, NUM_Q + 1)
    inp = {"x": jax.random.normal(ks[0], (B, E_DIM), dtype=jnp.float32)}
    for i, n_e in enumerate(N_E_LIST):
        inp[f"codebook_{i}"] = jax.random.normal(ks[i + 1], (n_e, SUB), dtype=jnp.float32) * 0.02
    return inp


def _vq_sub(x_sub, cb, beta):
    # pairwise squared L2 distances [B, n_e]
    d = (jnp.sum(x_sub ** 2, axis=1, keepdims=True)
         + jnp.sum(cb ** 2, axis=1)[None, :]
         - 2.0 * (x_sub @ cb.T))
    idx = jnp.argmin(d, axis=1)
    x_q = jnp.take(cb, idx, axis=0)  # codebook gather
    loss = (jnp.mean((jax.lax.stop_gradient(x_q) - x_sub) ** 2)
            + beta * jnp.mean((x_q - jax.lax.stop_gradient(x_sub)) ** 2))
    # straight-through estimator
    x_q_st = x_sub + jax.lax.stop_gradient(x_q - x_sub)
    return x_q_st, loss, idx, d


def reference(x, codebook_0, codebook_1, codebook_2, codebook_3):
    cbs = [codebook_0, codebook_1, codebook_2, codebook_3]
    x_split = x.reshape(B, NUM_Q, SUB)
    all_q, all_losses, all_idx, all_dist = [], [], [], []
    for i in range(NUM_Q):
        x_q, loss, idx, dist = _vq_sub(x_split[:, i, :], cbs[i], BETA)
        all_q.append(x_q)
        all_losses.append(loss)
        all_idx.append(idx)
        all_dist.append(dist)
    x_q = jnp.concatenate(all_q, axis=-1)
    mean_loss = jnp.mean(jnp.stack(all_losses))
    all_indices = jnp.stack(all_idx, axis=1)
    all_distances = jnp.stack(all_dist, axis=1)
    return (x_q, mean_loss, all_indices, all_distances)

if __name__ == "__main__":
    import jax
    _d = setup_inputs()
    print(jax.jit(kernel)(*tuple(_d.values())))

</pallas_src>

<mosaic_0001>
#map = affine_map<(d0, d1) -> (0, 0)>
#map1 = affine_map<(d0, d1) -> (0, 0, 0)>
module attributes {stable_mosaic.version = 14 : i64} {
  func.func @_sc_gather_body(%arg0: i32, %arg1: i32, %arg2: memref<4096x64xf32, #tpu.memory_space<hbm>>, %arg3: memref<32x16x128xi32, #tpu.memory_space<hbm>>, %arg4: memref<16384x256xf32, #tpu.memory_space<hbm>>, %arg5: memref<16x128xi32, #tpu.memory_space<vmem>>, %arg6: memref<4x128x64xf32, #tpu.memory_space<vmem>>, %arg7: memref<4x!tpu.dma_semaphore, #tpu.memory_space<semaphore_mem>>, %arg8: memref<4x!tpu.dma_semaphore, #tpu.memory_space<semaphore_mem>>) attributes {dimension_semantics = [#tpu.dimension_semantics<core_parallel>, #tpu.dimension_semantics<subcore_parallel>], iteration_bounds = array<i64: 2, 16>, scalar_prefetch = 0 : i64, scratch_operands = 4 : i64, tpu.core_type = #tpu.core_type<sc_vector_subcore>, window_params = [{transform_indices = #map}, {transform_indices = #map1}, {transform_indices = #map}]} {
    %mul3A = arith.constant 2 : i32
    %mul3A_0 = arith.muli %arg1, %mul3A : i32
    %add3A = arith.addi %mul3A_0, %arg0 : i32
    "tpu.region"() ({
      %run_scoped3A = tpu.sem_alloc : memref<!tpu.dma_semaphore, #tpu.memory_space<semaphore_mem>>
      %dma_start3A_1055 = arith.constant 0 : i32
      %dma_start3A_1056 = arith.constant 0 : i32
      %dma_start3A_1057 = tpu.memref_slice %arg3[%add3A, %dma_start3A_1055, %dma_start3A_1056] : memref<32x16x128xi32, #tpu.memory_space<hbm>> -> memref<1x16x128xi32, #tpu.memory_space<hbm>>
      %dma_start3A_1058 = tpu.memref_squeeze %dma_start3A_1057 : memref<1x16x128xi32, #tpu.memory_space<hbm>> -> memref<16x128xi32, #tpu.memory_space<hbm>>
      %dma_start3A_1059 = arith.constant 0 : i32
      %dma_start3A_1060 = arith.constant 0 : i32
      %dma_start3A_1061 = tpu.memref_slice %arg3[%add3A, %dma_start3A_1059, %dma_start3A_1060] : memref<32x16x128xi32, #tpu.memory_space<hbm>> -> memref<1x16x128xi32, #tpu.memory_space<hbm>>
      %dma_start3A_1062 = tpu.memref_squeeze %dma_start3A_1061 : memref<1x16x128xi32, #tpu.memory_space<hbm>> -> memref<16x128xi32, #tpu.memory_space<hbm>>
      tpu.enqueue_dma source(%dma_start3A_1062 : memref<16x128xi32, #tpu.memory_space<hbm>>) target(%arg5 : memref<16x128xi32, #tpu.memory_space<vmem>>) target_semaphore(%run_scoped3A : memref<!tpu.dma_semaphore, #tpu.memory_space<semaphore_mem>>)
      %dma_wait3A_1063 = arith.constant 0 : i32
      %dma_wait3A_1064 = arith.constant 0 : i32
      %dma_wait3A_1065 = tpu.memref_slice %arg3[%add3A, %dma_wait3A_1063, %dma_wait3A_1064] : memref<32x16x128xi32, #tpu.memory_space<hbm>> -> memref<1x16x128xi32, #tpu.memory_space<hbm>>
      %dma_wait3A_1066 = tpu.memref_squeeze %dma_wait3A_1065 : memref<1x16x128xi32, #tpu.memory_space<hbm>> -> memref<16x128xi32, #tpu.memory_space<hbm>>
      %dma_wait3A_1067 = arith.constant 0 : i32
      %dma_wait3A_1068 = arith.constant 0 : i32
      %dma_wait3A_1069 = tpu.memref_slice %arg3[%add3A, %dma_wait3A_1067, %dma_wait3A_1068] : memref<32x16x128xi32, #tpu.memory_space<hbm>> -> memref<1x16x128xi32, #tpu.memory_space<hbm>>
      %dma_wait3A_1070 = tpu.memref_squeeze %dma_wait3A_1069 : memref<1x16x128xi32, #tpu.memory_space<hbm>> -> memref<16x128xi32, #tpu.memory_space<hbm>>
      tpu.wait_dma2 semaphore(%run_scoped3A : memref<!tpu.dma_semaphore, #tpu.memory_space<semaphore_mem>>) src(%dma_wait3A_1070 : memref<16x128xi32, #tpu.memory_space<hbm>>) dst(%arg5 : memref<16x128xi32, #tpu.memory_space<vmem>>)
      tpu.yield
    }) : () -> ()
    %dma_start3A = arith.constant 0 : i32
    %dma_start3A_1 = arith.constant 0 : i32
    %dma_start3A_2 = arith.constant 0 : i32
    %dma_start3A_3 = arith.constant 0 : i32
    %dma_start3A_4 = arith.constant 0 : i32
    %dma_start3A_5 = tpu.memref_slice %arg6[%dma_start3A_1, %dma_start3A_3, %dma_start3A_4] : memref<4x128x64xf32, #tpu.memory_space<vmem>> -> memref<1x128x64xf32, #tpu.memory_space<vmem>>
    %dma_start3A_6 = tpu.memref_squeeze %dma_start3A_5 : memref<1x128x64xf32, #tpu.memory_space<vmem>> -> memref<128x64xf32, #tpu.memory_space<vmem>>
    %dma_start3A_7 = arith.constant 0 : i32
    %dma_start3A_8 = tpu.memref_slice %arg5[%dma_start3A, %dma_start3A_7] : memref<16x128xi32, #tpu.memory_space<vmem>> -> memref<1x128xi32, #tpu.memory_space<vmem>>
    %dma_start3A_9 = tpu.memref_squeeze %dma_start3A_8 : memref<1x128xi32, #tpu.memory_space<vmem>> -> memref<128xi32, #tpu.memory_space<vmem>>
    %dma_start3A_10 = arith.constant 0 : i32
    %dma_start3A_11 = arith.constant 0 : i32
    %dma_start3A_12 = tpu.memref_slice %arg2[%dma_start3A_10, %dma_start3A_11] : memref<4096x64xf32, #tpu.memory_space<hbm>> -> memref<4096x64xf32, #tpu.memory_space<hbm>>
    %dma_start3A_13 = tpu.memref_slice %arg7[%dma_start3A_2] : memref<4x!tpu.dma_semaphore, #tpu.memory_space<semaphore_mem>> -> memref<1x!tpu.dma_semaphore, #tpu.memory_space<semaphore_mem>>
    %dma_start3A_14 = tpu.memref_squeeze %dma_start3A_13 : memref<1x!tpu.dma_semaphore, #tpu.memory_space<semaphore_mem>> -> memref<!tpu.dma_semaphore, #tpu.memory_space<semaphore_mem>>
    tpu.enqueue_indirect_dma source(%dma_start3A_12 : memref<4096x64xf32, #tpu.memory_space<hbm>>) target(%dma_start3A_6 : memref<128x64xf32, #tpu.memory_space<vmem>>) offsets(%dma_start3A_9 : memref<128xi32, #tpu.memory_space<vmem>>) semaphore(%dma_start3A_14 : memref<!tpu.dma_semaphore, #tpu.memory_space<semaphore_mem>>)
    %dma_start3A_15 = arith.constant 1 : i32
    %dma_start3A_16 = arith.constant 1 : i32
    %dma_start3A_17 = arith.constant 1 : i32
    %dma_start3A_18 = arith.constant 0 : i32
    %dma_start3A_19 = arith.constant 0 : i32
    %dma_start3A_20 = tpu.memref_slice %arg6[%dma_start3A_16, %dma_start3A_18, %dma_start3A_19] : memref<4x128x64xf32, #tpu.memory_space<vmem>> -> memref<1x128x64xf32, #tpu.memory_space<vmem>>
    %dma_start3A_21 = tpu.memref_squeeze %dma_start3A_20 : memref<1x128x64xf32, #tpu.memory_space<vmem>> -> memref<128x64xf32, #tpu.memory_space<vmem>>
    %dma_start3A_22 = arith.constant 0 : i32
    %dma_start3A_23 = tpu.memref_slice %arg5[%dma_start3A_15, %dma_start3A_22] : memref<16x128xi32, #tpu.memory_space<vmem>> -> memref<1x128xi32, #tpu.memory_space<vmem>>
    %dma_start3A_24 = tpu.memref_squeeze %dma_start3A_23 : memref<1x128xi32, #tpu.memory_space<vmem>> -> memref<128xi32, #tpu.memory_space<vmem>>
    %dma_start3A_25 = arith.constant 0 : i32
    %dma_start3A_26 = arith.constant 0 : i32
    %dma_start3A_27 = tpu.memref_slice %arg2[%dma_start3A_25, %dma_start3A_26] : memref<4096x64xf32, #tpu.memory_space<hbm>> -> memref<4096x64xf32, #tpu.memory_space<hbm>>
    %dma_start3A_28 = tpu.memref_slice %arg7[%dma_start3A_17] : memref<4x!tpu.dma_semaphore, #tpu.memory_space<semaphore_mem>> -> memref<1x!tpu.dma_semaphore, #tpu.memory_space<semaphore_mem>>
    %dma_start3A_29 = tpu.memref_squeeze %dma_start3A_28 : memref<1x!tpu.dma_semaphore, #tpu.memory_space<semaphore_mem>> -> memref<!tpu.dma_semaphore, #tpu.memory_space<semaphore_mem>>
    tpu.enqueue_indirect_dma source(%dma_start3A_27 : memref<4096x64xf32, #tpu.memory_space<hbm>>) target(%dma_start3A_21 : memref<128x64xf32, #tpu.memory_space<vmem>>) offsets(%dma_start3A_24 : memref<128xi32, #tpu.memory_space<vmem>>) semaphore(%dma_start3A_29 : memref<!tpu.dma_semaphore, #tpu.memory_space<semaphore_mem>>)
    %dma_start3A_30 = arith.constant 2 : i32
    %dma_start3A_31 = arith.constant 2 : i32
    %dma_start3A_32 = arith.constant 2 : i32
    %dma_start3A_33 = arith.constant 0 : i32
    %dma_start3A_34 = arith.constant 0 : i32
    %dma_start3A_35 = tpu.memref_slice %arg6[%dma_start3A_31, %dma_start3A_33, %dma_start3A_34] : memref<4x128x64xf32, #tpu.memory_space<vmem>> -> memref<1x128x64xf32, #tpu.memory_space<vmem>>
    %dma_start3A_36 = tpu.memref_squeeze %dma_start3A_35 : memref<1x128x64xf32, #tpu.memory_space<vmem>> -> memref<128x64xf32, #tpu.memory_space<vmem>>
    %dma_start3A_37 = arith.constant 0 : i32
    %dma_start3A_38 = tpu.memref_slice %arg5[%dma_start3A_30, %dma_start3A_37] : memref<16x128xi32, #tpu.memory_space<vmem>> -> memref<1x128xi32, #tpu.memory_space<vmem>>
    %dma_start3A_39 = tpu.memref_squeeze %dma_start3A_38 : memref<1x128xi32, #tpu.memory_space<vmem>> -> memref<128xi32, #tpu.memory_space<vmem>>
    %dma_start3A_40 = arith.constant 0 : i32
    %dma_start3A_41 = arith.constant 0 : i32
    %dma_start3A_42 = tpu.memref_slice %arg2[%dma_start3A_40, %dma_start3A_41] : memref<4096x64xf32, #tpu.memory_space<hbm>> -> memref<4096x64xf32, #tpu.memory_space<hbm>>
    %dma_start3A_43 = tpu.memref_slice %arg7[%dma_start3A_32] : memref<4x!tpu.dma_semaphore, #tpu.memory_space<semaphore_mem>> -> memref<1x!tpu.dma_semaphore, #tpu.memory_space<semaphore_mem>>
    %dma_start3A_44 = tpu.memref_squeeze %dma_start3A_43 : memref<1x!tpu.dma_semaphore, #tpu.memory_space<semaphore_mem>> -> memref<!tpu.dma_semaphore, #tpu.memory_space<semaphore_mem>>
    tpu.enqueue_indirect_dma source(%dma_start3A_42 : memref<4096x64xf32, #tpu.memory_space<hbm>>) target(%dma_start3A_36 : memref<128x64xf32, #tpu.memory_space<vmem>>) offsets(%dma_start3A_39 : memref<128xi32, #tpu.memory_space<vmem>>) semaphore(%dma_start3A_44 : memref<!tpu.dma_semaphore, #tpu.memory_space<semaphore_mem>>)
    %dma_start3A_45 = arith.constant 3 : i32
    %dma_start3A_46 = arith.constant 3 : i32
    %dma_start3A_47 = arith.constant 3 : i32
    %dma_start3A_48 = arith.constant 0 : i32
    %dma_start3A_49 = arith.constant 0 : i32
    %dma_start3A_50 = tpu.memref_slice %arg6[%dma_start3A_46, %dma_start3A_48, %dma_start3A_49] : memref<4x128x64xf32, #tpu.memory_space<vmem>> -> memref<1x128x64xf32, #tpu.memory_space<vmem>>
    %dma_start3A_51 = tpu.memref_squeeze %dma_start3A_50 : memref<1x128x64xf32, #tpu.memory_space<vmem>> -> memref<128x64xf32, #tpu.memory_space<vmem>>
    %dma_start3A_52 = arith.constant 0 : i32
    %dma_start3A_53 = tpu.memref_slice %arg5[%dma_start3A_45, %dma_start3A_52] : memref<16x128xi32, #tpu.memory_space<vmem>> -> memref<1x128xi32, #tpu.memory_space<vmem>>
    %dma_start3A_54 = tpu.memref_squeeze %dma_start3A_53 : memref<1x128xi32, #tpu.memory_space<vmem>> -> memref<128xi32, #tpu.memory_space<vmem>>
    %dma_start3A_55 = arith.constant 0 : i32
    %dma_start3A_56 = arith.constant 0 : i32
    %dma_start3A_57 = tpu.memref_slice %arg2[%dma_start3A_55, %dma_start3A_56] : memref<4096x64xf32, #tpu.memory_space<hbm>> -> memref<4096x64xf32, #tpu.memory_space<hbm>>
    %dma_start3A_58 = tpu.memref_slice %arg7[%dma_start3A_47] : memref<4x!tpu.dma_semaphore, #tpu.memory_space<semaphore_mem>> -> memref<1x!tpu.dma_semaphore, #tpu.memory_space<semaphore_mem>>
    %dma_start3A_59 = tpu.memref_squeeze %dma_start3A_58 : memref<1x!tpu.dma_semaphore, #tpu.memory_space<semaphore_mem>> -> memref<!tpu.dma_semaphore, #tpu.memory_space<semaphore_mem>>
    tpu.enqueue_indirect_dma source(%dma_start3A_57 : memref<4096x64xf32, #tpu.memory_space<hbm>>) target(%dma_start3A_51 : memref<128x64xf32, #tpu.memory_space<vmem>>) offsets(%dma_start3A_54 : memref<128xi32, #tpu.memory_space<vmem>>) semaphore(%dma_start3A_59 : memref<!tpu.dma_semaphore, #tpu.memory_space<semaphore_mem>>)
    %dma_wait3A = arith.constant 0 : i32
    %dma_wait3A_60 = arith.constant 0 : i32
    %dma_wait3A_61 = arith.constant 0 : i32
    %dma_wait3A_62 = arith.constant 0 : i32
    %dma_wait3A_63 = arith.constant 0 : i32
    %dma_wait3A_64 = tpu.memref_slice %arg6[%dma_wait3A_60, %dma_wait3A_62, %dma_wait3A_63] : memref<4x128x64xf32, #tpu.memory_space<vmem>> -> memref<1x128x64xf32, #tpu.memory_space<vmem>>
    %dma_wait3A_65 = tpu.memref_squeeze %dma_wait3A_64 : memref<1x128x64xf32, #tpu.memory_space<vmem>> -> memref<128x64xf32, #tpu.memory_space<vmem>>
    %dma_wait3A_66 = arith.constant 0 : i32
    %dma_wait3A_67 = tpu.memref_slice %arg5[%dma_wait3A, %dma_wait3A_66] : memref<16x128xi32, #tpu.memory_space<vmem>> -> memref<1x128xi32, #tpu.memory_space<vmem>>
    %dma_wait3A_68 = tpu.memref_squeeze %dma_wait3A_67 : memref<1x128xi32, #tpu.memory_space<vmem>> -> memref<128xi32, #tpu.memory_space<vmem>>
    %dma_wait3A_69 = arith.constant 0 : i32
    %dma_wait3A_70 = arith.constant 0 : i32
    %dma_wait3A_71 = tpu.memref_slice %arg2[%dma_wait3A_69, %dma_wait3A_70] : memref<4096x64xf32, #tpu.memory_space<hbm>> -> memref<4096x64xf32, #tpu.memory_space<hbm>>
    %dma_wait3A_72 = tpu.memref_slice %arg7[%dma_wait3A_61] : memref<4x!tpu.dma_semaphore, #tpu.memory_space<semaphore_mem>> -> memref<1x!tpu.dma_semaphore, #tpu.memory_space<semaphore_mem>>
    %dma_wait3A_73 = tpu.memref_squeeze %dma_wait3A_72 : memref<1x!tpu.dma_semaphore, #tpu.memory_space<semaphore_mem>> -> memref<!tpu.dma_semaphore, #tpu.memory_space<semaphore_mem>>
    tpu.wait_indirect_dma semaphore(%dma_wait3A_73 : memref<!tpu.dma_semaphore, #tpu.memory_space<semaphore_mem>>) src(%dma_wait3A_71 : memref<4096x64xf32, #tpu.memory_space<hbm>>) dst(%dma_wait3A_65 : memref<128x64xf32, #tpu.memory_space<vmem>>)
    %mul3A_74 = arith.constant 512 : i32
    %mul3A_75 = arith.muli %add3A, %mul3A_74 : i32
    %add3A_76 = arith.constant 0 : i32
    %add3A_77 = arith.addi %mul3A_75, %add3A_76 : i32
    %dma_start3A_78 = arith.constant 0 : i32
    %dma_start3A_79 = arith.constant 0 : i32
    %dma_start3A_80 = arith.constant 0 : i32
    %dma_start3A_81 = arith.constant 0 : i32
    %dma_start3A_82 = tpu.memref_slice %arg6[%dma_start3A_78, %dma_start3A_80, %dma_start3A_81] : memref<4x128x64xf32, #tpu.memory_space<vmem>> -> memref<1x128x64xf32, #tpu.memory_space<vmem>>
    %dma_start3A_83 = tpu.memref_squeeze %dma_start3A_82 : memref<1x128x64xf32, #tpu.memory_space<vmem>> -> memref<128x64xf32, #tpu.memory_space<vmem>>
    %dma_start3A_84 = arith.constant 0 : i32
    %dma_start3A_85 = tpu.memref_slice %arg4[%add3A_77, %dma_start3A_84] : memref<16384x256xf32, #tpu.memory_space<hbm>> -> memref<128x64xf32, #tpu.memory_space<hbm>>
    %dma_start3A_86 = tpu.memref_slice %arg8[%dma_start3A_79] : memref<4x!tpu.dma_semaphore, #tpu.memory_space<semaphore_mem>> -> memref<1x!tpu.dma_semaphore, #tpu.memory_space<semaphore_mem>>
    %dma_start3A_87 = tpu.memref_squeeze %dma_start3A_86 : memref<1x!tpu.dma_semaphore, #tpu.memory_space<semaphore_mem>> -> memref<!tpu.dma_semaphore, #tpu.memory_space<semaphore_mem>>
    %dma_start3A_88 = arith.constant 0 : i32
    %dma_start3A_89 = tpu.memref_slice %arg4[%add3A_77, %dma_start3A_88] : memref<16384x256xf32, #tpu.memory_space<hbm>> -> memref<128x64xf32, #tpu.memory_space<hbm>>
    %dma_start3A_90 = arith.constant 0 : i32
    %dma_start3A_91 = arith.constant 0 : i32
    %dma_start3A_92 = tpu.memref_slice %arg6[%dma_start3A_78, %dma_start3A_90, %dma_start3A_91] : memref<4x128x64xf32, #tpu.memory_space<vmem>> -> memref<1x128x64xf32, #tpu.memory_space<vmem>>
    %dma_start3A_93 = tpu.memref_squeeze %dma_start3A_92 : memref<1x128x64xf32, #tpu.memory_space<vmem>> -> memref<128x64xf32, #tpu.memory_space<vmem>>
    tpu.enqueue_dma source(%dma_start3A_93 : memref<128x64xf32, #tpu.memory_space<vmem>>) target(%dma_start3A_89 : memref<128x64xf32, #tpu.memory_space<hbm>>) target_semaphore(%dma_start3A_87 : memref<!tpu.dma_semaphore, #tpu.memory_space<semaphore_mem>>)
    %dma_wait3A_94 = arith.constant 0 : i32
    %dma_wait3A_95 = arith.constant 0 : i32
    %dma_wait3A_96 = arith.constant 0 : i32
    %dma_wait3A_97 = arith.constant 0 : i32
    %dma_wait3A_98 = tpu.memref_slice %arg6[%dma_wait3A_94, %dma_wait3A_96, %dma_wait3A_97] : memref<4x128x64xf32, #tpu.memory_space<vmem>> -> memref<1x128x64xf32, #tpu.memory_space<vmem>>
    %dma_wait3A_99 = tpu.memref_squeeze %dma_wait3A_98 : memref<1x128x64xf32, #tpu.memory_space<vmem>> -> memref<128x64xf32, #tpu.memory_space<vmem>>
    %dma_wait3A_100 = arith.constant 0 : i32
    %dma_wait3A_101 = tpu.memref_slice %arg4[%add3A_77, %dma_wait3A_100] : memref<16384x256xf32, #tpu.memory_space<hbm>> -> memref<128x64xf32, #tpu.memory_space<hbm>>
    %dma_wait3A_102 = tpu.memref_slice %arg8[%dma_wait3A_95] : memref<4x!tpu.dma_semaphore, #tpu.memory_space<semaphore_mem>> -> memref<1x!tpu.dma_semaphore, #tpu.memory_space<semaphore_mem>>
    %dma_wait3A_103 = tpu.memref_squeeze %dma_wait3A_102 : memref<1x!tpu.dma_semaphore, #tpu.memory_space<semaphore_mem>> -> memref<!tpu.dma_semaphore, #tpu.memory_space<semaphore_mem>>
    %dma_wait3A_104 = arith.constant 0 : i32
    %dma_wait3A_105 = tpu.memref_slice %arg4[%add3A_77, %dma_wait3A_104] : memref<16384x256xf32, #tpu.memory_space<hbm>> -> memref<128x64xf32, #tpu.memory_space<hbm>>
    %dma_wait3A_106 = arith.constant 0 : i32
    %dma_wait3A_107 = arith.constant 0 : i32
    %dma_wait3A_108 = tpu.memref_slice %arg6[%dma_wait3A_94, %dma_wait3A_106, %dma_wait3A_107] : memref<4x128x64xf32, #tpu.memory_space<vmem>> -> memref<1x128x64xf32, #tpu.memory_space<vmem>>
    %dma_wait3A_109 = tpu.memref_squeeze %dma_wait3A_108 : memref<1x128x64xf32, #tpu.memory_space<vmem>> -> memref<128x64xf32, #tpu.memory_space<vmem>>
    tpu.wait_dma2 semaphore(%dma_wait3A_103 : memref<!tpu.dma_semaphore, #tpu.memory_space<semaphore_mem>>) src(%dma_wait3A_109 : memref<128x64xf32, #tpu.memory_space<vmem>>) dst(%dma_wait3A_105 : memref<128x64xf32, #tpu.memory_space<hbm>>)
    %dma_start3A_110 = arith.constant 4 : i32
    %dma_start3A_111 = arith.constant 0 : i32
    %dma_start3A_112 = arith.constant 0 : i32
    %dma_start3A_113 = arith.constant 0 : i32
    %dma_start3A_114 = arith.constant 0 : i32
    %dma_start3A_115 = tpu.memref_slice %arg6[%dma_start3A_111, %dma_start3A_113, %dma_start3A_114] : memref<4x128x64xf32, #tpu.memory_space<vmem>> -> memref<1x128x64xf32, #tpu.memory_space<vmem>>
    %dma_start3A_116 = tpu.memref_squeeze %dma_start3A_115 : memref<1x128x64xf32, #tpu.memory_space<vmem>> -> memref<128x64xf32, #tpu.memory_space<vmem>>
    %dma_start3A_117 = arith.constant 0 : i32
    %dma_start3A_118 = tpu.memref_slice %arg5[%dma_start3A_110, %dma_start3A_117] : memref<16x128xi32, #tpu.memory_space<vmem>> -> memref<1x128xi32, #tpu.memory_space<vmem>>
    %dma_start3A_119 = tpu.memref_squeeze %dma_start3A_118 : memref<1x128xi32, #tpu.memory_space<vmem>> -> memref<128xi32, #tpu.memory_space<vmem>>
    %dma_start3A_120 = arith.constant 0 : i32
    %dma_start3A_121 = arith.constant 0 : i32
    %dma_start3A_122 = tpu.memref_slice %arg2[%dma_start3A_120, %dma_start3A_121] : memref<4096x64xf32, #tpu.memory_space<hbm>> -> memref<4096x64xf32, #tpu.memory_space<hbm>>
    %dma_start3A_123 = tpu.memref_slice %arg7[%dma_start3A_112] : memref<4x!tpu.dma_semaphore, #tpu.memory_space<semaphore_mem>> -> memref<1x!tpu.dma_semaphore, #tpu.memory_space<semaphore_mem>>
    %dma_start3A_124 = tpu.memref_squeeze %dma_start3A_123 : memref<1x!tpu.dma_semaphore, #tpu.memory_space<semaphore_mem>> -> memref<!tpu.dma_semaphore, #tpu.memory_space<semaphore_mem>>
    tpu.enqueue_indirect_dma source(%dma_start3A_122 : memref<4096x64xf32, #tpu.memory_space<hbm>>) target(%dma_start3A_116 : memref<128x64xf32, #tpu.memory_space<vmem>>) offsets(%dma_start3A_119 : memref<128xi32, #tpu.memory_space<vmem>>) semaphore(%dma_start3A_124 : memref<!tpu.dma_semaphore, #tpu.memory_space<semaphore_mem>>)
    %dma_wait3A_125 = arith.constant 1 : i32
    %dma_wait3A_126 = arith.constant 1 : i32
    %dma_wait3A_127 = arith.constant 1 : i32
    %dma_wait3A_128 = arith.constant 0 : i32
    %dma_wait3A_129 = arith.constant 0 : i32
    %dma_wait3A_130 = tpu.memref_slice %arg6[%dma_wait3A_126, %dma_wait3A_128, %dma_wait3A_129] : memref<4x128x64xf32, #tpu.memory_space<vmem>> -> memref<1x128x64xf32, #tpu.memory_space<vmem>>
    %dma_wait3A_131 = tpu.memref_squeeze %dma_wait3A_130 : memref<1x128x64xf32, #tpu.memory_space<vmem>> -> memref<128x64xf32, #tpu.memory_space<vmem>>
    %dma_wait3A_132 = arith.constant 0 : i32
    %dma_wait3A_133 = tpu.memref_slice %arg5[%dma_wait3A_125, %dma_wait3A_132] : memref<16x128xi32, #tpu.memory_space<vmem>> -> memref<1x128xi32, #tpu.memory_space<vmem>>
    %dma_wait3A_134 = tpu.memref_squeeze %dma_wait3A_133 : memref<1x128xi32, #tpu.memory_space<vmem>> -> memref<128xi32, #tpu.memory_space<vmem>>
    %dma_wait3A_135 = arith.constant 0 : i32
    %dma_wait3A_136 = arith.constant 0 : i32
    %dma_wait3A_137 = tpu.memref_slice %arg2[%dma_wait3A_135, %dma_wait3A_136] : memref<4096x64xf32, #tpu.memory_space<hbm>> -> memref<4096x64xf32, #tpu.memory_space<hbm>>
    %dma_wait3A_138 = tpu.memref_slice %arg7[%dma_wait3A_127] : memref<4x!tpu.dma_semaphore, #tpu.memory_space<semaphore_mem>> -> memref<1x!tpu.dma_semaphore, #tpu.memory_space<semaphore_mem>>
    %dma_wait3A_139 = tpu.memref_squeeze %dma_wait3A_138 : memref<1x!tpu.dma_semaphore, #tpu.memory_space<semaphore_mem>> -> memref<!tpu.dma_semaphore, #tpu.memory_space<semaphore_mem>>
    tpu.wait_indirect_dma semaphore(%dma_wait3A_139 : memref<!tpu.dma_semaphore, #tpu.memory_space<semaphore_mem>>) src(%dma_wait3A_137 : memref<4096x64xf32, #tpu.memory_space<hbm>>) dst(%dma_wait3A_131 : memref<128x64xf32, #tpu.memory_space<vmem>>)
    %mul3A_140 = arith.constant 512 : i32
    %mul3A_141 = arith.muli %add3A, %mul3A_140 : i32
    %add3A_142 = arith.constant 128 : i32
    %add3A_143 = arith.addi %mul3A_141, %add3A_142 : i32
    %dma_start3A_144 = arith.constant 1 : i32
    %dma_start3A_145 = arith.constant 1 : i32
    %dma_start3A_146 = arith.constant 0 : i32
    %dma_start3A_147 = arith.constant 0 : i32
    %dma_start3A_148 = tpu.memref_slice %arg6[%dma_start3A_144, %dma_start3A_146, %dma_start3A_147] : memref<4x128x64xf32, #tpu.memory_space<vmem>> -> memref<1x128x64xf32, #tpu.memory_space<vmem>>
    %dma_start3A_149 = tpu.memref_squeeze %dma_start3A_148 : memref<1x128x64xf32, #tpu.memory_space<vmem>> -> memref<128x64xf32, #tpu.memory_space<vmem>>
    %dma_start3A_150 = arith.constant 0 : i32
    %dma_start3A_151 = tpu.memref_slice %arg4[%add3A_143, %dma_start3A_150] : memref<16384x256xf32, #tpu.memory_space<hbm>> -> memref<128x64xf32, #tpu.memory_space<hbm>>
    %dma_start3A_152 = tpu.memref_slice %arg8[%dma_start3A_145] : memref<4x!tpu.dma_semaphore, #tpu.memory_space<semaphore_mem>> -> memref<1x!tpu.dma_semaphore, #tpu.memory_space<semaphore_mem>>
    %dma_start3A_153 = tpu.memref_squeeze %dma_start3A_152 : memref<1x!tpu.dma_semaphore, #tpu.memory_space<semaphore_mem>> -> memref<!tpu.dma_semaphore, #tpu.memory_space<semaphore_mem>>
    %dma_start3A_154 = arith.constant 0 : i32
    %dma_start3A_155 = tpu.memref_slice %arg4[%add3A_143, %dma_start3A_154] : memref<16384x256xf32, #tpu.memory_space<hbm>> -> memref<128x64xf32, #tpu.memory_space<hbm>>
    %dma_start3A_156 = arith.constant 0 : i32
    %dma_start3A_157 = arith.constant 0 : i32
    %dma_start3A_158 = tpu.memref_slice %arg6[%dma_start3A_144, %dma_start3A_156, %dma_start3A_157] : memref<4x128x64xf32, #tpu.memory_space<vmem>> -> memref<1x128x64xf32, #tpu.memory_space<vmem>>
    %dma_start3A_159 = tpu.memref_squeeze %dma_start3A_158 : memref<1x128x64xf32, #tpu.memory_space<vmem>> -> memref<128x64xf32, #tpu.memory_space<vmem>>
    tpu.enqueue_dma source(%dma_start3A_159 : memref<128x64xf32, #tpu.memory_space<vmem>>) target(%dma_start3A_155 : memref<128x64xf32, #tpu.memory_space<hbm>>) target_semaphore(%dma_start3A_153 : memref<!tpu.dma_semaphore, #tpu.memory_space<semaphore_mem>>)
    %dma_wait3A_160 = arith.constant 1 : i32
    %dma_wait3A_161 = arith.constant 1 : i32
    %dma_wait3A_162 = arith.constant 0 : i32
    %dma_wait3A_163 = arith.constant 0 : i32
    %dma_wait3A_164 = tpu.memref_slice %arg6[%dma_wait3A_160, %dma_wait3A_162, %dma_wait3A_163] : memref<4x128x64xf32, #tpu.memory_space<vmem>> -> memref<1x128x64xf32, #tpu.memory_space<vmem>>
    %dma_wait3A_165 = tpu.memref_squeeze %dma_wait3A_164 : memref<1x128x64xf32, #tpu.memory_space<vmem>> -> memref<128x64xf32, #tpu.memory_space<vmem>>
    %dma_wait3A_166 = arith.constant 0 : i32
    %dma_wait3A_167 = tpu.memref_slice %arg4[%add3A_143, %dma_wait3A_166] : memref<16384x256xf32, #tpu.memory_space<hbm>> -> memref<128x64xf32, #tpu.memory_space<hbm>>
    %dma_wait3A_168 = tpu.memref_slice %arg8[%dma_wait3A_161] : memref<4x!tpu.dma_semaphore, #tpu.memory_space<semaphore_mem>> -> memref<1x!tpu.dma_semaphore, #tpu.memory_space<semaphore_mem>>
    %dma_wait3A_169 = tpu.memref_squeeze %dma_wait3A_168 : memref<1x!tpu.dma_semaphore, #tpu.memory_space<semaphore_mem>> -> memref<!tpu.dma_semaphore, #tpu.memory_space<semaphore_mem>>
    %dma_wait3A_170 = arith.constant 0 : i32
    %dma_wait3A_171 = tpu.memref_slice %arg4[%add3A_143, %dma_wait3A_170] : memref<16384x256xf32, #tpu.memory_space<hbm>> -> memref<128x64xf32, #tpu.memory_space<hbm>>
    %dma_wait3A_172 = arith.constant 0 : i32
    %dma_wait3A_173 = arith.constant 0 : i32
    %dma_wait3A_174 = tpu.memref_slice %arg6[%dma_wait3A_160, %dma_wait3A_172, %dma_wait3A_173] : memref<4x128x64xf32, #tpu.memory_space<vmem>> -> memref<1x128x64xf32, #tpu.memory_space<vmem>>
    %dma_wait3A_175 = tpu.memref_squeeze %dma_wait3A_174 : memref<1x128x64xf32, #tpu.memory_space<vmem>> -> memref<128x64xf32, #tpu.memory_space<vmem>>
    tpu.wait_dma2 semaphore(%dma_wait3A_169 : memref<!tpu.dma_semaphore, #tpu.memory_space<semaphore_mem>>) src(%dma_wait3A_175 : memref<128x64xf32, #tpu.memory_space<vmem>>) dst(%dma_wait3A_171 : memref<128x64xf32, #tpu.memory_space<hbm>>)
    %dma_start3A_176 = arith.constant 5 : i32
    %dma_start3A_177 = arith.constant 1 : i32
    %dma_start3A_178 = arith.constant 1 : i32
    %dma_start3A_179 = arith.constant 0 : i32
    %dma_start3A_180 = arith.constant 0 : i32
    %dma_start3A_181 = tpu.memref_slice %arg6[%dma_start3A_177, %dma_start3A_179, %dma_start3A_180] : memref<4x128x64xf32, #tpu.memory_space<vmem>> -> memref<1x128x64xf32, #tpu.memory_space<vmem>>
    %dma_start3A_182 = tpu.memref_squeeze %dma_start3A_181 : memref<1x128x64xf32, #tpu.memory_space<vmem>> -> memref<128x64xf32, #tpu.memory_space<vmem>>
    %dma_start3A_183 = arith.constant 0 : i32
    %dma_start3A_184 = tpu.memref_slice %arg5[%dma_start3A_176, %dma_start3A_183] : memref<16x128xi32, #tpu.memory_space<vmem>> -> memref<1x128xi32, #tpu.memory_space<vmem>>
    %dma_start3A_185 = tpu.memref_squeeze %dma_start3A_184 : memref<1x128xi32, #tpu.memory_space<vmem>> -> memref<128xi32, #tpu.memory_space<vmem>>
    %dma_start3A_186 = arith.constant 0 : i32
    %dma_start3A_187 = arith.constant 0 : i32
    %dma_start3A_188 = tpu.memref_slice %arg2[%dma_start3A_186, %dma_start3A_187] : memref<4096x64xf32, #tpu.memory_space<hbm>> -> memref<4096x64xf32, #tpu.memory_space<hbm>>
    %dma_start3A_189 = tpu.memref_slice %arg7[%dma_start3A_178] : memref<4x!tpu.dma_semaphore, #tpu.memory_space<semaphore_mem>> -> memref<1x!tpu.dma_semaphore, #tpu.memory_space<semaphore_mem>>
    %dma_start3A_190 = tpu.memref_squeeze %dma_start3A_189 : memref<1x!tpu.dma_semaphore, #tpu.memory_space<semaphore_mem>> -> memref<!tpu.dma_semaphore, #tpu.memory_space<semaphore_mem>>
    tpu.enqueue_indirect_dma source(%dma_start3A_188 : memref<4096x64xf32, #tpu.memory_space<hbm>>) target(%dma_start3A_182 : memref<128x64xf32, #tpu.memory_space<vmem>>) offsets(%dma_start3A_185 : memref<128xi32, #tpu.memory_space<vmem>>) semaphore(%dma_start3A_190 : memref<!tpu.dma_semaphore, #tpu.memory_space<semaphore_mem>>)
    %dma_wait3A_191 = arith.constant 2 : i32
    %dma_wait3A_192 = arith.constant 2 : i32
    %dma_wait3A_193 = arith.constant 2 : i32
    %dma_wait3A_194 = arith.constant 0 : i32
    %dma_wait3A_195 = arith.constant 0 : i32
    %dma_wait3A_196 = tpu.memref_slice %arg6[%dma_wait3A_192, %dma_wait3A_194, %dma_wait3A_195] : memref<4x128x64xf32, #tpu.memory_space<vmem>> -> memref<1x128x64xf32, #tpu.memory_space<vmem>>
    %dma_wait3A_197 = tpu.memref_squeeze %dma_wait3A_196 : memref<1x128x64xf32, #tpu.memory_space<vmem>> -> memref<128x64xf32, #tpu.memory_space<vmem>>
    %dma_wait3A_198 = arith.constant 0 : i32
    %dma_wait3A_199 = tpu.memref_slice %arg5[%dma_wait3A_191, %dma_wait3A_198] : memref<16x128xi32, #tpu.memory_space<vmem>> -> memref<1x128xi32, #tpu.memory_space<vmem>>
    %dma_wait3A_200 = tpu.memref_squeeze %dma_wait3A_199 : memref<1x128xi32, #tpu.memory_space<vmem>> -> memref<128xi32, #tpu.memory_space<vmem>>
    %dma_wait3A_201 = arith.constant 0 : i32
    %dma_wait3A_202 = arith.constant 0 : i32
    %dma_wait3A_203 = tpu.memref_slice %arg2[%dma_wait3A_201, %dma_wait3A_202] : memref<4096x64xf32, #tpu.memory_space<hbm>> -> memref<4096x64xf32, #tpu.memory_space<hbm>>
    %dma_wait3A_204 = tpu.memref_slice %arg7[%dma_wait3A_193] : memref<4x!tpu.dma_semaphore, #tpu.memory_space<semaphore_mem>> -> memref<1x!tpu.dma_semaphore, #tpu.memory_space<semaphore_mem>>
    %dma_wait3A_205 = tpu.memref_squeeze %dma_wait3A_204 : memref<1x!tpu.dma_semaphore, #tpu.memory_space<semaphore_mem>> -> memref<!tpu.dma_semaphore, #tpu.memory_space<semaphore_mem>>
    tpu.wait_indirect_dma semaphore(%dma_wait3A_205 : memref<!tpu.dma_semaphore, #tpu.memory_space<semaphore_mem>>) src(%dma_wait3A_203 : memref<4096x64xf32, #tpu.memory_space<hbm>>) dst(%dma_wait3A_197 : memref<128x64xf32, #tpu.memory_space<vmem>>)
    %mul3A_206 = arith.constant 512 : i32
    %mul3A_207 = arith.muli %add3A, %mul3A_206 : i32
    %add3A_208 = arith.constant 256 : i32
    %add3A_209 = arith.addi %mul3A_207, %add3A_208 : i32
    %dma_start3A_210 = arith.constant 2 : i32
    %dma_start3A_211 = arith.constant 2 : i32
    %dma_start3A_212 = arith.constant 0 : i32
    %dma_start3A_213 = arith.constant 0 : i32
    %dma_start3A_214 = tpu.memref_slice %arg6[%dma_start3A_210, %dma_start3A_212, %dma_start3A_213] : memref<4x128x64xf32, #tpu.memory_space<vmem>> -> memref<1x128x64xf32, #tpu.memory_space<vmem>>
    %dma_start3A_215 = tpu.memref_squeeze %dma_start3A_214 : memref<1x128x64xf32, #tpu.memory_space<vmem>> -> memref<128x64xf32, #tpu.memory_space<vmem>>
    %dma_start3A_216 = arith.constant 0 : i32
    %dma_start3A_217 = tpu.memref_slice %arg4[%add3A_209, %dma_start3A_216] : memref<16384x256xf32, #tpu.memory_space<hbm>> -> memref<128x64xf32, #tpu.memory_space<hbm>>
    %dma_start3A_218 = tpu.memref_slice %arg8[%dma_start3A_211] : memref<4x!tpu.dma_semaphore, #tpu.memory_space<semaphore_mem>> -> memref<1x!tpu.dma_semaphore, #tpu.memory_space<semaphore_mem>>
    %dma_start3A_219 = tpu.memref_squeeze %dma_start3A_218 : memref<1x!tpu.dma_semaphore, #tpu.memory_space<semaphore_mem>> -> memref<!tpu.dma_semaphore, #tpu.memory_space<semaphore_mem>>
    %dma_start3A_220 = arith.constant 0 : i32
    %dma_start3A_221 = tpu.memref_slice %arg4[%add3A_209, %dma_start3A_220] : memref<16384x256xf32, #tpu.memory_space<hbm>> -> memref<128x64xf32, #tpu.memory_space<hbm>>
    %dma_start3A_222 = arith.constant 0 : i32
    %dma_start3A_223 = arith.constant 0 : i32
    %dma_start3A_224 = tpu.memref_slice %arg6[%dma_start3A_210, %dma_start3A_222, %dma_start3A_223] : memref<4x128x64xf32, #tpu.memory_space<vmem>> -> memref<1x128x64xf32, #tpu.memory_space<vmem>>
    %dma_start3A_225 = tpu.memref_squeeze %dma_start3A_224 : memref<1x128x64xf32, #tpu.memory_space<vmem>> -> memref<128x64xf32, #tpu.memory_space<vmem>>
    tpu.enqueue_dma source(%dma_start3A_225 : memref<128x64xf32, #tpu.memory_space<vmem>>) target(%dma_start3A_221 : memref<128x64xf32, #tpu.memory_space<hbm>>) target_semaphore(%dma_start3A_219 : memref<!tpu.dma_semaphore, #tpu.memory_space<semaphore_mem>>)
    %dma_wait3A_226 = arith.constant 2 : i32
    %dma_wait3A_227 = arith.constant 2 : i32
    %dma_wait3A_228 = arith.constant 0 : i32
    %dma_wait3A_229 = arith.constant 0 : i32
    %dma_wait3A_230 = tpu.memref_slice %arg6[%dma_wait3A_226, %dma_wait3A_228, %dma_wait3A_229] : memref<4x128x64xf32, #tpu.memory_space<vmem>> -> memref<1x128x64xf32, #tpu.memory_space<vmem>>
    %dma_wait3A_231 = tpu.memref_squeeze %dma_wait3A_230 : memref<1x128x64xf32, #tpu.memory_space<vmem>> -> memref<128x64xf32, #tpu.memory_space<vmem>>
    %dma_wait3A_232 = arith.constant 0 : i32
    %dma_wait3A_233 = tpu.memref_slice %arg4[%add3A_209, %dma_wait3A_232] : memref<16384x256xf32, #tpu.memory_space<hbm>> -> memref<128x64xf32, #tpu.memory_space<hbm>>
    %dma_wait3A_234 = tpu.memref_slice %arg8[%dma_wait3A_227] : memref<4x!tpu.dma_semaphore, #tpu.memory_space<semaphore_mem>> -> memref<1x!tpu.dma_semaphore, #tpu.memory_space<semaphore_mem>>
    %dma_wait3A_235 = tpu.memref_squeeze %dma_wait3A_234 : memref<1x!tpu.dma_semaphore, #tpu.memory_space<semaphore_mem>> -> memref<!tpu.dma_semaphore, #tpu.memory_space<semaphore_mem>>
    %dma_wait3A_236 = arith.constant 0 : i32
    %dma_wait3A_237 = tpu.memref_slice %arg4[%add3A_209, %dma_wait3A_236] : memref<16384x256xf32, #tpu.memory_space<hbm>> -> memref<128x64xf32, #tpu.memory_space<hbm>>
    %dma_wait3A_238 = arith.constant 0 : i32
    %dma_wait3A_239 = arith.constant 0 : i32
    %dma_wait3A_240 = tpu.memref_slice %arg6[%dma_wait3A_226, %dma_wait3A_238, %dma_wait3A_239] : memref<4x128x64xf32, #tpu.memory_space<vmem>> -> memref<1x128x64xf32, #tpu.memory_space<vmem>>
    %dma_wait3A_241 = tpu.memref_squeeze %dma_wait3A_240 : memref<1x128x64xf32, #tpu.memory_space<vmem>> -> memref<128x64xf32, #tpu.memory_space<vmem>>
    tpu.wait_dma2 semaphore(%dma_wait3A_235 : memref<!tpu.dma_semaphore, #tpu.memory_space<semaphore_mem>>) src(%dma_wait3A_241 : memref<128x64xf32, #tpu.memory_space<vmem>>) dst(%dma_wait3A_237 : memref<128x64xf32, #tpu.memory_space<hbm>>)
    %dma_start3A_242 = arith.constant 6 : i32
    %dma_start3A_243 = arith.constant 2 : i32
    %dma_start3A_244 = arith.constant 2 : i32
    %dma_start3A_245 = arith.constant 0 : i32
    %dma_start3A_246 = arith.constant 0 : i32
    %dma_start3A_247 = tpu.memref_slice %arg6[%dma_start3A_243, %dma_start3A_245, %dma_start3A_246] : memref<4x128x64xf32, #tpu.memory_space<vmem>> -> memref<1x128x64xf32, #tpu.memory_space<vmem>>
    %dma_start3A_248 = tpu.memref_squeeze %dma_start3A_247 : memref<1x128x64xf32, #tpu.memory_space<vmem>> -> memref<128x64xf32, #tpu.memory_space<vmem>>
    %dma_start3A_249 = arith.constant 0 : i32
    %dma_start3A_250 = tpu.memref_slice %arg5[%dma_start3A_242, %dma_start3A_249] : memref<16x128xi32, #tpu.memory_space<vmem>> -> memref<1x128xi32, #tpu.memory_space<vmem>>
    %dma_start3A_251 = tpu.memref_squeeze %dma_start3A_250 : memref<1x128xi32, #tpu.memory_space<vmem>> -> memref<128xi32, #tpu.memory_space<vmem>>
    %dma_start3A_252 = arith.constant 0 : i32
    %dma_start3A_253 = arith.constant 0 : i32
    %dma_start3A_254 = tpu.memref_slice %arg2[%dma_start3A_252, %dma_start3A_253] : memref<4096x64xf32, #tpu.memory_space<hbm>> -> memref<4096x64xf32, #tpu.memory_space<hbm>>
    %dma_start3A_255 = tpu.memref_slice %arg7[%dma_start3A_244] : memref<4x!tpu.dma_semaphore, #tpu.memory_space<semaphore_mem>> -> memref<1x!tpu.dma_semaphore, #tpu.memory_space<semaphore_mem>>
    %dma_start3A_256 = tpu.memref_squeeze %dma_start3A_255 : memref<1x!tpu.dma_semaphore, #tpu.memory_space<semaphore_mem>> -> memref<!tpu.dma_semaphore, #tpu.memory_space<semaphore_mem>>
    tpu.enqueue_indirect_dma source(%dma_start3A_254 : memref<4096x64xf32, #tpu.memory_space<hbm>>) target(%dma_start3A_248 : memref<128x64xf32, #tpu.memory_space<vmem>>) offsets(%dma_start3A_251 : memref<128xi32, #tpu.memory_space<vmem>>) semaphore(%dma_start3A_256 : memref<!tpu.dma_semaphore, #tpu.memory_space<semaphore_mem>>)
    %dma_wait3A_257 = arith.constant 3 : i32
    %dma_wait3A_258 = arith.constant 3 : i32
    %dma_wait3A_259 = arith.constant 3 : i32
    %dma_wait3A_260 = arith.constant 0 : i32
    %dma_wait3A_261 = arith.constant 0 : i32
    %dma_wait3A_262 = tpu.memref_slice %arg6[%dma_wait3A_258, %dma_wait3A_260, %dma_wait3A_261] : memref<4x128x64xf32, #tpu.memory_space<vmem>> -> memref<1x128x64xf32, #tpu.memory_space<vmem>>
    %dma_wait3A_263 = tpu.memref_squeeze %dma_wait3A_262 : memref<1x128x64xf32, #tpu.memory_space<vmem>> -> memref<128x64xf32, #tpu.memory_space<vmem>>
    %dma_wait3A_264 = arith.constant 0 : i32
    %dma_wait3A_265 = tpu.memref_slice %arg5[%dma_wait3A_257, %dma_wait3A_264] : memref<16x128xi32, #tpu.memory_space<vmem>> -> memref<1x128xi32, #tpu.memory_space<vmem>>
    %dma_wait3A_266 = tpu.memref_squeeze %dma_wait3A_265 : memref<1x128xi32, #tpu.memory_space<vmem>> -> memref<128xi32, #tpu.memory_space<vmem>>
    %dma_wait3A_267 = arith.constant 0 : i32
    %dma_wait3A_268 = arith.constant 0 : i32
    %dma_wait3A_269 = tpu.memref_slice %arg2[%dma_wait3A_267, %dma_wait3A_268] : memref<4096x64xf32, #tpu.memory_space<hbm>> -> memref<4096x64xf32, #tpu.memory_space<hbm>>
    %dma_wait3A_270 = tpu.memref_slice %arg7[%dma_wait3A_259] : memref<4x!tpu.dma_semaphore, #tpu.memory_space<semaphore_mem>> -> memref<1x!tpu.dma_semaphore, #tpu.memory_space<semaphore_mem>>
    %dma_wait3A_271 = tpu.memref_squeeze %dma_wait3A_270 : memref<1x!tpu.dma_semaphore, #tpu.memory_space<semaphore_mem>> -> memref<!tpu.dma_semaphore, #tpu.memory_space<semaphore_mem>>
    tpu.wait_indirect_dma semaphore(%dma_wait3A_271 : memref<!tpu.dma_semaphore, #tpu.memory_space<semaphore_mem>>) src(%dma_wait3A_269 : memref<4096x64xf32, #tpu.memory_space<hbm>>) dst(%dma_wait3A_263 : memref<128x64xf32, #tpu.memory_space<vmem>>)
    %mul3A_272 = arith.constant 512 : i32
    %mul3A_273 = arith.muli %add3A, %mul3A_272 : i32
    %add3A_274 = arith.constant 384 : i32
    %add3A_275 = arith.addi %mul3A_273, %add3A_274 : i32
    %dma_start3A_276 = arith.constant 3 : i32
    %dma_start3A_277 = arith.constant 3 : i32
    %dma_start3A_278 = arith.constant 0 : i32
    %dma_start3A_279 = arith.constant 0 : i32
    %dma_start3A_280 = tpu.memref_slice %arg6[%dma_start3A_276, %dma_start3A_278, %dma_start3A_279] : memref<4x128x64xf32, #tpu.memory_space<vmem>> -> memref<1x128x64xf32, #tpu.memory_space<vmem>>
    %dma_start3A_281 = tpu.memref_squeeze %dma_start3A_280 : memref<1x128x64xf32, #tpu.memory_space<vmem>> -> memref<128x64xf32, #tpu.memory_space<vmem>>
    %dma_start3A_282 = arith.constant 0 : i32
    %dma_start3A_283 = tpu.memref_slice %arg4[%add3A_275, %dma_start3A_282] : memref<16384x256xf32, #tpu.memory_space<hbm>> -> memref<128x64xf32, #tpu.memory_space<hbm>>
    %dma_start3A_284 = tpu.memref_slice %arg8[%dma_start3A_277] : memref<4x!tpu.dma_semaphore, #tpu.memory_space<semaphore_mem>> -> memref<1x!tpu.dma_semaphore, #tpu.memory_space<semaphore_mem>>
    %dma_start3A_285 = tpu.memref_squeeze %dma_start3A_284 : memref<1x!tpu.dma_semaphore, #tpu.memory_space<semaphore_mem>> -> memref<!tpu.dma_semaphore, #tpu.memory_space<semaphore_mem>>
    %dma_start3A_286 = arith.constant 0 : i32
    %dma_start3A_287 = tpu.memref_slice %arg4[%add3A_275, %dma_start3A_286] : memref<16384x256xf32, #tpu.memory_space<hbm>> -> memref<128x64xf32, #tpu.memory_space<hbm>>
    %dma_start3A_288 = arith.constant 0 : i32
    %dma_start3A_289 = arith.constant 0 : i32
    %dma_start3A_290 = tpu.memref_slice %arg6[%dma_start3A_276, %dma_start3A_288, %dma_start3A_289] : memref<4x128x64xf32, #tpu.memory_space<vmem>> -> memref<1x128x64xf32, #tpu.memory_space<vmem>>
    %dma_start3A_291 = tpu.memref_squeeze %dma_start3A_290 : memref<1x128x64xf32, #tpu.memory_space<vmem>> -> memref<128x64xf32, #tpu.memory_space<vmem>>
    tpu.enqueue_dma source(%dma_start3A_291 : memref<128x64xf32, #tpu.memory_space<vmem>>) target(%dma_start3A_287 : memref<128x64xf32, #tpu.memory_space<hbm>>) target_semaphore(%dma_start3A_285 : memref<!tpu.dma_semaphore, #tpu.memory_space<semaphore_mem>>)
    %dma_wait3A_292 = arith.constant 3 : i32
    %dma_wait3A_293 = arith.constant 3 : i32
    %dma_wait3A_294 = arith.constant 0 : i32
    %dma_wait3A_295 = arith.constant 0 : i32
    %dma_wait3A_296 = tpu.memref_slice %arg6[%dma_wait3A_292, %dma_wait3A_294, %dma_wait3A_295] : memref<4x128x64xf32, #tpu.memory_space<vmem>> -> memref<1x128x64xf32, #tpu.memory_space<vmem>>
    %dma_wait3A_297 = tpu.memref_squeeze %dma_wait3A_296 : memref<1x128x64xf32, #tpu.memory_space<vmem>> -> memref<128x64xf32, #tpu.memory_space<vmem>>
    %dma_wait3A_298 = arith.constant 0 : i32
    %dma_wait3A_299 = tpu.memref_slice %arg4[%add3A_275, %dma_wait3A_298] : memref<16384x256xf32, #tpu.memory_space<hbm>> -> memref<128x64xf32, #tpu.memory_space<hbm>>
    %dma_wait3A_300 = tpu.memref_slice %arg8[%dma_wait3A_293] : memref<4x!tpu.dma_semaphore, #tpu.memory_space<semaphore_mem>> -> memref<1x!tpu.dma_semaphore, #tpu.memory_space<semaphore_mem>>
    %dma_wait3A_301 = tpu.memref_squeeze %dma_wait3A_300 : memref<1x!tpu.dma_semaphore, #tpu.memory_space<semaphore_mem>> -> memref<!tpu.dma_semaphore, #tpu.memory_space<semaphore_mem>>
    %dma_wait3A_302 = arith.constant 0 : i32
    %dma_wait3A_303 = tpu.memref_slice %arg4[%add3A_275, %dma_wait3A_302] : memref<16384x256xf32, #tpu.memory_space<hbm>> -> memref<128x64xf32, #tpu.memory_space<hbm>>
    %dma_wait3A_304 = arith.constant 0 : i32
    %dma_wait3A_305 = arith.constant 0 : i32
    %dma_wait3A_306 = tpu.memref_slice %arg6[%dma_wait3A_292, %dma_wait3A_304, %dma_wait3A_305] : memref<4x128x64xf32, #tpu.memory_space<vmem>> -> memref<1x128x64xf32, #tpu.memory_space<vmem>>
    %dma_wait3A_307 = tpu.memref_squeeze %dma_wait3A_306 : memref<1x128x64xf32, #tpu.memory_space<vmem>> -> memref<128x64xf32, #tpu.memory_space<vmem>>
    tpu.wait_dma2 semaphore(%dma_wait3A_301 : memref<!tpu.dma_semaphore, #tpu.memory_space<semaphore_mem>>) src(%dma_wait3A_307 : memref<128x64xf32, #tpu.memory_space<vmem>>) dst(%dma_wait3A_303 : memref<128x64xf32, #tpu.memory_space<hbm>>)
    %dma_start3A_308 = arith.constant 7 : i32
    %dma_start3A_309 = arith.constant 3 : i32
    %dma_start3A_310 = arith.constant 3 : i32
    %dma_start3A_311 = arith.constant 0 : i32
    %dma_start3A_312 = arith.constant 0 : i32
    %dma_start3A_313 = tpu.memref_slice %arg6[%dma_start3A_309, %dma_start3A_311, %dma_start3A_312] : memref<4x128x64xf32, #tpu.memory_space<vmem>> -> memref<1x128x64xf32, #tpu.memory_space<vmem>>
    %dma_start3A_314 = tpu.memref_squeeze %dma_start3A_313 : memref<1x128x64xf32, #tpu.memory_space<vmem>> -> memref<128x64xf32, #tpu.memory_space<vmem>>
    %dma_start3A_315 = arith.constant 0 : i32
    %dma_start3A_316 = tpu.memref_slice %arg5[%dma_start3A_308, %dma_start3A_315] : memref<16x128xi32, #tpu.memory_space<vmem>> -> memref<1x128xi32, #tpu.memory_space<vmem>>
    %dma_start3A_317 = tpu.memref_squeeze %dma_start3A_316 : memref<1x128xi32, #tpu.memory_space<vmem>> -> memref<128xi32, #tpu.memory_space<vmem>>
    %dma_start3A_318 = arith.constant 0 : i32
    %dma_start3A_319 = arith.constant 0 : i32
    %dma_start3A_320 = tpu.memref_slice %arg2[%dma_start3A_318, %dma_start3A_319] : memref<4096x64xf32, #tpu.memory_space<hbm>> -> memref<4096x64xf32, #tpu.memory_space<hbm>>
    %dma_start3A_321 = tpu.memref_slice %arg7[%dma_start3A_310] : memref<4x!tpu.dma_semaphore, #tpu.memory_space<semaphore_mem>> -> memref<1x!tpu.dma_semaphore, #tpu.memory_space<semaphore_mem>>
    %dma_start3A_322 = tpu.memref_squeeze %dma_start3A_321 : memref<1x!tpu.dma_semaphore, #tpu.memory_space<semaphore_mem>> -> memref<!tpu.dma_semaphore, #tpu.memory_space<semaphore_mem>>
    tpu.enqueue_indirect_dma source(%dma_start3A_320 : memref<4096x64xf32, #tpu.memory_space<hbm>>) target(%dma_start3A_314 : memref<128x64xf32, #tpu.memory_space<vmem>>) offsets(%dma_start3A_317 : memref<128xi32, #tpu.memory_space<vmem>>) semaphore(%dma_start3A_322 : memref<!tpu.dma_semaphore, #tpu.memory_space<semaphore_mem>>)
    %dma_wait3A_323 = arith.constant 4 : i32
    %dma_wait3A_324 = arith.constant 0 : i32
    %dma_wait3A_325 = arith.constant 0 : i32
    %dma_wait3A_326 = arith.constant 0 : i32
    %dma_wait3A_327 = arith.constant 0 : i32
    %dma_wait3A_328 = tpu.memref_slice %arg6[%dma_wait3A_324, %dma_wait3A_326, %dma_wait3A_327] : memref<4x128x64xf32, #tpu.memory_space<vmem>> -> memref<1x128x64xf32, #tpu.memory_space<vmem>>
    %dma_wait3A_329 = tpu.memref_squeeze %dma_wait3A_328 : memref<1x128x64xf32, #tpu.memory_space<vmem>> -> memref<128x64xf32, #tpu.memory_space<vmem>>
    %dma_wait3A_330 = arith.constant 0 : i32
    %dma_wait3A_331 = tpu.memref_slice %arg5[%dma_wait3A_323, %dma_wait3A_330] : memref<16x128xi32, #tpu.memory_space<vmem>> -> memref<1x128xi32, #tpu.memory_space<vmem>>
    %dma_wait3A_332 = tpu.memref_squeeze %dma_wait3A_331 : memref<1x128xi32, #tpu.memory_space<vmem>> -> memref<128xi32, #tpu.memory_space<vmem>>
    %dma_wait3A_333 = arith.constant 0 : i32
    %dma_wait3A_334 = arith.constant 0 : i32
    %dma_wait3A_335 = tpu.memref_slice %arg2[%dma_wait3A_333, %dma_wait3A_334] : memref<4096x64xf32, #tpu.memory_space<hbm>> -> memref<4096x64xf32, #tpu.memory_space<hbm>>
    %dma_wait3A_336 = tpu.memref_slice %arg7[%dma_wait3A_325] : memref<4x!tpu.dma_semaphore, #tpu.memory_space<semaphore_mem>> -> memref<1x!tpu.dma_semaphore, #tpu.memory_space<semaphore_mem>>
    %dma_wait3A_337 = tpu.memref_squeeze %dma_wait3A_336 : memref<1x!tpu.dma_semaphore, #tpu.memory_space<semaphore_mem>> -> memref<!tpu.dma_semaphore, #tpu.memory_space<semaphore_mem>>
    tpu.wait_indirect_dma semaphore(%dma_wait3A_337 : memref<!tpu.dma_semaphore, #tpu.memory_space<semaphore_mem>>) src(%dma_wait3A_335 : memref<4096x64xf32, #tpu.memory_space<hbm>>) dst(%dma_wait3A_329 : memref<128x64xf32, #tpu.memory_space<vmem>>)
    %mul3A_338 = arith.constant 512 : i32
    %mul3A_339 = arith.muli %add3A, %mul3A_338 : i32
    %add3A_340 = arith.constant 0 : i32
    %add3A_341 = arith.addi %mul3A_339, %add3A_340 : i32
    %dma_start3A_342 = arith.constant 0 : i32
    %dma_start3A_343 = arith.constant 0 : i32
    %dma_start3A_344 = arith.constant 0 : i32
    %dma_start3A_345 = arith.constant 0 : i32
    %dma_start3A_346 = tpu.memref_slice %arg6[%dma_start3A_342, %dma_start3A_344, %dma_start3A_345] : memref<4x128x64xf32, #tpu.memory_space<vmem>> -> memref<1x128x64xf32, #tpu.memory_space<vmem>>
    %dma_start3A_347 = tpu.memref_squeeze %dma_start3A_346 : memref<1x128x64xf32, #tpu.memory_space<vmem>> -> memref<128x64xf32, #tpu.memory_space<vmem>>
    %dma_start3A_348 = arith.constant 64 : i32
    %dma_start3A_349 = tpu.memref_slice %arg4[%add3A_341, %dma_start3A_348] : memref<16384x256xf32, #tpu.memory_space<hbm>> -> memref<128x64xf32, #tpu.memory_space<hbm>>
    %dma_start3A_350 = tpu.memref_slice %arg8[%dma_start3A_343] : memref<4x!tpu.dma_semaphore, #tpu.memory_space<semaphore_mem>> -> memref<1x!tpu.dma_semaphore, #tpu.memory_space<semaphore_mem>>
    %dma_start3A_351 = tpu.memref_squeeze %dma_start3A_350 : memref<1x!tpu.dma_semaphore, #tpu.memory_space<semaphore_mem>> -> memref<!tpu.dma_semaphore, #tpu.memory_space<semaphore_mem>>
    %dma_start3A_352 = arith.constant 64 : i32
    %dma_start3A_353 = tpu.memref_slice %arg4[%add3A_341, %dma_start3A_352] : memref<16384x256xf32, #tpu.memory_space<hbm>> -> memref<128x64xf32, #tpu.memory_space<hbm>>
    %dma_start3A_354 = arith.constant 0 : i32
    %dma_start3A_355 = arith.constant 0 : i32
    %dma_start3A_356 = tpu.memref_slice %arg6[%dma_start3A_342, %dma_start3A_354, %dma_start3A_355] : memref<4x128x64xf32, #tpu.memory_space<vmem>> -> memref<1x128x64xf32, #tpu.memory_space<vmem>>
    %dma_start3A_357 = tpu.memref_squeeze %dma_start3A_356 : memref<1x128x64xf32, #tpu.memory_space<vmem>> -> memref<128x64xf32, #tpu.memory_space<vmem>>
    tpu.enqueue_dma source(%dma_start3A_357 : memref<128x64xf32, #tpu.memory_space<vmem>>) target(%dma_start3A_353 : memref<128x64xf32, #tpu.memory_space<hbm>>) target_semaphore(%dma_start3A_351 : memref<!tpu.dma_semaphore, #tpu.memory_space<semaphore_mem>>)
    %dma_wait3A_358 = arith.constant 0 : i32
    %dma_wait3A_359 = arith.constant 0 : i32
    %dma_wait3A_360 = arith.constant 0 : i32
    %dma_wait3A_361 = arith.constant 0 : i32
    %dma_wait3A_362 = tpu.memref_slice %arg6[%dma_wait3A_358, %dma_wait3A_360, %dma_wait3A_361] : memref<4x128x64xf32, #tpu.memory_space<vmem>> -> memref<1x128x64xf32, #tpu.memory_space<vmem>>
    %dma_wait3A_363 = tpu.memref_squeeze %dma_wait3A_362 : memref<1x128x64xf32, #tpu.memory_space<vmem>> -> memref<128x64xf32, #tpu.memory_space<vmem>>
    %dma_wait3A_364 = arith.constant 64 : i32
    %dma_wait3A_365 = tpu.memref_slice %arg4[%add3A_341, %dma_wait3A_364] : memref<16384x256xf32, #tpu.memory_space<hbm>> -> memref<128x64xf32, #tpu.memory_space<hbm>>
    %dma_wait3A_366 = tpu.memref_slice %arg8[%dma_wait3A_359] : memref<4x!tpu.dma_semaphore, #tpu.memory_space<semaphore_mem>> -> memref<1x!tpu.dma_semaphore, #tpu.memory_space<semaphore_mem>>
    %dma_wait3A_367 = tpu.memref_squeeze %dma_wait3A_366 : memref<1x!tpu.dma_semaphore, #tpu.memory_space<semaphore_mem>> -> memref<!tpu.dma_semaphore, #tpu.memory_space<semaphore_mem>>
    %dma_wait3A_368 = arith.constant 64 : i32
    %dma_wait3A_369 = tpu.memref_slice %arg4[%add3A_341, %dma_wait3A_368] : memref<16384x256xf32, #tpu.memory_space<hbm>> -> memref<128x64xf32, #tpu.memory_space<hbm>>
    %dma_wait3A_370 = arith.constant 0 : i32
    %dma_wait3A_371 = arith.constant 0 : i32
    %dma_wait3A_372 = tpu.memref_slice %arg6[%dma_wait3A_358, %dma_wait3A_370, %dma_wait3A_371] : memref<4x128x64xf32, #tpu.memory_space<vmem>> -> memref<1x128x64xf32, #tpu.memory_space<vmem>>
    %dma_wait3A_373 = tpu.memref_squeeze %dma_wait3A_372 : memref<1x128x64xf32, #tpu.memory_space<vmem>> -> memref<128x64xf32, #tpu.memory_space<vmem>>
    tpu.wait_dma2 semaphore(%dma_wait3A_367 : memref<!tpu.dma_semaphore, #tpu.memory_space<semaphore_mem>>) src(%dma_wait3A_373 : memref<128x64xf32, #tpu.memory_space<vmem>>) dst(%dma_wait3A_369 : memref<128x64xf32, #tpu.memory_space<hbm>>)
    %dma_start3A_374 = arith.constant 8 : i32
    %dma_start3A_375 = arith.constant 0 : i32
    %dma_start3A_376 = arith.constant 0 : i32
    %dma_start3A_377 = arith.constant 0 : i32
    %dma_start3A_378 = arith.constant 0 : i32
    %dma_start3A_379 = tpu.memref_slice %arg6[%dma_start3A_375, %dma_start3A_377, %dma_start3A_378] : memref<4x128x64xf32, #tpu.memory_space<vmem>> -> memref<1x128x64xf32, #tpu.memory_space<vmem>>
    %dma_start3A_380 = tpu.memref_squeeze %dma_start3A_379 : memref<1x128x64xf32, #tpu.memory_space<vmem>> -> memref<128x64xf32, #tpu.memory_space<vmem>>
    %dma_start3A_381 = arith.constant 0 : i32
    %dma_start3A_382 = tpu.memref_slice %arg5[%dma_start3A_374, %dma_start3A_381] : memref<16x128xi32, #tpu.memory_space<vmem>> -> memref<1x128xi32, #tpu.memory_space<vmem>>
    %dma_start3A_383 = tpu.memref_squeeze %dma_start3A_382 : memref<1x128xi32, #tpu.memory_space<vmem>> -> memref<128xi32, #tpu.memory_space<vmem>>
    %dma_start3A_384 = arith.constant 0 : i32
    %dma_start3A_385 = arith.constant 0 : i32
    %dma_start3A_386 = tpu.memref_slice %arg2[%dma_start3A_384, %dma_start3A_385] : memref<4096x64xf32, #tpu.memory_space<hbm>> -> memref<4096x64xf32, #tpu.memory_space<hbm>>
    %dma_start3A_387 = tpu.memref_slice %arg7[%dma_start3A_376] : memref<4x!tpu.dma_semaphore, #tpu.memory_space<semaphore_mem>> -> memref<1x!tpu.dma_semaphore, #tpu.memory_space<semaphore_mem>>
    %dma_start3A_388 = tpu.memref_squeeze %dma_start3A_387 : memref<1x!tpu.dma_semaphore, #tpu.memory_space<semaphore_mem>> -> memref<!tpu.dma_semaphore, #tpu.memory_space<semaphore_mem>>
    tpu.enqueue_indirect_dma source(%dma_start3A_386 : memref<4096x64xf32, #tpu.memory_space<hbm>>) target(%dma_start3A_380 : memref<128x64xf32, #tpu.memory_space<vmem>>) offsets(%dma_start3A_383 : memref<128xi32, #tpu.memory_space<vmem>>) semaphore(%dma_start3A_388 : memref<!tpu.dma_semaphore, #tpu.memory_space<semaphore_mem>>)
    %dma_wait3A_389 = arith.constant 5 : i32
    %dma_wait3A_390 = arith.constant 1 : i32
    %dma_wait3A_391 = arith.constant 1 : i32
    %dma_wait3A_392 = arith.constant 0 : i32
    %dma_wait3A_393 = arith.constant 0 : i32
    %dma_wait3A_394 = tpu.memref_slice %arg6[%dma_wait3A_390, %dma_wait3A_392, %dma_wait3A_393] : memref<4x128x64xf32, #tpu.memory_space<vmem>> -> memref<1x128x64xf32, #tpu.memory_space<vmem>>
    %dma_wait3A_395 = tpu.memref_squeeze %dma_wait3A_394 : memref<1x128x64xf32, #tpu.memory_space<vmem>> -> memref<128x64xf32, #tpu.memory_space<vmem>>
    %dma_wait3A_396 = arith.constant 0 : i32
    %dma_wait3A_397 = tpu.memref_slice %arg5[%dma_wait3A_389, %dma_wait3A_396] : memref<16x128xi32, #tpu.memory_space<vmem>> -> memref<1x128xi32, #tpu.memory_space<vmem>>
    %dma_wait3A_398 = tpu.memref_squeeze %dma_wait3A_397 : memref<1x128xi32, #tpu.memory_space<vmem>> -> memref<128xi32, #tpu.memory_space<vmem>>
    %dma_wait3A_399 = arith.constant 0 : i32
    %dma_wait3A_400 = arith.constant 0 : i32
    %dma_wait3A_401 = tpu.memref_slice %arg2[%dma_wait3A_399, %dma_wait3A_400] : memref<4096x64xf32, #tpu.memory_space<hbm>> -> memref<4096x64xf32, #tpu.memory_space<hbm>>
    %dma_wait3A_402 = tpu.memref_slice %arg7[%dma_wait3A_391] : memref<4x!tpu.dma_semaphore, #tpu.memory_space<semaphore_mem>> -> memref<1x!tpu.dma_semaphore, #tpu.memory_space<semaphore_mem>>
    %dma_wait3A_403 = tpu.memref_squeeze %dma_wait3A_402 : memref<1x!tpu.dma_semaphore, #tpu.memory_space<semaphore_mem>> -> memref<!tpu.dma_semaphore, #tpu.memory_space<semaphore_mem>>
    tpu.wait_indirect_dma semaphore(%dma_wait3A_403 : memref<!tpu.dma_semaphore, #tpu.memory_space<semaphore_mem>>) src(%dma_wait3A_401 : memref<4096x64xf32, #tpu.memory_space<hbm>>) dst(%dma_wait3A_395 : memref<128x64xf32, #tpu.memory_space<vmem>>)
    %mul3A_404 = arith.constant 512 : i32
    %mul3A_405 = arith.muli %add3A, %mul3A_404 : i32
    %add3A_406 = arith.constant 128 : i32
    %add3A_407 = arith.addi %mul3A_405, %add3A_406 : i32
    %dma_start3A_408 = arith.constant 1 : i32
    %dma_start3A_409 = arith.constant 1 : i32
    %dma_start3A_410 = arith.constant 0 : i32
    %dma_start3A_411 = arith.constant 0 : i32
    %dma_start3A_412 = tpu.memref_slice %arg6[%dma_start3A_408, %dma_start3A_410, %dma_start3A_411] : memref<4x128x64xf32, #tpu.memory_space<vmem>> -> memref<1x128x64xf32, #tpu.memory_space<vmem>>
    %dma_start3A_413 = tpu.memref_squeeze %dma_start3A_412 : memref<1x128x64xf32, #tpu.memory_space<vmem>> -> memref<128x64xf32, #tpu.memory_space<vmem>>
    %dma_start3A_414 = arith.constant 64 : i32
    %dma_start3A_415 = tpu.memref_slice %arg4[%add3A_407, %dma_start3A_414] : memref<16384x256xf32, #tpu.memory_space<hbm>> -> memref<128x64xf32, #tpu.memory_space<hbm>>
    %dma_start3A_416 = tpu.memref_slice %arg8[%dma_start3A_409] : memref<4x!tpu.dma_semaphore, #tpu.memory_space<semaphore_mem>> -> memref<1x!tpu.dma_semaphore, #tpu.memory_space<semaphore_mem>>
    %dma_start3A_417 = tpu.memref_squeeze %dma_start3A_416 : memref<1x!tpu.dma_semaphore, #tpu.memory_space<semaphore_mem>> -> memref<!tpu.dma_semaphore, #tpu.memory_space<semaphore_mem>>
    %dma_start3A_418 = arith.constant 64 : i32
    %dma_start3A_419 = tpu.memref_slice %arg4[%add3A_407, %dma_start3A_418] : memref<16384x256xf32, #tpu.memory_space<hbm>> -> memref<128x64xf32, #tpu.memory_space<hbm>>
    %dma_start3A_420 = arith.constant 0 : i32
    %dma_start3A_421 = arith.constant 0 : i32
    %dma_start3A_422 = tpu.memref_slice %arg6[%dma_start3A_408, %dma_start3A_420, %dma_start3A_421] : memref<4x128x64xf32, #tpu.memory_space<vmem>> -> memref<1x128x64xf32, #tpu.memory_space<vmem>>
    %dma_start3A_423 = tpu.memref_squeeze %dma_start3A_422 : memref<1x128x64xf32, #tpu.memory_space<vmem>> -> memref<128x64xf32, #tpu.memory_space<vmem>>
    tpu.enqueue_dma source(%dma_start3A_423 : memref<128x64xf32, #tpu.memory_space<vmem>>) target(%dma_start3A_419 : memref<128x64xf32, #tpu.memory_space<hbm>>) target_semaphore(%dma_start3A_417 : memref<!tpu.dma_semaphore, #tpu.memory_space<semaphore_mem>>)
    %dma_wait3A_424 = arith.constant 1 : i32
    %dma_wait3A_425 = arith.constant 1 : i32
    %dma_wait3A_426 = arith.constant 0 : i32
    %dma_wait3A_427 = arith.constant 0 : i32
    %dma_wait3A_428 = tpu.memref_slice %arg6[%dma_wait3A_424, %dma_wait3A_426, %dma_wait3A_427] : memref<4x128x64xf32, #tpu.memory_space<vmem>> -> memref<1x128x64xf32, #tpu.memory_space<vmem>>
    %dma_wait3A_429 = tpu.memref_squeeze %dma_wait3A_428 : memref<1x128x64xf32, #tpu.memory_space<vmem>> -> memref<128x64xf32, #tpu.memory_space<vmem>>
    %dma_wait3A_430 = arith.constant 64 : i32
    %dma_wait3A_431 = tpu.memref_slice %arg4[%add3A_407, %dma_wait3A_430] : memref<16384x256xf32, #tpu.memory_space<hbm>> -> memref<128x64xf32, #tpu.memory_space<hbm>>
    %dma_wait3A_432 = tpu.memref_slice %arg8[%dma_wait3A_425] : memref<4x!tpu.dma_semaphore, #tpu.memory_space<semaphore_mem>> -> memref<1x!tpu.dma_semaphore, #tpu.memory_space<semaphore_mem>>
    %dma_wait3A_433 = tpu.memref_squeeze %dma_wait3A_432 : memref<1x!tpu.dma_semaphore, #tpu.memory_space<semaphore_mem>> -> memref<!tpu.dma_semaphore, #tpu.memory_space<semaphore_mem>>
    %dma_wait3A_434 = arith.constant 64 : i32
    %dma_wait3A_435 = tpu.memref_slice %arg4[%add3A_407, %dma_wait3A_434] : memref<16384x256xf32, #tpu.memory_space<hbm>> -> memref<128x64xf32, #tpu.memory_space<hbm>>
    %dma_wait3A_436 = arith.constant 0 : i32
    %dma_wait3A_437 = arith.constant 0 : i32
    %dma_wait3A_438 = tpu.memref_slice %arg6[%dma_wait3A_424, %dma_wait3A_436, %dma_wait3A_437] : memref<4x128x64xf32, #tpu.memory_space<vmem>> -> memref<1x128x64xf32, #tpu.memory_space<vmem>>
    %dma_wait3A_439 = tpu.memref_squeeze %dma_wait3A_438 : memref<1x128x64xf32, #tpu.memory_space<vmem>> -> memref<128x64xf32, #tpu.memory_space<vmem>>
    tpu.wait_dma2 semaphore(%dma_wait3A_433 : memref<!tpu.dma_semaphore, #tpu.memory_space<semaphore_mem>>) src(%dma_wait3A_439 : memref<128x64xf32, #tpu.memory_space<vmem>>) dst(%dma_wait3A_435 : memref<128x64xf32, #tpu.memory_space<hbm>>)
    %dma_start3A_440 = arith.constant 9 : i32
    %dma_start3A_441 = arith.constant 1 : i32
    %dma_start3A_442 = arith.constant 1 : i32
    %dma_start3A_443 = arith.constant 0 : i32
    %dma_start3A_444 = arith.constant 0 : i32
    %dma_start3A_445 = tpu.memref_slice %arg6[%dma_start3A_441, %dma_start3A_443, %dma_start3A_444] : memref<4x128x64xf32, #tpu.memory_space<vmem>> -> memref<1x128x64xf32, #tpu.memory_space<vmem>>
    %dma_start3A_446 = tpu.memref_squeeze %dma_start3A_445 : memref<1x128x64xf32, #tpu.memory_space<vmem>> -> memref<128x64xf32, #tpu.memory_space<vmem>>
    %dma_start3A_447 = arith.constant 0 : i32
    %dma_start3A_448 = tpu.memref_slice %arg5[%dma_start3A_440, %dma_start3A_447] : memref<16x128xi32, #tpu.memory_space<vmem>> -> memref<1x128xi32, #tpu.memory_space<vmem>>
    %dma_start3A_449 = tpu.memref_squeeze %dma_start3A_448 : memref<1x128xi32, #tpu.memory_space<vmem>> -> memref<128xi32, #tpu.memory_space<vmem>>
    %dma_start3A_450 = arith.constant 0 : i32
    %dma_start3A_451 = arith.constant 0 : i32
    %dma_start3A_452 = tpu.memref_slice %arg2[%dma_start3A_450, %dma_start3A_451] : memref<4096x64xf32, #tpu.memory_space<hbm>> -> memref<4096x64xf32, #tpu.memory_space<hbm>>
    %dma_start3A_453 = tpu.memref_slice %arg7[%dma_start3A_442] : memref<4x!tpu.dma_semaphore, #tpu.memory_space<semaphore_mem>> -> memref<1x!tpu.dma_semaphore, #tpu.memory_space<semaphore_mem>>
    %dma_start3A_454 = tpu.memref_squeeze %dma_start3A_453 : memref<1x!tpu.dma_semaphore, #tpu.memory_space<semaphore_mem>> -> memref<!tpu.dma_semaphore, #tpu.memory_space<semaphore_mem>>
    tpu.enqueue_indirect_dma source(%dma_start3A_452 : memref<4096x64xf32, #tpu.memory_space<hbm>>) target(%dma_start3A_446 : memref<128x64xf32, #tpu.memory_space<vmem>>) offsets(%dma_start3A_449 : memref<128xi32, #tpu.memory_space<vmem>>) semaphore(%dma_start3A_454 : memref<!tpu.dma_semaphore, #tpu.memory_space<semaphore_mem>>)
    %dma_wait3A_455 = arith.constant 6 : i32
    %dma_wait3A_456 = arith.constant 2 : i32
    %dma_wait3A_457 = arith.constant 2 : i32
    %dma_wait3A_458 = arith.constant 0 : i32
    %dma_wait3A_459 = arith.constant 0 : i32
    %dma_wait3A_460 = tpu.memref_slice %arg6[%dma_wait3A_456, %dma_wait3A_458, %dma_wait3A_459] : memref<4x128x64xf32, #tpu.memory_space<vmem>> -> memref<1x128x64xf32, #tpu.memory_space<vmem>>
    %dma_wait3A_461 = tpu.memref_squeeze %dma_wait3A_460 : memref<1x128x64xf32, #tpu.memory_space<vmem>> -> memref<128x64xf32, #tpu.memory_space<vmem>>
    %dma_wait3A_462 = arith.constant 0 : i32
    %dma_wait3A_463 = tpu.memref_slice %arg5[%dma_wait3A_455, %dma_wait3A_462] : memref<16x128xi32, #tpu.memory_space<vmem>> -> memref<1x128xi32, #tpu.memory_space<vmem>>
    %dma_wait3A_464 = tpu.memref_squeeze %dma_wait3A_463 : memref<1x128xi32, #tpu.memory_space<vmem>> -> memref<128xi32, #tpu.memory_space<vmem>>
    %dma_wait3A_465 = arith.constant 0 : i32
    %dma_wait3A_466 = arith.constant 0 : i32
    %dma_wait3A_467 = tpu.memref_slice %arg2[%dma_wait3A_465, %dma_wait3A_466] : memref<4096x64xf32, #tpu.memory_space<hbm>> -> memref<4096x64xf32, #tpu.memory_space<hbm>>
    %dma_wait3A_468 = tpu.memref_slice %arg7[%dma_wait3A_457] : memref<4x!tpu.dma_semaphore, #tpu.memory_space<semaphore_mem>> -> memref<1x!tpu.dma_semaphore, #tpu.memory_space<semaphore_mem>>
    %dma_wait3A_469 = tpu.memref_squeeze %dma_wait3A_468 : memref<1x!tpu.dma_semaphore, #tpu.memory_space<semaphore_mem>> -> memref<!tpu.dma_semaphore, #tpu.memory_space<semaphore_mem>>
    tpu.wait_indirect_dma semaphore(%dma_wait3A_469 : memref<!tpu.dma_semaphore, #tpu.memory_space<semaphore_mem>>) src(%dma_wait3A_467 : memref<4096x64xf32, #tpu.memory_space<hbm>>) dst(%dma_wait3A_461 : memref<128x64xf32, #tpu.memory_space<vmem>>)
    %mul3A_470 = arith.constant 512 : i32
    %mul3A_471 = arith.muli %add3A, %mul3A_470 : i32
    %add3A_472 = arith.constant 256 : i32
    %add3A_473 = arith.addi %mul3A_471, %add3A_472 : i32
    %dma_start3A_474 = arith.constant 2 : i32
    %dma_start3A_475 = arith.constant 2 : i32
    %dma_start3A_476 = arith.constant 0 : i32
    %dma_start3A_477 = arith.constant 0 : i32
    %dma_start3A_478 = tpu.memref_slice %arg6[%dma_start3A_474, %dma_start3A_476, %dma_start3A_477] : memref<4x128x64xf32, #tpu.memory_space<vmem>> -> memref<1x128x64xf32, #tpu.memory_space<vmem>>
    %dma_start3A_479 = tpu.memref_squeeze %dma_start3A_478 : memref<1x128x64xf32, #tpu.memory_space<vmem>> -> memref<128x64xf32, #tpu.memory_space<vmem>>
    %dma_start3A_480 = arith.constant 64 : i32
    %dma_start3A_481 = tpu.memref_slice %arg4[%add3A_473, %dma_start3A_480] : memref<16384x256xf32, #tpu.memory_space<hbm>> -> memref<128x64xf32, #tpu.memory_space<hbm>>
    %dma_start3A_482 = tpu.memref_slice %arg8[%dma_start3A_475] : memref<4x!tpu.dma_semaphore, #tpu.memory_space<semaphore_mem>> -> memref<1x!tpu.dma_semaphore, #tpu.memory_space<semaphore_mem>>
    %dma_start3A_483 = tpu.memref_squeeze %dma_start3A_482 : memref<1x!tpu.dma_semaphore, #tpu.memory_space<semaphore_mem>> -> memref<!tpu.dma_semaphore, #tpu.memory_space<semaphore_mem>>
    %dma_start3A_484 = arith.constant 64 : i32
    %dma_start3A_485 = tpu.memref_slice %arg4[%add3A_473, %dma_start3A_484] : memref<16384x256xf32, #tpu.memory_space<hbm>> -> memref<128x64xf32, #tpu.memory_space<hbm>>
    %dma_start3A_486 = arith.constant 0 : i32
    %dma_start3A_487 = arith.constant 0 : i32
    %dma_start3A_488 = tpu.memref_slice %arg6[%dma_start3A_474, %dma_start3A_486, %dma_start3A_487] : memref<4x128x64xf32, #tpu.memory_space<vmem>> -> memref<1x128x64xf32, #tpu.memory_space<vmem>>
    %dma_start3A_489 = tpu.memref_squeeze %dma_start3A_488 : memref<1x128x64xf32, #tpu.memory_space<vmem>> -> memref<128x64xf32, #tpu.memory_space<vmem>>
    tpu.enqueue_dma source(%dma_start3A_489 : memref<128x64xf32, #tpu.memory_space<vmem>>) target(%dma_start3A_485 : memref<128x64xf32, #tpu.memory_space<hbm>>) target_semaphore(%dma_start3A_483 : memref<!tpu.dma_semaphore, #tpu.memory_space<semaphore_mem>>)
    %dma_wait3A_490 = arith.constant 2 : i32
    %dma_wait3A_491 = arith.constant 2 : i32
    %dma_wait3A_492 = arith.constant 0 : i32
    %dma_wait3A_493 = arith.constant 0 : i32
    %dma_wait3A_494 = tpu.memref_slice %arg6[%dma_wait3A_490, %dma_wait3A_492, %dma_wait3A_493] : memref<4x128x64xf32, #tpu.memory_space<vmem>> -> memref<1x128x64xf32, #tpu.memory_space<vmem>>
    %dma_wait3A_495 = tpu.memref_squeeze %dma_wait3A_494 : memref<1x128x64xf32, #tpu.memory_space<vmem>> -> memref<128x64xf32, #tpu.memory_space<vmem>>
    %dma_wait3A_496 = arith.constant 64 : i32
    %dma_wait3A_497 = tpu.memref_slice %arg4[%add3A_473, %dma_wait3A_496] : memref<16384x256xf32, #tpu.memory_space<hbm>> -> memref<128x64xf32, #tpu.memory_space<hbm>>
    %dma_wait3A_498 = tpu.memref_slice %arg8[%dma_wait3A_491] : memref<4x!tpu.dma_semaphore, #tpu.memory_space<semaphore_mem>> -> memref<1x!tpu.dma_semaphore, #tpu.memory_space<semaphore_mem>>
    %dma_wait3A_499 = tpu.memref_squeeze %dma_wait3A_498 : memref<1x!tpu.dma_semaphore, #tpu.memory_space<semaphore_mem>> -> memref<!tpu.dma_semaphore, #tpu.memory_space<semaphore_mem>>
    %dma_wait3A_500 = arith.constant 64 : i32
    %dma_wait3A_501 = tpu.memref_slice %arg4[%add3A_473, %dma_wait3A_500] : memref<16384x256xf32, #tpu.memory_space<hbm>> -> memref<128x64xf32, #tpu.memory_space<hbm>>
    %dma_wait3A_502 = arith.constant 0 : i32
    %dma_wait3A_503 = arith.constant 0 : i32
    %dma_wait3A_504 = tpu.memref_slice %arg6[%dma_wait3A_490, %dma_wait3A_502, %dma_wait3A_503] : memref<4x128x64xf32, #tpu.memory_space<vmem>> -> memref<1x128x64xf32, #tpu.memory_space<vmem>>
    %dma_wait3A_505 = tpu.memref_squeeze %dma_wait3A_504 : memref<1x128x64xf32, #tpu.memory_space<vmem>> -> memref<128x64xf32, #tpu.memory_space<vmem>>
    tpu.wait_dma2 semaphore(%dma_wait3A_499 : memref<!tpu.dma_semaphore, #tpu.memory_space<semaphore_mem>>) src(%dma_wait3A_505 : memref<128x64xf32, #tpu.memory_space<vmem>>) dst(%dma_wait3A_501 : memref<128x64xf32, #tpu.memory_space<hbm>>)
    %dma_start3A_506 = arith.constant 10 : i32
    %dma_start3A_507 = arith.constant 2 : i32
    %dma_start3A_508 = arith.constant 2 : i32
    %dma_start3A_509 = arith.constant 0 : i32
    %dma_start3A_510 = arith.constant 0 : i32
    %dma_start3A_511 = tpu.memref_slice %arg6[%dma_start3A_507, %dma_start3A_509, %dma_start3A_510] : memref<4x128x64xf32, #tpu.memory_space<vmem>> -> memref<1x128x64xf32, #tpu.memory_space<vmem>>
    %dma_start3A_512 = tpu.memref_squeeze %dma_start3A_511 : memref<1x128x64xf32, #tpu.memory_space<vmem>> -> memref<128x64xf32, #tpu.memory_space<vmem>>
    %dma_start3A_513 = arith.constant 0 : i32
    %dma_start3A_514 = tpu.memref_slice %arg5[%dma_start3A_506, %dma_start3A_513] : memref<16x128xi32, #tpu.memory_space<vmem>> -> memref<1x128xi32, #tpu.memory_space<vmem>>
    %dma_start3A_515 = tpu.memref_squeeze %dma_start3A_514 : memref<1x128xi32, #tpu.memory_space<vmem>> -> memref<128xi32, #tpu.memory_space<vmem>>
    %dma_start3A_516 = arith.constant 0 : i32
    %dma_start3A_517 = arith.constant 0 : i32
    %dma_start3A_518 = tpu.memref_slice %arg2[%dma_start3A_516, %dma_start3A_517] : memref<4096x64xf32, #tpu.memory_space<hbm>> -> memref<4096x64xf32, #tpu.memory_space<hbm>>
    %dma_start3A_519 = tpu.memref_slice %arg7[%dma_start3A_508] : memref<4x!tpu.dma_semaphore, #tpu.memory_space<semaphore_mem>> -> memref<1x!tpu.dma_semaphore, #tpu.memory_space<semaphore_mem>>
    %dma_start3A_520 = tpu.memref_squeeze %dma_start3A_519 : memref<1x!tpu.dma_semaphore, #tpu.memory_space<semaphore_mem>> -> memref<!tpu.dma_semaphore, #tpu.memory_space<semaphore_mem>>
    tpu.enqueue_indirect_dma source(%dma_start3A_518 : memref<4096x64xf32, #tpu.memory_space<hbm>>) target(%dma_start3A_512 : memref<128x64xf32, #tpu.memory_space<vmem>>) offsets(%dma_start3A_515 : memref<128xi32, #tpu.memory_space<vmem>>) semaphore(%dma_start3A_520 : memref<!tpu.dma_semaphore, #tpu.memory_space<semaphore_mem>>)
    %dma_wait3A_521 = arith.constant 7 : i32
    %dma_wait3A_522 = arith.constant 3 : i32
    %dma_wait3A_523 = arith.constant 3 : i32
    %dma_wait3A_524 = arith.constant 0 : i32
    %dma_wait3A_525 = arith.constant 0 : i32
    %dma_wait3A_526 = tpu.memref_slice %arg6[%dma_wait3A_522, %dma_wait3A_524, %dma_wait3A_525] : memref<4x128x64xf32, #tpu.memory_space<vmem>> -> memref<1x128x64xf32, #tpu.memory_space<vmem>>
    %dma_wait3A_527 = tpu.memref_squeeze %dma_wait3A_526 : memref<1x128x64xf32, #tpu.memory_space<vmem>> -> memref<128x64xf32, #tpu.memory_space<vmem>>
    %dma_wait3A_528 = arith.constant 0 : i32
    %dma_wait3A_529 = tpu.memref_slice %arg5[%dma_wait3A_521, %dma_wait3A_528] : memref<16x128xi32, #tpu.memory_space<vmem>> -> memref<1x128xi32, #tpu.memory_space<vmem>>
    %dma_wait3A_530 = tpu.memref_squeeze %dma_wait3A_529 : memref<1x128xi32, #tpu.memory_space<vmem>> -> memref<128xi32, #tpu.memory_space<vmem>>
    %dma_wait3A_531 = arith.constant 0 : i32
    %dma_wait3A_532 = arith.constant 0 : i32
    %dma_wait3A_533 = tpu.memref_slice %arg2[%dma_wait3A_531, %dma_wait3A_532] : memref<4096x64xf32, #tpu.memory_space<hbm>> -> memref<4096x64xf32, #tpu.memory_space<hbm>>
    %dma_wait3A_534 = tpu.memref_slice %arg7[%dma_wait3A_523] : memref<4x!tpu.dma_semaphore, #tpu.memory_space<semaphore_mem>> -> memref<1x!tpu.dma_semaphore, #tpu.memory_space<semaphore_mem>>
    %dma_wait3A_535 = tpu.memref_squeeze %dma_wait3A_534 : memref<1x!tpu.dma_semaphore, #tpu.memory_space<semaphore_mem>> -> memref<!tpu.dma_semaphore, #tpu.memory_space<semaphore_mem>>
    tpu.wait_indirect_dma semaphore(%dma_wait3A_535 : memref<!tpu.dma_semaphore, #tpu.memory_space<semaphore_mem>>) src(%dma_wait3A_533 : memref<4096x64xf32, #tpu.memory_space<hbm>>) dst(%dma_wait3A_527 : memref<128x64xf32, #tpu.memory_space<vmem>>)
    %mul3A_536 = arith.constant 512 : i32
    %mul3A_537 = arith.muli %add3A, %mul3A_536 : i32
    %add3A_538 = arith.constant 384 : i32
    %add3A_539 = arith.addi %mul3A_537, %add3A_538 : i32
    %dma_start3A_540 = arith.constant 3 : i32
    %dma_start3A_541 = arith.constant 3 : i32
    %dma_start3A_542 = arith.constant 0 : i32
    %dma_start3A_543 = arith.constant 0 : i32
    %dma_start3A_544 = tpu.memref_slice %arg6[%dma_start3A_540, %dma_start3A_542, %dma_start3A_543] : memref<4x128x64xf32, #tpu.memory_space<vmem>> -> memref<1x128x64xf32, #tpu.memory_space<vmem>>
    %dma_start3A_545 = tpu.memref_squeeze %dma_start3A_544 : memref<1x128x64xf32, #tpu.memory_space<vmem>> -> memref<128x64xf32, #tpu.memory_space<vmem>>
    %dma_start3A_546 = arith.constant 64 : i32
    %dma_start3A_547 = tpu.memref_slice %arg4[%add3A_539, %dma_start3A_546] : memref<16384x256xf32, #tpu.memory_space<hbm>> -> memref<128x64xf32, #tpu.memory_space<hbm>>
    %dma_start3A_548 = tpu.memref_slice %arg8[%dma_start3A_541] : memref<4x!tpu.dma_semaphore, #tpu.memory_space<semaphore_mem>> -> memref<1x!tpu.dma_semaphore, #tpu.memory_space<semaphore_mem>>
    %dma_start3A_549 = tpu.memref_squeeze %dma_start3A_548 : memref<1x!tpu.dma_semaphore, #tpu.memory_space<semaphore_mem>> -> memref<!tpu.dma_semaphore, #tpu.memory_space<semaphore_mem>>
    %dma_start3A_550 = arith.constant 64 : i32
    %dma_start3A_551 = tpu.memref_slice %arg4[%add3A_539, %dma_start3A_550] : memref<16384x256xf32, #tpu.memory_space<hbm>> -> memref<128x64xf32, #tpu.memory_space<hbm>>
    %dma_start3A_552 = arith.constant 0 : i32
    %dma_start3A_553 = arith.constant 0 : i32
    %dma_start3A_554 = tpu.memref_slice %arg6[%dma_start3A_540, %dma_start3A_552, %dma_start3A_553] : memref<4x128x64xf32, #tpu.memory_space<vmem>> -> memref<1x128x64xf32, #tpu.memory_space<vmem>>
    %dma_start3A_555 = tpu.memref_squeeze %dma_start3A_554 : memref<1x128x64xf32, #tpu.memory_space<vmem>> -> memref<128x64xf32, #tpu.memory_space<vmem>>
    tpu.enqueue_dma source(%dma_start3A_555 : memref<128x64xf32, #tpu.memory_space<vmem>>) target(%dma_start3A_551 : memref<128x64xf32, #tpu.memory_space<hbm>>) target_semaphore(%dma_start3A_549 : memref<!tpu.dma_semaphore, #tpu.memory_space<semaphore_mem>>)
    %dma_wait3A_556 = arith.constant 3 : i32
    %dma_wait3A_557 = arith.constant 3 : i32
    %dma_wait3A_558 = arith.constant 0 : i32
    %dma_wait3A_559 = arith.constant 0 : i32
    %dma_wait3A_560 = tpu.memref_slice %arg6[%dma_wait3A_556, %dma_wait3A_558, %dma_wait3A_559] : memref<4x128x64xf32, #tpu.memory_space<vmem>> -> memref<1x128x64xf32, #tpu.memory_space<vmem>>
    %dma_wait3A_561 = tpu.memref_squeeze %dma_wait3A_560 : memref<1x128x64xf32, #tpu.memory_space<vmem>> -> memref<128x64xf32, #tpu.memory_space<vmem>>
    %dma_wait3A_562 = arith.constant 64 : i32
    %dma_wait3A_563 = tpu.memref_slice %arg4[%add3A_539, %dma_wait3A_562] : memref<16384x256xf32, #tpu.memory_space<hbm>> -> memref<128x64xf32, #tpu.memory_space<hbm>>
    %dma_wait3A_564 = tpu.memref_slice %arg8[%dma_wait3A_557] : memref<4x!tpu.dma_semaphore, #tpu.memory_space<semaphore_mem>> -> memref<1x!tpu.dma_semaphore, #tpu.memory_space<semaphore_mem>>
    %dma_wait3A_565 = tpu.memref_squeeze %dma_wait3A_564 : memref<1x!tpu.dma_semaphore, #tpu.memory_space<semaphore_mem>> -> memref<!tpu.dma_semaphore, #tpu.memory_space<semaphore_mem>>
    %dma_wait3A_566 = arith.constant 64 : i32
    %dma_wait3A_567 = tpu.memref_slice %arg4[%add3A_539, %dma_wait3A_566] : memref<16384x256xf32, #tpu.memory_space<hbm>> -> memref<128x64xf32, #tpu.memory_space<hbm>>
    %dma_wait3A_568 = arith.constant 0 : i32
    %dma_wait3A_569 = arith.constant 0 : i32
    %dma_wait3A_570 = tpu.memref_slice %arg6[%dma_wait3A_556, %dma_wait3A_568, %dma_wait3A_569] : memref<4x128x64xf32, #tpu.memory_space<vmem>> -> memref<1x128x64xf32, #tpu.memory_space<vmem>>
    %dma_wait3A_571 = tpu.memref_squeeze %dma_wait3A_570 : memref<1x128x64xf32, #tpu.memory_space<vmem>> -> memref<128x64xf32, #tpu.memory_space<vmem>>
    tpu.wait_dma2 semaphore(%dma_wait3A_565 : memref<!tpu.dma_semaphore, #tpu.memory_space<semaphore_mem>>) src(%dma_wait3A_571 : memref<128x64xf32, #tpu.memory_space<vmem>>) dst(%dma_wait3A_567 : memref<128x64xf32, #tpu.memory_space<hbm>>)
    %dma_start3A_572 = arith.constant 11 : i32
    %dma_start3A_573 = arith.constant 3 : i32
    %dma_start3A_574 = arith.constant 3 : i32
    %dma_start3A_575 = arith.constant 0 : i32
    %dma_start3A_576 = arith.constant 0 : i32
    %dma_start3A_577 = tpu.memref_slice %arg6[%dma_start3A_573, %dma_start3A_575, %dma_start3A_576] : memref<4x128x64xf32, #tpu.memory_space<vmem>> -> memref<1x128x64xf32, #tpu.memory_space<vmem>>
    %dma_start3A_578 = tpu.memref_squeeze %dma_start3A_577 : memref<1x128x64xf32, #tpu.memory_space<vmem>> -> memref<128x64xf32, #tpu.memory_space<vmem>>
    %dma_start3A_579 = arith.constant 0 : i32
    %dma_start3A_580 = tpu.memref_slice %arg5[%dma_start3A_572, %dma_start3A_579] : memref<16x128xi32, #tpu.memory_space<vmem>> -> memref<1x128xi32, #tpu.memory_space<vmem>>
    %dma_start3A_581 = tpu.memref_squeeze %dma_start3A_580 : memref<1x128xi32, #tpu.memory_space<vmem>> -> memref<128xi32, #tpu.memory_space<vmem>>
    %dma_start3A_582 = arith.constant 0 : i32
    %dma_start3A_583 = arith.constant 0 : i32
    %dma_start3A_584 = tpu.memref_slice %arg2[%dma_start3A_582, %dma_start3A_583] : memref<4096x64xf32, #tpu.memory_space<hbm>> -> memref<4096x64xf32, #tpu.memory_space<hbm>>
    %dma_start3A_585 = tpu.memref_slice %arg7[%dma_start3A_574] : memref<4x!tpu.dma_semaphore, #tpu.memory_space<semaphore_mem>> -> memref<1x!tpu.dma_semaphore, #tpu.memory_space<semaphore_mem>>
    %dma_start3A_586 = tpu.memref_squeeze %dma_start3A_585 : memref<1x!tpu.dma_semaphore, #tpu.memory_space<semaphore_mem>> -> memref<!tpu.dma_semaphore, #tpu.memory_space<semaphore_mem>>
    tpu.enqueue_indirect_dma source(%dma_start3A_584 : memref<4096x64xf32, #tpu.memory_space<hbm>>) target(%dma_start3A_578 : memref<128x64xf32, #tpu.memory_space<vmem>>) offsets(%dma_start3A_581 : memref<128xi32, #tpu.memory_space<vmem>>) semaphore(%dma_start3A_586 : memref<!tpu.dma_semaphore, #tpu.memory_space<semaphore_mem>>)
    %dma_wait3A_587 = arith.constant 8 : i32
    %dma_wait3A_588 = arith.constant 0 : i32
    %dma_wait3A_589 = arith.constant 0 : i32
    %dma_wait3A_590 = arith.constant 0 : i32
    %dma_wait3A_591 = arith.constant 0 : i32
    %dma_wait3A_592 = tpu.memref_slice %arg6[%dma_wait3A_588, %dma_wait3A_590, %dma_wait3A_591] : memref<4x128x64xf32, #tpu.memory_space<vmem>> -> memref<1x128x64xf32, #tpu.memory_space<vmem>>
    %dma_wait3A_593 = tpu.memref_squeeze %dma_wait3A_592 : memref<1x128x64xf32, #tpu.memory_space<vmem>> -> memref<128x64xf32, #tpu.memory_space<vmem>>
    %dma_wait3A_594 = arith.constant 0 : i32
    %dma_wait3A_595 = tpu.memref_slice %arg5[%dma_wait3A_587, %dma_wait3A_594] : memref<16x128xi32, #tpu.memory_space<vmem>> -> memref<1x128xi32, #tpu.memory_space<vmem>>
    %dma_wait3A_596 = tpu.memref_squeeze %dma_wait3A_595 : memref<1x128xi32, #tpu.memory_space<vmem>> -> memref<128xi32, #tpu.memory_space<vmem>>
    %dma_wait3A_597 = arith.constant 0 : i32
    %dma_wait3A_598 = arith.constant 0 : i32
    %dma_wait3A_599 = tpu.memref_slice %arg2[%dma_wait3A_597, %dma_wait3A_598] : memref<4096x64xf32, #tpu.memory_space<hbm>> -> memref<4096x64xf32, #tpu.memory_space<hbm>>
    %dma_wait3A_600 = tpu.memref_slice %arg7[%dma_wait3A_589] : memref<4x!tpu.dma_semaphore, #tpu.memory_space<semaphore_mem>> -> memref<1x!tpu.dma_semaphore, #tpu.memory_space<semaphore_mem>>
    %dma_wait3A_601 = tpu.memref_squeeze %dma_wait3A_600 : memref<1x!tpu.dma_semaphore, #tpu.memory_space<semaphore_mem>> -> memref<!tpu.dma_semaphore, #tpu.memory_space<semaphore_mem>>
    tpu.wait_indirect_dma semaphore(%dma_wait3A_601 : memref<!tpu.dma_semaphore, #tpu.memory_space<semaphore_mem>>) src(%dma_wait3A_599 : memref<4096x64xf32, #tpu.memory_space<hbm>>) dst(%dma_wait3A_593 : memref<128x64xf32, #tpu.memory_space<vmem>>)
    %mul3A_602 = arith.constant 512 : i32
    %mul3A_603 = arith.muli %add3A, %mul3A_602 : i32
    %add3A_604 = arith.constant 0 : i32
    %add3A_605 = arith.addi %mul3A_603, %add3A_604 : i32
    %dma_start3A_606 = arith.constant 0 : i32
    %dma_start3A_607 = arith.constant 0 : i32
    %dma_start3A_608 = arith.constant 0 : i32
    %dma_start3A_609 = arith.constant 0 : i32
    %dma_start3A_610 = tpu.memref_slice %arg6[%dma_start3A_606, %dma_start3A_608, %dma_start3A_609] : memref<4x128x64xf32, #tpu.memory_space<vmem>> -> memref<1x128x64xf32, #tpu.memory_space<vmem>>
    %dma_start3A_611 = tpu.memref_squeeze %dma_start3A_610 : memref<1x128x64xf32, #tpu.memory_space<vmem>> -> memref<128x64xf32, #tpu.memory_space<vmem>>
    %dma_start3A_612 = arith.constant 128 : i32
    %dma_start3A_613 = tpu.memref_slice %arg4[%add3A_605, %dma_start3A_612] : memref<16384x256xf32, #tpu.memory_space<hbm>> -> memref<128x64xf32, #tpu.memory_space<hbm>>
    %dma_start3A_614 = tpu.memref_slice %arg8[%dma_start3A_607] : memref<4x!tpu.dma_semaphore, #tpu.memory_space<semaphore_mem>> -> memref<1x!tpu.dma_semaphore, #tpu.memory_space<semaphore_mem>>
    %dma_start3A_615 = tpu.memref_squeeze %dma_start3A_614 : memref<1x!tpu.dma_semaphore, #tpu.memory_space<semaphore_mem>> -> memref<!tpu.dma_semaphore, #tpu.memory_space<semaphore_mem>>
    %dma_start3A_616 = arith.constant 128 : i32
    %dma_start3A_617 = tpu.memref_slice %arg4[%add3A_605, %dma_start3A_616] : memref<16384x256xf32, #tpu.memory_space<hbm>> -> memref<128x64xf32, #tpu.memory_space<hbm>>
    %dma_start3A_618 = arith.constant 0 : i32
    %dma_start3A_619 = arith.constant 0 : i32
    %dma_start3A_620 = tpu.memref_slice %arg6[%dma_start3A_606, %dma_start3A_618, %dma_start3A_619] : memref<4x128x64xf32, #tpu.memory_space<vmem>> -> memref<1x128x64xf32, #tpu.memory_space<vmem>>
    %dma_start3A_621 = tpu.memref_squeeze %dma_start3A_620 : memref<1x128x64xf32, #tpu.memory_space<vmem>> -> memref<128x64xf32, #tpu.memory_space<vmem>>
    tpu.enqueue_dma source(%dma_start3A_621 : memref<128x64xf32, #tpu.memory_space<vmem>>) target(%dma_start3A_617 : memref<128x64xf32, #tpu.memory_space<hbm>>) target_semaphore(%dma_start3A_615 : memref<!tpu.dma_semaphore, #tpu.memory_space<semaphore_mem>>)
    %dma_wait3A_622 = arith.constant 0 : i32
    %dma_wait3A_623 = arith.constant 0 : i32
    %dma_wait3A_624 = arith.constant 0 : i32
    %dma_wait3A_625 = arith.constant 0 : i32
    %dma_wait3A_626 = tpu.memref_slice %arg6[%dma_wait3A_622, %dma_wait3A_624, %dma_wait3A_625] : memref<4x128x64xf32, #tpu.memory_space<vmem>> -> memref<1x128x64xf32, #tpu.memory_space<vmem>>
    %dma_wait3A_627 = tpu.memref_squeeze %dma_wait3A_626 : memref<1x128x64xf32, #tpu.memory_space<vmem>> -> memref<128x64xf32, #tpu.memory_space<vmem>>
    %dma_wait3A_628 = arith.constant 128 : i32
    %dma_wait3A_629 = tpu.memref_slice %arg4[%add3A_605, %dma_wait3A_628] : memref<16384x256xf32, #tpu.memory_space<hbm>> -> memref<128x64xf32, #tpu.memory_space<hbm>>
    %dma_wait3A_630 = tpu.memref_slice %arg8[%dma_wait3A_623] : memref<4x!tpu.dma_semaphore, #tpu.memory_space<semaphore_mem>> -> memref<1x!tpu.dma_semaphore, #tpu.memory_space<semaphore_mem>>
    %dma_wait3A_631 = tpu.memref_squeeze %dma_wait3A_630 : memref<1x!tpu.dma_semaphore, #tpu.memory_space<semaphore_mem>> -> memref<!tpu.dma_semaphore, #tpu.memory_space<semaphore_mem>>
    %dma_wait3A_632 = arith.constant 128 : i32
    %dma_wait3A_633 = tpu.memref_slice %arg4[%add3A_605, %dma_wait3A_632] : memref<16384x256xf32, #tpu.memory_space<hbm>> -> memref<128x64xf32, #tpu.memory_space<hbm>>
    %dma_wait3A_634 = arith.constant 0 : i32
    %dma_wait3A_635 = arith.constant 0 : i32
    %dma_wait3A_636 = tpu.memref_slice %arg6[%dma_wait3A_622, %dma_wait3A_634, %dma_wait3A_635] : memref<4x128x64xf32, #tpu.memory_space<vmem>> -> memref<1x128x64xf32, #tpu.memory_space<vmem>>
    %dma_wait3A_637 = tpu.memref_squeeze %dma_wait3A_636 : memref<1x128x64xf32, #tpu.memory_space<vmem>> -> memref<128x64xf32, #tpu.memory_space<vmem>>
    tpu.wait_dma2 semaphore(%dma_wait3A_631 : memref<!tpu.dma_semaphore, #tpu.memory_space<semaphore_mem>>) src(%dma_wait3A_637 : memref<128x64xf32, #tpu.memory_space<vmem>>) dst(%dma_wait3A_633 : memref<128x64xf32, #tpu.memory_space<hbm>>)
    %dma_start3A_638 = arith.constant 12 : i32
    %dma_start3A_639 = arith.constant 0 : i32
    %dma_start3A_640 = arith.constant 0 : i32
    %dma_start3A_641 = arith.constant 0 : i32
    %dma_start3A_642 = arith.constant 0 : i32
    %dma_start3A_643 = tpu.memref_slice %arg6[%dma_start3A_639, %dma_start3A_641, %dma_start3A_642] : memref<4x128x64xf32, #tpu.memory_space<vmem>> -> memref<1x128x64xf32, #tpu.memory_space<vmem>>
    %dma_start3A_644 = tpu.memref_squeeze %dma_start3A_643 : memref<1x128x64xf32, #tpu.memory_space<vmem>> -> memref<128x64xf32, #tpu.memory_space<vmem>>
    %dma_start3A_645 = arith.constant 0 : i32
    %dma_start3A_646 = tpu.memref_slice %arg5[%dma_start3A_638, %dma_start3A_645] : memref<16x128xi32, #tpu.memory_space<vmem>> -> memref<1x128xi32, #tpu.memory_space<vmem>>
    %dma_start3A_647 = tpu.memref_squeeze %dma_start3A_646 : memref<1x128xi32, #tpu.memory_space<vmem>> -> memref<128xi32, #tpu.memory_space<vmem>>
    %dma_start3A_648 = arith.constant 0 : i32
    %dma_start3A_649 = arith.constant 0 : i32
    %dma_start3A_650 = tpu.memref_slice %arg2[%dma_start3A_648, %dma_start3A_649] : memref<4096x64xf32, #tpu.memory_space<hbm>> -> memref<4096x64xf32, #tpu.memory_space<hbm>>
    %dma_start3A_651 = tpu.memref_slice %arg7[%dma_start3A_640] : memref<4x!tpu.dma_semaphore, #tpu.memory_space<semaphore_mem>> -> memref<1x!tpu.dma_semaphore, #tpu.memory_space<semaphore_mem>>
    %dma_start3A_652 = tpu.memref_squeeze %dma_start3A_651 : memref<1x!tpu.dma_semaphore, #tpu.memory_space<semaphore_mem>> -> memref<!tpu.dma_semaphore, #tpu.memory_space<semaphore_mem>>
    tpu.enqueue_indirect_dma source(%dma_start3A_650 : memref<4096x64xf32, #tpu.memory_space<hbm>>) target(%dma_start3A_644 : memref<128x64xf32, #tpu.memory_space<vmem>>) offsets(%dma_start3A_647 : memref<128xi32, #tpu.memory_space<vmem>>) semaphore(%dma_start3A_652 : memref<!tpu.dma_semaphore, #tpu.memory_space<semaphore_mem>>)
    %dma_wait3A_653 = arith.constant 9 : i32
    %dma_wait3A_654 = arith.constant 1 : i32
    %dma_wait3A_655 = arith.constant 1 : i32
    %dma_wait3A_656 = arith.constant 0 : i32
    %dma_wait3A_657 = arith.constant 0 : i32
    %dma_wait3A_658 = tpu.memref_slice %arg6[%dma_wait3A_654, %dma_wait3A_656, %dma_wait3A_657] : memref<4x128x64xf32, #tpu.memory_space<vmem>> -> memref<1x128x64xf32, #tpu.memory_space<vmem>>
    %dma_wait3A_659 = tpu.memref_squeeze %dma_wait3A_658 : memref<1x128x64xf32, #tpu.memory_space<vmem>> -> memref<128x64xf32, #tpu.memory_space<vmem>>
    %dma_wait3A_660 = arith.constant 0 : i32
    %dma_wait3A_661 = tpu.memref_slice %arg5[%dma_wait3A_653, %dma_wait3A_660] : memref<16x128xi32, #tpu.memory_space<vmem>> -> memref<1x128xi32, #tpu.memory_space<vmem>>
    %dma_wait3A_662 = tpu.memref_squeeze %dma_wait3A_661 : memref<1x128xi32, #tpu.memory_space<vmem>> -> memref<128xi32, #tpu.memory_space<vmem>>
    %dma_wait3A_663 = arith.constant 0 : i32
    %dma_wait3A_664 = arith.constant 0 : i32
    %dma_wait3A_665 = tpu.memref_slice %arg2[%dma_wait3A_663, %dma_wait3A_664] : memref<4096x64xf32, #tpu.memory_space<hbm>> -> memref<4096x64xf32, #tpu.memory_space<hbm>>
    %dma_wait3A_666 = tpu.memref_slice %arg7[%dma_wait3A_655] : memref<4x!tpu.dma_semaphore, #tpu.memory_space<semaphore_mem>> -> memref<1x!tpu.dma_semaphore, #tpu.memory_space<semaphore_mem>>
    %dma_wait3A_667 = tpu.memref_squeeze %dma_wait3A_666 : memref<1x!tpu.dma_semaphore, #tpu.memory_space<semaphore_mem>> -> memref<!tpu.dma_semaphore, #tpu.memory_space<semaphore_mem>>
    tpu.wait_indirect_dma semaphore(%dma_wait3A_667 : memref<!tpu.dma_semaphore, #tpu.memory_space<semaphore_mem>>) src(%dma_wait3A_665 : memref<4096x64xf32, #tpu.memory_space<hbm>>) dst(%dma_wait3A_659 : memref<128x64xf32, #tpu.memory_space<vmem>>)
    %mul3A_668 = arith.constant 512 : i32
    %mul3A_669 = arith.muli %add3A, %mul3A_668 : i32
    %add3A_670 = arith.constant 128 : i32
    %add3A_671 = arith.addi %mul3A_669, %add3A_670 : i32
    %dma_start3A_672 = arith.constant 1 : i32
    %dma_start3A_673 = arith.constant 1 : i32
    %dma_start3A_674 = arith.constant 0 : i32
    %dma_start3A_675 = arith.constant 0 : i32
    %dma_start3A_676 = tpu.memref_slice %arg6[%dma_start3A_672, %dma_start3A_674, %dma_start3A_675] : memref<4x128x64xf32, #tpu.memory_space<vmem>> -> memref<1x128x64xf32, #tpu.memory_space<vmem>>
    %dma_start3A_677 = tpu.memref_squeeze %dma_start3A_676 : memref<1x128x64xf32, #tpu.memory_space<vmem>> -> memref<128x64xf32, #tpu.memory_space<vmem>>
    %dma_start3A_678 = arith.constant 128 : i32
    %dma_start3A_679 = tpu.memref_slice %arg4[%add3A_671, %dma_start3A_678] : memref<16384x256xf32, #tpu.memory_space<hbm>> -> memref<128x64xf32, #tpu.memory_space<hbm>>
    %dma_start3A_680 = tpu.memref_slice %arg8[%dma_start3A_673] : memref<4x!tpu.dma_semaphore, #tpu.memory_space<semaphore_mem>> -> memref<1x!tpu.dma_semaphore, #tpu.memory_space<semaphore_mem>>
    %dma_start3A_681 = tpu.memref_squeeze %dma_start3A_680 : memref<1x!tpu.dma_semaphore, #tpu.memory_space<semaphore_mem>> -> memref<!tpu.dma_semaphore, #tpu.memory_space<semaphore_mem>>
    %dma_start3A_682 = arith.constant 128 : i32
    %dma_start3A_683 = tpu.memref_slice %arg4[%add3A_671, %dma_start3A_682] : memref<16384x256xf32, #tpu.memory_space<hbm>> -> memref<128x64xf32, #tpu.memory_space<hbm>>
    %dma_start3A_684 = arith.constant 0 : i32
    %dma_start3A_685 = arith.constant 0 : i32
    %dma_start3A_686 = tpu.memref_slice %arg6[%dma_start3A_672, %dma_start3A_684, %dma_start3A_685] : memref<4x128x64xf32, #tpu.memory_space<vmem>> -> memref<1x128x64xf32, #tpu.memory_space<vmem>>
    %dma_start3A_687 = tpu.memref_squeeze %dma_start3A_686 : memref<1x128x64xf32, #tpu.memory_space<vmem>> -> memref<128x64xf32, #tpu.memory_space<vmem>>
    tpu.enqueue_dma source(%dma_start3A_687 : memref<128x64xf32, #tpu.memory_space<vmem>>) target(%dma_start3A_683 : memref<128x64xf32, #tpu.memory_space<hbm>>) target_semaphore(%dma_start3A_681 : memref<!tpu.dma_semaphore, #tpu.memory_space<semaphore_mem>>)
    %dma_wait3A_688 = arith.constant 1 : i32
    %dma_wait3A_689 = arith.constant 1 : i32
    %dma_wait3A_690 = arith.constant 0 : i32
    %dma_wait3A_691 = arith.constant 0 : i32
    %dma_wait3A_692 = tpu.memref_slice %arg6[%dma_wait3A_688, %dma_wait3A_690, %dma_wait3A_691] : memref<4x128x64xf32, #tpu.memory_space<vmem>> -> memref<1x128x64xf32, #tpu.memory_space<vmem>>
    %dma_wait3A_693 = tpu.memref_squeeze %dma_wait3A_692 : memref<1x128x64xf32, #tpu.memory_space<vmem>> -> memref<128x64xf32, #tpu.memory_space<vmem>>
    %dma_wait3A_694 = arith.constant 128 : i32
    %dma_wait3A_695 = tpu.memref_slice %arg4[%add3A_671, %dma_wait3A_694] : memref<16384x256xf32, #tpu.memory_space<hbm>> -> memref<128x64xf32, #tpu.memory_space<hbm>>
    %dma_wait3A_696 = tpu.memref_slice %arg8[%dma_wait3A_689] : memref<4x!tpu.dma_semaphore, #tpu.memory_space<semaphore_mem>> -> memref<1x!tpu.dma_semaphore, #tpu.memory_space<semaphore_mem>>
    %dma_wait3A_697 = tpu.memref_squeeze %dma_wait3A_696 : memref<1x!tpu.dma_semaphore, #tpu.memory_space<semaphore_mem>> -> memref<!tpu.dma_semaphore, #tpu.memory_space<semaphore_mem>>
    %dma_wait3A_698 = arith.constant 128 : i32
    %dma_wait3A_699 = tpu.memref_slice %arg4[%add3A_671, %dma_wait3A_698] : memref<16384x256xf32, #tpu.memory_space<hbm>> -> memref<128x64xf32, #tpu.memory_space<hbm>>
    %dma_wait3A_700 = arith.constant 0 : i32
    %dma_wait3A_701 = arith.constant 0 : i32
    %dma_wait3A_702 = tpu.memref_slice %arg6[%dma_wait3A_688, %dma_wait3A_700, %dma_wait3A_701] : memref<4x128x64xf32, #tpu.memory_space<vmem>> -> memref<1x128x64xf32, #tpu.memory_space<vmem>>
    %dma_wait3A_703 = tpu.memref_squeeze %dma_wait3A_702 : memref<1x128x64xf32, #tpu.memory_space<vmem>> -> memref<128x64xf32, #tpu.memory_space<vmem>>
    tpu.wait_dma2 semaphore(%dma_wait3A_697 : memref<!tpu.dma_semaphore, #tpu.memory_space<semaphore_mem>>) src(%dma_wait3A_703 : memref<128x64xf32, #tpu.memory_space<vmem>>) dst(%dma_wait3A_699 : memref<128x64xf32, #tpu.memory_space<hbm>>)
    %dma_start3A_704 = arith.constant 13 : i32
    %dma_start3A_705 = arith.constant 1 : i32
    %dma_start3A_706 = arith.constant 1 : i32
    %dma_start3A_707 = arith.constant 0 : i32
    %dma_start3A_708 = arith.constant 0 : i32
    %dma_start3A_709 = tpu.memref_slice %arg6[%dma_start3A_705, %dma_start3A_707, %dma_start3A_708] : memref<4x128x64xf32, #tpu.memory_space<vmem>> -> memref<1x128x64xf32, #tpu.memory_space<vmem>>
    %dma_start3A_710 = tpu.memref_squeeze %dma_start3A_709 : memref<1x128x64xf32, #tpu.memory_space<vmem>> -> memref<128x64xf32, #tpu.memory_space<vmem>>
    %dma_start3A_711 = arith.constant 0 : i32
    %dma_start3A_712 = tpu.memref_slice %arg5[%dma_start3A_704, %dma_start3A_711] : memref<16x128xi32, #tpu.memory_space<vmem>> -> memref<1x128xi32, #tpu.memory_space<vmem>>
    %dma_start3A_713 = tpu.memref_squeeze %dma_start3A_712 : memref<1x128xi32, #tpu.memory_space<vmem>> -> memref<128xi32, #tpu.memory_space<vmem>>
    %dma_start3A_714 = arith.constant 0 : i32
    %dma_start3A_715 = arith.constant 0 : i32
    %dma_start3A_716 = tpu.memref_slice %arg2[%dma_start3A_714, %dma_start3A_715] : memref<4096x64xf32, #tpu.memory_space<hbm>> -> memref<4096x64xf32, #tpu.memory_space<hbm>>
    %dma_start3A_717 = tpu.memref_slice %arg7[%dma_start3A_706] : memref<4x!tpu.dma_semaphore, #tpu.memory_space<semaphore_mem>> -> memref<1x!tpu.dma_semaphore, #tpu.memory_space<semaphore_mem>>
    %dma_start3A_718 = tpu.memref_squeeze %dma_start3A_717 : memref<1x!tpu.dma_semaphore, #tpu.memory_space<semaphore_mem>> -> memref<!tpu.dma_semaphore, #tpu.memory_space<semaphore_mem>>
    tpu.enqueue_indirect_dma source(%dma_start3A_716 : memref<4096x64xf32, #tpu.memory_space<hbm>>) target(%dma_start3A_710 : memref<128x64xf32, #tpu.memory_space<vmem>>) offsets(%dma_start3A_713 : memref<128xi32, #tpu.memory_space<vmem>>) semaphore(%dma_start3A_718 : memref<!tpu.dma_semaphore, #tpu.memory_space<semaphore_mem>>)
    %dma_wait3A_719 = arith.constant 10 : i32
    %dma_wait3A_720 = arith.constant 2 : i32
    %dma_wait3A_721 = arith.constant 2 : i32
    %dma_wait3A_722 = arith.constant 0 : i32
    %dma_wait3A_723 = arith.constant 0 : i32
    %dma_wait3A_724 = tpu.memref_slice %arg6[%dma_wait3A_720, %dma_wait3A_722, %dma_wait3A_723] : memref<4x128x64xf32, #tpu.memory_space<vmem>> -> memref<1x128x64xf32, #tpu.memory_space<vmem>>
    %dma_wait3A_725 = tpu.memref_squeeze %dma_wait3A_724 : memref<1x128x64xf32, #tpu.memory_space<vmem>> -> memref<128x64xf32, #tpu.memory_space<vmem>>
    %dma_wait3A_726 = arith.constant 0 : i32
    %dma_wait3A_727 = tpu.memref_slice %arg5[%dma_wait3A_719, %dma_wait3A_726] : memref<16x128xi32, #tpu.memory_space<vmem>> -> memref<1x128xi32, #tpu.memory_space<vmem>>
    %dma_wait3A_728 = tpu.memref_squeeze %dma_wait3A_727 : memref<1x128xi32, #tpu.memory_space<vmem>> -> memref<128xi32, #tpu.memory_space<vmem>>
    %dma_wait3A_729 = arith.constant 0 : i32
    %dma_wait3A_730 = arith.constant 0 : i32
    %dma_wait3A_731 = tpu.memref_slice %arg2[%dma_wait3A_729, %dma_wait3A_730] : memref<4096x64xf32, #tpu.memory_space<hbm>> -> memref<4096x64xf32, #tpu.memory_space<hbm>>
    %dma_wait3A_732 = tpu.memref_slice %arg7[%dma_wait3A_721] : memref<4x!tpu.dma_semaphore, #tpu.memory_space<semaphore_mem>> -> memref<1x!tpu.dma_semaphore, #tpu.memory_space<semaphore_mem>>
    %dma_wait3A_733 = tpu.memref_squeeze %dma_wait3A_732 : memref<1x!tpu.dma_semaphore, #tpu.memory_space<semaphore_mem>> -> memref<!tpu.dma_semaphore, #tpu.memory_space<semaphore_mem>>
    tpu.wait_indirect_dma semaphore(%dma_wait3A_733 : memref<!tpu.dma_semaphore, #tpu.memory_space<semaphore_mem>>) src(%dma_wait3A_731 : memref<4096x64xf32, #tpu.memory_space<hbm>>) dst(%dma_wait3A_725 : memref<128x64xf32, #tpu.memory_space<vmem>>)
    %mul3A_734 = arith.constant 512 : i32
    %mul3A_735 = arith.muli %add3A, %mul3A_734 : i32
    %add3A_736 = arith.constant 256 : i32
    %add3A_737 = arith.addi %mul3A_735, %add3A_736 : i32
    %dma_start3A_738 = arith.constant 2 : i32
    %dma_start3A_739 = arith.constant 2 : i32
    %dma_start3A_740 = arith.constant 0 : i32
    %dma_start3A_741 = arith.constant 0 : i32
    %dma_start3A_742 = tpu.memref_slice %arg6[%dma_start3A_738, %dma_start3A_740, %dma_start3A_741] : memref<4x128x64xf32, #tpu.memory_space<vmem>> -> memref<1x128x64xf32, #tpu.memory_space<vmem>>
    %dma_start3A_743 = tpu.memref_squeeze %dma_start3A_742 : memref<1x128x64xf32, #tpu.memory_space<vmem>> -> memref<128x64xf32, #tpu.memory_space<vmem>>
    %dma_start3A_744 = arith.constant 128 : i32
    %dma_start3A_745 = tpu.memref_slice %arg4[%add3A_737, %dma_start3A_744] : memref<16384x256xf32, #tpu.memory_space<hbm>> -> memref<128x64xf32, #tpu.memory_space<hbm>>
    %dma_start3A_746 = tpu.memref_slice %arg8[%dma_start3A_739] : memref<4x!tpu.dma_semaphore, #tpu.memory_space<semaphore_mem>> -> memref<1x!tpu.dma_semaphore, #tpu.memory_space<semaphore_mem>>
    %dma_start3A_747 = tpu.memref_squeeze %dma_start3A_746 : memref<1x!tpu.dma_semaphore, #tpu.memory_space<semaphore_mem>> -> memref<!tpu.dma_semaphore, #tpu.memory_space<semaphore_mem>>
    %dma_start3A_748 = arith.constant 128 : i32
    %dma_start3A_749 = tpu.memref_slice %arg4[%add3A_737, %dma_start3A_748] : memref<16384x256xf32, #tpu.memory_space<hbm>> -> memref<128x64xf32, #tpu.memory_space<hbm>>
    %dma_start3A_750 = arith.constant 0 : i32
    %dma_start3A_751 = arith.constant 0 : i32
    %dma_start3A_752 = tpu.memref_slice %arg6[%dma_start3A_738, %dma_start3A_750, %dma_start3A_751] : memref<4x128x64xf32, #tpu.memory_space<vmem>> -> memref<1x128x64xf32, #tpu.memory_space<vmem>>
    %dma_start3A_753 = tpu.memref_squeeze %dma_start3A_752 : memref<1x128x64xf32, #tpu.memory_space<vmem>> -> memref<128x64xf32, #tpu.memory_space<vmem>>
    tpu.enqueue_dma source(%dma_start3A_753 : memref<128x64xf32, #tpu.memory_space<vmem>>) target(%dma_start3A_749 : memref<128x64xf32, #tpu.memory_space<hbm>>) target_semaphore(%dma_start3A_747 : memref<!tpu.dma_semaphore, #tpu.memory_space<semaphore_mem>>)
    %dma_wait3A_754 = arith.constant 2 : i32
    %dma_wait3A_755 = arith.constant 2 : i32
    %dma_wait3A_756 = arith.constant 0 : i32
    %dma_wait3A_757 = arith.constant 0 : i32
    %dma_wait3A_758 = tpu.memref_slice %arg6[%dma_wait3A_754, %dma_wait3A_756, %dma_wait3A_757] : memref<4x128x64xf32, #tpu.memory_space<vmem>> -> memref<1x128x64xf32, #tpu.memory_space<vmem>>
    %dma_wait3A_759 = tpu.memref_squeeze %dma_wait3A_758 : memref<1x128x64xf32, #tpu.memory_space<vmem>> -> memref<128x64xf32, #tpu.memory_space<vmem>>
    %dma_wait3A_760 = arith.constant 128 : i32
    %dma_wait3A_761 = tpu.memref_slice %arg4[%add3A_737, %dma_wait3A_760] : memref<16384x256xf32, #tpu.memory_space<hbm>> -> memref<128x64xf32, #tpu.memory_space<hbm>>
    %dma_wait3A_762 = tpu.memref_slice %arg8[%dma_wait3A_755] : memref<4x!tpu.dma_semaphore, #tpu.memory_space<semaphore_mem>> -> memref<1x!tpu.dma_semaphore, #tpu.memory_space<semaphore_mem>>
    %dma_wait3A_763 = tpu.memref_squeeze %dma_wait3A_762 : memref<1x!tpu.dma_semaphore, #tpu.memory_space<semaphore_mem>> -> memref<!tpu.dma_semaphore, #tpu.memory_space<semaphore_mem>>
    %dma_wait3A_764 = arith.constant 128 : i32
    %dma_wait3A_765 = tpu.memref_slice %arg4[%add3A_737, %dma_wait3A_764] : memref<16384x256xf32, #tpu.memory_space<hbm>> -> memref<128x64xf32, #tpu.memory_space<hbm>>
    %dma_wait3A_766 = arith.constant 0 : i32
    %dma_wait3A_767 = arith.constant 0 : i32
    %dma_wait3A_768 = tpu.memref_slice %arg6[%dma_wait3A_754, %dma_wait3A_766, %dma_wait3A_767] : memref<4x128x64xf32, #tpu.memory_space<vmem>> -> memref<1x128x64xf32, #tpu.memory_space<vmem>>
    %dma_wait3A_769 = tpu.memref_squeeze %dma_wait3A_768 : memref<1x128x64xf32, #tpu.memory_space<vmem>> -> memref<128x64xf32, #tpu.memory_space<vmem>>
    tpu.wait_dma2 semaphore(%dma_wait3A_763 : memref<!tpu.dma_semaphore, #tpu.memory_space<semaphore_mem>>) src(%dma_wait3A_769 : memref<128x64xf32, #tpu.memory_space<vmem>>) dst(%dma_wait3A_765 : memref<128x64xf32, #tpu.memory_space<hbm>>)
    %dma_start3A_770 = arith.constant 14 : i32
    %dma_start3A_771 = arith.constant 2 : i32
    %dma_start3A_772 = arith.constant 2 : i32
    %dma_start3A_773 = arith.constant 0 : i32
    %dma_start3A_774 = arith.constant 0 : i32
    %dma_start3A_775 = tpu.memref_slice %arg6[%dma_start3A_771, %dma_start3A_773, %dma_start3A_774] : memref<4x128x64xf32, #tpu.memory_space<vmem>> -> memref<1x128x64xf32, #tpu.memory_space<vmem>>
    %dma_start3A_776 = tpu.memref_squeeze %dma_start3A_775 : memref<1x128x64xf32, #tpu.memory_space<vmem>> -> memref<128x64xf32, #tpu.memory_space<vmem>>
    %dma_start3A_777 = arith.constant 0 : i32
    %dma_start3A_778 = tpu.memref_slice %arg5[%dma_start3A_770, %dma_start3A_777] : memref<16x128xi32, #tpu.memory_space<vmem>> -> memref<1x128xi32, #tpu.memory_space<vmem>>
    %dma_start3A_779 = tpu.memref_squeeze %dma_start3A_778 : memref<1x128xi32, #tpu.memory_space<vmem>> -> memref<128xi32, #tpu.memory_space<vmem>>
    %dma_start3A_780 = arith.constant 0 : i32
    %dma_start3A_781 = arith.constant 0 : i32
    %dma_start3A_782 = tpu.memref_slice %arg2[%dma_start3A_780, %dma_start3A_781] : memref<4096x64xf32, #tpu.memory_space<hbm>> -> memref<4096x64xf32, #tpu.memory_space<hbm>>
    %dma_start3A_783 = tpu.memref_slice %arg7[%dma_start3A_772] : memref<4x!tpu.dma_semaphore, #tpu.memory_space<semaphore_mem>> -> memref<1x!tpu.dma_semaphore, #tpu.memory_space<semaphore_mem>>
    %dma_start3A_784 = tpu.memref_squeeze %dma_start3A_783 : memref<1x!tpu.dma_semaphore, #tpu.memory_space<semaphore_mem>> -> memref<!tpu.dma_semaphore, #tpu.memory_space<semaphore_mem>>
    tpu.enqueue_indirect_dma source(%dma_start3A_782 : memref<4096x64xf32, #tpu.memory_space<hbm>>) target(%dma_start3A_776 : memref<128x64xf32, #tpu.memory_space<vmem>>) offsets(%dma_start3A_779 : memref<128xi32, #tpu.memory_space<vmem>>) semaphore(%dma_start3A_784 : memref<!tpu.dma_semaphore, #tpu.memory_space<semaphore_mem>>)
    %dma_wait3A_785 = arith.constant 11 : i32
    %dma_wait3A_786 = arith.constant 3 : i32
    %dma_wait3A_787 = arith.constant 3 : i32
    %dma_wait3A_788 = arith.constant 0 : i32
    %dma_wait3A_789 = arith.constant 0 : i32
    %dma_wait3A_790 = tpu.memref_slice %arg6[%dma_wait3A_786, %dma_wait3A_788, %dma_wait3A_789] : memref<4x128x64xf32, #tpu.memory_space<vmem>> -> memref<1x128x64xf32, #tpu.memory_space<vmem>>
    %dma_wait3A_791 = tpu.memref_squeeze %dma_wait3A_790 : memref<1x128x64xf32, #tpu.memory_space<vmem>> -> memref<128x64xf32, #tpu.memory_space<vmem>>
    %dma_wait3A_792 = arith.constant 0 : i32
    %dma_wait3A_793 = tpu.memref_slice %arg5[%dma_wait3A_785, %dma_wait3A_792] : memref<16x128xi32, #tpu.memory_space<vmem>> -> memref<1x128xi32, #tpu.memory_space<vmem>>
    %dma_wait3A_794 = tpu.memref_squeeze %dma_wait3A_793 : memref<1x128xi32, #tpu.memory_space<vmem>> -> memref<128xi32, #tpu.memory_space<vmem>>
    %dma_wait3A_795 = arith.constant 0 : i32
    %dma_wait3A_796 = arith.constant 0 : i32
    %dma_wait3A_797 = tpu.memref_slice %arg2[%dma_wait3A_795, %dma_wait3A_796] : memref<4096x64xf32, #tpu.memory_space<hbm>> -> memref<4096x64xf32, #tpu.memory_space<hbm>>
    %dma_wait3A_798 = tpu.memref_slice %arg7[%dma_wait3A_787] : memref<4x!tpu.dma_semaphore, #tpu.memory_space<semaphore_mem>> -> memref<1x!tpu.dma_semaphore, #tpu.memory_space<semaphore_mem>>
    %dma_wait3A_799 = tpu.memref_squeeze %dma_wait3A_798 : memref<1x!tpu.dma_semaphore, #tpu.memory_space<semaphore_mem>> -> memref<!tpu.dma_semaphore, #tpu.memory_space<semaphore_mem>>
    tpu.wait_indirect_dma semaphore(%dma_wait3A_799 : memref<!tpu.dma_semaphore, #tpu.memory_space<semaphore_mem>>) src(%dma_wait3A_797 : memref<4096x64xf32, #tpu.memory_space<hbm>>) dst(%dma_wait3A_791 : memref<128x64xf32, #tpu.memory_space<vmem>>)
    %mul3A_800 = arith.constant 512 : i32
    %mul3A_801 = arith.muli %add3A, %mul3A_800 : i32
    %add3A_802 = arith.constant 384 : i32
    %add3A_803 = arith.addi %mul3A_801, %add3A_802 : i32
    %dma_start3A_804 = arith.constant 3 : i32
    %dma_start3A_805 = arith.constant 3 : i32
    %dma_start3A_806 = arith.constant 0 : i32
    %dma_start3A_807 = arith.constant 0 : i32
    %dma_start3A_808 = tpu.memref_slice %arg6[%dma_start3A_804, %dma_start3A_806, %dma_start3A_807] : memref<4x128x64xf32, #tpu.memory_space<vmem>> -> memref<1x128x64xf32, #tpu.memory_space<vmem>>
    %dma_start3A_809 = tpu.memref_squeeze %dma_start3A_808 : memref<1x128x64xf32, #tpu.memory_space<vmem>> -> memref<128x64xf32, #tpu.memory_space<vmem>>
    %dma_start3A_810 = arith.constant 128 : i32
    %dma_start3A_811 = tpu.memref_slice %arg4[%add3A_803, %dma_start3A_810] : memref<16384x256xf32, #tpu.memory_space<hbm>> -> memref<128x64xf32, #tpu.memory_space<hbm>>
    %dma_start3A_812 = tpu.memref_slice %arg8[%dma_start3A_805] : memref<4x!tpu.dma_semaphore, #tpu.memory_space<semaphore_mem>> -> memref<1x!tpu.dma_semaphore, #tpu.memory_space<semaphore_mem>>
    %dma_start3A_813 = tpu.memref_squeeze %dma_start3A_812 : memref<1x!tpu.dma_semaphore, #tpu.memory_space<semaphore_mem>> -> memref<!tpu.dma_semaphore, #tpu.memory_space<semaphore_mem>>
    %dma_start3A_814 = arith.constant 128 : i32
    %dma_start3A_815 = tpu.memref_slice %arg4[%add3A_803, %dma_start3A_814] : memref<16384x256xf32, #tpu.memory_space<hbm>> -> memref<128x64xf32, #tpu.memory_space<hbm>>
    %dma_start3A_816 = arith.constant 0 : i32
    %dma_start3A_817 = arith.constant 0 : i32
    %dma_start3A_818 = tpu.memref_slice %arg6[%dma_start3A_804, %dma_start3A_816, %dma_start3A_817] : memref<4x128x64xf32, #tpu.memory_space<vmem>> -> memref<1x128x64xf32, #tpu.memory_space<vmem>>
    %dma_start3A_819 = tpu.memref_squeeze %dma_start3A_818 : memref<1x128x64xf32, #tpu.memory_space<vmem>> -> memref<128x64xf32, #tpu.memory_space<vmem>>
    tpu.enqueue_dma source(%dma_start3A_819 : memref<128x64xf32, #tpu.memory_space<vmem>>) target(%dma_start3A_815 : memref<128x64xf32, #tpu.memory_space<hbm>>) target_semaphore(%dma_start3A_813 : memref<!tpu.dma_semaphore, #tpu.memory_space<semaphore_mem>>)
    %dma_wait3A_820 = arith.constant 3 : i32
    %dma_wait3A_821 = arith.constant 3 : i32
    %dma_wait3A_822 = arith.constant 0 : i32
    %dma_wait3A_823 = arith.constant 0 : i32
    %dma_wait3A_824 = tpu.memref_slice %arg6[%dma_wait3A_820, %dma_wait3A_822, %dma_wait3A_823] : memref<4x128x64xf32, #tpu.memory_space<vmem>> -> memref<1x128x64xf32, #tpu.memory_space<vmem>>
    %dma_wait3A_825 = tpu.memref_squeeze %dma_wait3A_824 : memref<1x128x64xf32, #tpu.memory_space<vmem>> -> memref<128x64xf32, #tpu.memory_space<vmem>>
    %dma_wait3A_826 = arith.constant 128 : i32
    %dma_wait3A_827 = tpu.memref_slice %arg4[%add3A_803, %dma_wait3A_826] : memref<16384x256xf32, #tpu.memory_space<hbm>> -> memref<128x64xf32, #tpu.memory_space<hbm>>
    %dma_wait3A_828 = tpu.memref_slice %arg8[%dma_wait3A_821] : memref<4x!tpu.dma_semaphore, #tpu.memory_space<semaphore_mem>> -> memref<1x!tpu.dma_semaphore, #tpu.memory_space<semaphore_mem>>
    %dma_wait3A_829 = tpu.memref_squeeze %dma_wait3A_828 : memref<1x!tpu.dma_semaphore, #tpu.memory_space<semaphore_mem>> -> memref<!tpu.dma_semaphore, #tpu.memory_space<semaphore_mem>>
    %dma_wait3A_830 = arith.constant 128 : i32
    %dma_wait3A_831 = tpu.memref_slice %arg4[%add3A_803, %dma_wait3A_830] : memref<16384x256xf32, #tpu.memory_space<hbm>> -> memref<128x64xf32, #tpu.memory_space<hbm>>
    %dma_wait3A_832 = arith.constant 0 : i32
    %dma_wait3A_833 = arith.constant 0 : i32
    %dma_wait3A_834 = tpu.memref_slice %arg6[%dma_wait3A_820, %dma_wait3A_832, %dma_wait3A_833] : memref<4x128x64xf32, #tpu.memory_space<vmem>> -> memref<1x128x64xf32, #tpu.memory_space<vmem>>
    %dma_wait3A_835 = tpu.memref_squeeze %dma_wait3A_834 : memref<1x128x64xf32, #tpu.memory_space<vmem>> -> memref<128x64xf32, #tpu.memory_space<vmem>>
    tpu.wait_dma2 semaphore(%dma_wait3A_829 : memref<!tpu.dma_semaphore, #tpu.memory_space<semaphore_mem>>) src(%dma_wait3A_835 : memref<128x64xf32, #tpu.memory_space<vmem>>) dst(%dma_wait3A_831 : memref<128x64xf32, #tpu.memory_space<hbm>>)
    %dma_start3A_836 = arith.constant 15 : i32
    %dma_start3A_837 = arith.constant 3 : i32
    %dma_start3A_838 = arith.constant 3 : i32
    %dma_start3A_839 = arith.constant 0 : i32
    %dma_start3A_840 = arith.constant 0 : i32
    %dma_start3A_841 = tpu.memref_slice %arg6[%dma_start3A_837, %dma_start3A_839, %dma_start3A_840] : memref<4x128x64xf32, #tpu.memory_space<vmem>> -> memref<1x128x64xf32, #tpu.memory_space<vmem>>
    %dma_start3A_842 = tpu.memref_squeeze %dma_start3A_841 : memref<1x128x64xf32, #tpu.memory_space<vmem>> -> memref<128x64xf32, #tpu.memory_space<vmem>>
    %dma_start3A_843 = arith.constant 0 : i32
    %dma_start3A_844 = tpu.memref_slice %arg5[%dma_start3A_836, %dma_start3A_843] : memref<16x128xi32, #tpu.memory_space<vmem>> -> memref<1x128xi32, #tpu.memory_space<vmem>>
    %dma_start3A_845 = tpu.memref_squeeze %dma_start3A_844 : memref<1x128xi32, #tpu.memory_space<vmem>> -> memref<128xi32, #tpu.memory_space<vmem>>
    %dma_start3A_846 = arith.constant 0 : i32
    %dma_start3A_847 = arith.constant 0 : i32
    %dma_start3A_848 = tpu.memref_slice %arg2[%dma_start3A_846, %dma_start3A_847] : memref<4096x64xf32, #tpu.memory_space<hbm>> -> memref<4096x64xf32, #tpu.memory_space<hbm>>
    %dma_start3A_849 = tpu.memref_slice %arg7[%dma_start3A_838] : memref<4x!tpu.dma_semaphore, #tpu.memory_space<semaphore_mem>> -> memref<1x!tpu.dma_semaphore, #tpu.memory_space<semaphore_mem>>
    %dma_start3A_850 = tpu.memref_squeeze %dma_start3A_849 : memref<1x!tpu.dma_semaphore, #tpu.memory_space<semaphore_mem>> -> memref<!tpu.dma_semaphore, #tpu.memory_space<semaphore_mem>>
    tpu.enqueue_indirect_dma source(%dma_start3A_848 : memref<4096x64xf32, #tpu.memory_space<hbm>>) target(%dma_start3A_842 : memref<128x64xf32, #tpu.memory_space<vmem>>) offsets(%dma_start3A_845 : memref<128xi32, #tpu.memory_space<vmem>>) semaphore(%dma_start3A_850 : memref<!tpu.dma_semaphore, #tpu.memory_space<semaphore_mem>>)
    %dma_wait3A_851 = arith.constant 12 : i32
    %dma_wait3A_852 = arith.constant 0 : i32
    %dma_wait3A_853 = arith.constant 0 : i32
    %dma_wait3A_854 = arith.constant 0 : i32
    %dma_wait3A_855 = arith.constant 0 : i32
    %dma_wait3A_856 = tpu.memref_slice %arg6[%dma_wait3A_852, %dma_wait3A_854, %dma_wait3A_855] : memref<4x128x64xf32, #tpu.memory_space<vmem>> -> memref<1x128x64xf32, #tpu.memory_space<vmem>>
    %dma_wait3A_857 = tpu.memref_squeeze %dma_wait3A_856 : memref<1x128x64xf32, #tpu.memory_space<vmem>> -> memref<128x64xf32, #tpu.memory_space<vmem>>
    %dma_wait3A_858 = arith.constant 0 : i32
    %dma_wait3A_859 = tpu.memref_slice %arg5[%dma_wait3A_851, %dma_wait3A_858] : memref<16x128xi32, #tpu.memory_space<vmem>> -> memref<1x128xi32, #tpu.memory_space<vmem>>
    %dma_wait3A_860 = tpu.memref_squeeze %dma_wait3A_859 : memref<1x128xi32, #tpu.memory_space<vmem>> -> memref<128xi32, #tpu.memory_space<vmem>>
    %dma_wait3A_861 = arith.constant 0 : i32
    %dma_wait3A_862 = arith.constant 0 : i32
    %dma_wait3A_863 = tpu.memref_slice %arg2[%dma_wait3A_861, %dma_wait3A_862] : memref<4096x64xf32, #tpu.memory_space<hbm>> -> memref<4096x64xf32, #tpu.memory_space<hbm>>
    %dma_wait3A_864 = tpu.memref_slice %arg7[%dma_wait3A_853] : memref<4x!tpu.dma_semaphore, #tpu.memory_space<semaphore_mem>> -> memref<1x!tpu.dma_semaphore, #tpu.memory_space<semaphore_mem>>
    %dma_wait3A_865 = tpu.memref_squeeze %dma_wait3A_864 : memref<1x!tpu.dma_semaphore, #tpu.memory_space<semaphore_mem>> -> memref<!tpu.dma_semaphore, #tpu.memory_space<semaphore_mem>>
    tpu.wait_indirect_dma semaphore(%dma_wait3A_865 : memref<!tpu.dma_semaphore, #tpu.memory_space<semaphore_mem>>) src(%dma_wait3A_863 : memref<4096x64xf32, #tpu.memory_space<hbm>>) dst(%dma_wait3A_857 : memref<128x64xf32, #tpu.memory_space<vmem>>)
    %mul3A_866 = arith.constant 512 : i32
    %mul3A_867 = arith.muli %add3A, %mul3A_866 : i32
    %add3A_868 = arith.constant 0 : i32
    %add3A_869 = arith.addi %mul3A_867, %add3A_868 : i32
    %dma_start3A_870 = arith.constant 0 : i32
    %dma_start3A_871 = arith.constant 0 : i32
    %dma_start3A_872 = arith.constant 0 : i32
    %dma_start3A_873 = arith.constant 0 : i32
    %dma_start3A_874 = tpu.memref_slice %arg6[%dma_start3A_870, %dma_start3A_872, %dma_start3A_873] : memref<4x128x64xf32, #tpu.memory_space<vmem>> -> memref<1x128x64xf32, #tpu.memory_space<vmem>>
    %dma_start3A_875 = tpu.memref_squeeze %dma_start3A_874 : memref<1x128x64xf32, #tpu.memory_space<vmem>> -> memref<128x64xf32, #tpu.memory_space<vmem>>
    %dma_start3A_876 = arith.constant 192 : i32
    %dma_start3A_877 = tpu.memref_slice %arg4[%add3A_869, %dma_start3A_876] : memref<16384x256xf32, #tpu.memory_space<hbm>> -> memref<128x64xf32, #tpu.memory_space<hbm>>
    %dma_start3A_878 = tpu.memref_slice %arg8[%dma_start3A_871] : memref<4x!tpu.dma_semaphore, #tpu.memory_space<semaphore_mem>> -> memref<1x!tpu.dma_semaphore, #tpu.memory_space<semaphore_mem>>
    %dma_start3A_879 = tpu.memref_squeeze %dma_start3A_878 : memref<1x!tpu.dma_semaphore, #tpu.memory_space<semaphore_mem>> -> memref<!tpu.dma_semaphore, #tpu.memory_space<semaphore_mem>>
    %dma_start3A_880 = arith.constant 192 : i32
    %dma_start3A_881 = tpu.memref_slice %arg4[%add3A_869, %dma_start3A_880] : memref<16384x256xf32, #tpu.memory_space<hbm>> -> memref<128x64xf32, #tpu.memory_space<hbm>>
    %dma_start3A_882 = arith.constant 0 : i32
    %dma_start3A_883 = arith.constant 0 : i32
    %dma_start3A_884 = tpu.memref_slice %arg6[%dma_start3A_870, %dma_start3A_882, %dma_start3A_883] : memref<4x128x64xf32, #tpu.memory_space<vmem>> -> memref<1x128x64xf32, #tpu.memory_space<vmem>>
    %dma_start3A_885 = tpu.memref_squeeze %dma_start3A_884 : memref<1x128x64xf32, #tpu.memory_space<vmem>> -> memref<128x64xf32, #tpu.memory_space<vmem>>
    tpu.enqueue_dma source(%dma_start3A_885 : memref<128x64xf32, #tpu.memory_space<vmem>>) target(%dma_start3A_881 : memref<128x64xf32, #tpu.memory_space<hbm>>) target_semaphore(%dma_start3A_879 : memref<!tpu.dma_semaphore, #tpu.memory_space<semaphore_mem>>)
    %dma_wait3A_886 = arith.constant 13 : i32
    %dma_wait3A_887 = arith.constant 1 : i32
    %dma_wait3A_888 = arith.constant 1 : i32
    %dma_wait3A_889 = arith.constant 0 : i32
    %dma_wait3A_890 = arith.constant 0 : i32
    %dma_wait3A_891 = tpu.memref_slice %arg6[%dma_wait3A_887, %dma_wait3A_889, %dma_wait3A_890] : memref<4x128x64xf32, #tpu.memory_space<vmem>> -> memref<1x128x64xf32, #tpu.memory_space<vmem>>
    %dma_wait3A_892 = tpu.memref_squeeze %dma_wait3A_891 : memref<1x128x64xf32, #tpu.memory_space<vmem>> -> memref<128x64xf32, #tpu.memory_space<vmem>>
    %dma_wait3A_893 = arith.constant 0 : i32
    %dma_wait3A_894 = tpu.memref_slice %arg5[%dma_wait3A_886, %dma_wait3A_893] : memref<16x128xi32, #tpu.memory_space<vmem>> -> memref<1x128xi32, #tpu.memory_space<vmem>>
    %dma_wait3A_895 = tpu.memref_squeeze %dma_wait3A_894 : memref<1x128xi32, #tpu.memory_space<vmem>> -> memref<128xi32, #tpu.memory_space<vmem>>
    %dma_wait3A_896 = arith.constant 0 : i32
    %dma_wait3A_897 = arith.constant 0 : i32
    %dma_wait3A_898 = tpu.memref_slice %arg2[%dma_wait3A_896, %dma_wait3A_897] : memref<4096x64xf32, #tpu.memory_space<hbm>> -> memref<4096x64xf32, #tpu.memory_space<hbm>>
    %dma_wait3A_899 = tpu.memref_slice %arg7[%dma_wait3A_888] : memref<4x!tpu.dma_semaphore, #tpu.memory_space<semaphore_mem>> -> memref<1x!tpu.dma_semaphore, #tpu.memory_space<semaphore_mem>>
    %dma_wait3A_900 = tpu.memref_squeeze %dma_wait3A_899 : memref<1x!tpu.dma_semaphore, #tpu.memory_space<semaphore_mem>> -> memref<!tpu.dma_semaphore, #tpu.memory_space<semaphore_mem>>
    tpu.wait_indirect_dma semaphore(%dma_wait3A_900 : memref<!tpu.dma_semaphore, #tpu.memory_space<semaphore_mem>>) src(%dma_wait3A_898 : memref<4096x64xf32, #tpu.memory_space<hbm>>) dst(%dma_wait3A_892 : memref<128x64xf32, #tpu.memory_space<vmem>>)
    %mul3A_901 = arith.constant 512 : i32
    %mul3A_902 = arith.muli %add3A, %mul3A_901 : i32
    %add3A_903 = arith.constant 128 : i32
    %add3A_904 = arith.addi %mul3A_902, %add3A_903 : i32
    %dma_start3A_905 = arith.constant 1 : i32
    %dma_start3A_906 = arith.constant 1 : i32
    %dma_start3A_907 = arith.constant 0 : i32
    %dma_start3A_908 = arith.constant 0 : i32
    %dma_start3A_909 = tpu.memref_slice %arg6[%dma_start3A_905, %dma_start3A_907, %dma_start3A_908] : memref<4x128x64xf32, #tpu.memory_space<vmem>> -> memref<1x128x64xf32, #tpu.memory_space<vmem>>
    %dma_start3A_910 = tpu.memref_squeeze %dma_start3A_909 : memref<1x128x64xf32, #tpu.memory_space<vmem>> -> memref<128x64xf32, #tpu.memory_space<vmem>>
    %dma_start3A_911 = arith.constant 192 : i32
    %dma_start3A_912 = tpu.memref_slice %arg4[%add3A_904, %dma_start3A_911] : memref<16384x256xf32, #tpu.memory_space<hbm>> -> memref<128x64xf32, #tpu.memory_space<hbm>>
    %dma_start3A_913 = tpu.memref_slice %arg8[%dma_start3A_906] : memref<4x!tpu.dma_semaphore, #tpu.memory_space<semaphore_mem>> -> memref<1x!tpu.dma_semaphore, #tpu.memory_space<semaphore_mem>>
    %dma_start3A_914 = tpu.memref_squeeze %dma_start3A_913 : memref<1x!tpu.dma_semaphore, #tpu.memory_space<semaphore_mem>> -> memref<!tpu.dma_semaphore, #tpu.memory_space<semaphore_mem>>
    %dma_start3A_915 = arith.constant 192 : i32
    %dma_start3A_916 = tpu.memref_slice %arg4[%add3A_904, %dma_start3A_915] : memref<16384x256xf32, #tpu.memory_space<hbm>> -> memref<128x64xf32, #tpu.memory_space<hbm>>
    %dma_start3A_917 = arith.constant 0 : i32
    %dma_start3A_918 = arith.constant 0 : i32
    %dma_start3A_919 = tpu.memref_slice %arg6[%dma_start3A_905, %dma_start3A_917, %dma_start3A_918] : memref<4x128x64xf32, #tpu.memory_space<vmem>> -> memref<1x128x64xf32, #tpu.memory_space<vmem>>
    %dma_start3A_920 = tpu.memref_squeeze %dma_start3A_919 : memref<1x128x64xf32, #tpu.memory_space<vmem>> -> memref<128x64xf32, #tpu.memory_space<vmem>>
    tpu.enqueue_dma source(%dma_start3A_920 : memref<128x64xf32, #tpu.memory_space<vmem>>) target(%dma_start3A_916 : memref<128x64xf32, #tpu.memory_space<hbm>>) target_semaphore(%dma_start3A_914 : memref<!tpu.dma_semaphore, #tpu.memory_space<semaphore_mem>>)
    %dma_wait3A_921 = arith.constant 14 : i32
    %dma_wait3A_922 = arith.constant 2 : i32
    %dma_wait3A_923 = arith.constant 2 : i32
    %dma_wait3A_924 = arith.constant 0 : i32
    %dma_wait3A_925 = arith.constant 0 : i32
    %dma_wait3A_926 = tpu.memref_slice %arg6[%dma_wait3A_922, %dma_wait3A_924, %dma_wait3A_925] : memref<4x128x64xf32, #tpu.memory_space<vmem>> -> memref<1x128x64xf32, #tpu.memory_space<vmem>>
    %dma_wait3A_927 = tpu.memref_squeeze %dma_wait3A_926 : memref<1x128x64xf32, #tpu.memory_space<vmem>> -> memref<128x64xf32, #tpu.memory_space<vmem>>
    %dma_wait3A_928 = arith.constant 0 : i32
    %dma_wait3A_929 = tpu.memref_slice %arg5[%dma_wait3A_921, %dma_wait3A_928] : memref<16x128xi32, #tpu.memory_space<vmem>> -> memref<1x128xi32, #tpu.memory_space<vmem>>
    %dma_wait3A_930 = tpu.memref_squeeze %dma_wait3A_929 : memref<1x128xi32, #tpu.memory_space<vmem>> -> memref<128xi32, #tpu.memory_space<vmem>>
    %dma_wait3A_931 = arith.constant 0 : i32
    %dma_wait3A_932 = arith.constant 0 : i32
    %dma_wait3A_933 = tpu.memref_slice %arg2[%dma_wait3A_931, %dma_wait3A_932] : memref<4096x64xf32, #tpu.memory_space<hbm>> -> memref<4096x64xf32, #tpu.memory_space<hbm>>
    %dma_wait3A_934 = tpu.memref_slice %arg7[%dma_wait3A_923] : memref<4x!tpu.dma_semaphore, #tpu.memory_space<semaphore_mem>> -> memref<1x!tpu.dma_semaphore, #tpu.memory_space<semaphore_mem>>
    %dma_wait3A_935 = tpu.memref_squeeze %dma_wait3A_934 : memref<1x!tpu.dma_semaphore, #tpu.memory_space<semaphore_mem>> -> memref<!tpu.dma_semaphore, #tpu.memory_space<semaphore_mem>>
    tpu.wait_indirect_dma semaphore(%dma_wait3A_935 : memref<!tpu.dma_semaphore, #tpu.memory_space<semaphore_mem>>) src(%dma_wait3A_933 : memref<4096x64xf32, #tpu.memory_space<hbm>>) dst(%dma_wait3A_927 : memref<128x64xf32, #tpu.memory_space<vmem>>)
    %mul3A_936 = arith.constant 512 : i32
    %mul3A_937 = arith.muli %add3A, %mul3A_936 : i32
    %add3A_938 = arith.constant 256 : i32
    %add3A_939 = arith.addi %mul3A_937, %add3A_938 : i32
    %dma_start3A_940 = arith.constant 2 : i32
    %dma_start3A_941 = arith.constant 2 : i32
    %dma_start3A_942 = arith.constant 0 : i32
    %dma_start3A_943 = arith.constant 0 : i32
    %dma_start3A_944 = tpu.memref_slice %arg6[%dma_start3A_940, %dma_start3A_942, %dma_start3A_943] : memref<4x128x64xf32, #tpu.memory_space<vmem>> -> memref<1x128x64xf32, #tpu.memory_space<vmem>>
    %dma_start3A_945 = tpu.memref_squeeze %dma_start3A_944 : memref<1x128x64xf32, #tpu.memory_space<vmem>> -> memref<128x64xf32, #tpu.memory_space<vmem>>
    %dma_start3A_946 = arith.constant 192 : i32
    %dma_start3A_947 = tpu.memref_slice %arg4[%add3A_939, %dma_start3A_946] : memref<16384x256xf32, #tpu.memory_space<hbm>> -> memref<128x64xf32, #tpu.memory_space<hbm>>
    %dma_start3A_948 = tpu.memref_slice %arg8[%dma_start3A_941] : memref<4x!tpu.dma_semaphore, #tpu.memory_space<semaphore_mem>> -> memref<1x!tpu.dma_semaphore, #tpu.memory_space<semaphore_mem>>
    %dma_start3A_949 = tpu.memref_squeeze %dma_start3A_948 : memref<1x!tpu.dma_semaphore, #tpu.memory_space<semaphore_mem>> -> memref<!tpu.dma_semaphore, #tpu.memory_space<semaphore_mem>>
    %dma_start3A_950 = arith.constant 192 : i32
    %dma_start3A_951 = tpu.memref_slice %arg4[%add3A_939, %dma_start3A_950] : memref<16384x256xf32, #tpu.memory_space<hbm>> -> memref<128x64xf32, #tpu.memory_space<hbm>>
    %dma_start3A_952 = arith.constant 0 : i32
    %dma_start3A_953 = arith.constant 0 : i32
    %dma_start3A_954 = tpu.memref_slice %arg6[%dma_start3A_940, %dma_start3A_952, %dma_start3A_953] : memref<4x128x64xf32, #tpu.memory_space<vmem>> -> memref<1x128x64xf32, #tpu.memory_space<vmem>>
    %dma_start3A_955 = tpu.memref_squeeze %dma_start3A_954 : memref<1x128x64xf32, #tpu.memory_space<vmem>> -> memref<128x64xf32, #tpu.memory_space<vmem>>
    tpu.enqueue_dma source(%dma_start3A_955 : memref<128x64xf32, #tpu.memory_space<vmem>>) target(%dma_start3A_951 : memref<128x64xf32, #tpu.memory_space<hbm>>) target_semaphore(%dma_start3A_949 : memref<!tpu.dma_semaphore, #tpu.memory_space<semaphore_mem>>)
    %dma_wait3A_956 = arith.constant 15 : i32
    %dma_wait3A_957 = arith.constant 3 : i32
    %dma_wait3A_958 = arith.constant 3 : i32
    %dma_wait3A_959 = arith.constant 0 : i32
    %dma_wait3A_960 = arith.constant 0 : i32
    %dma_wait3A_961 = tpu.memref_slice %arg6[%dma_wait3A_957, %dma_wait3A_959, %dma_wait3A_960] : memref<4x128x64xf32, #tpu.memory_space<vmem>> -> memref<1x128x64xf32, #tpu.memory_space<vmem>>
    %dma_wait3A_962 = tpu.memref_squeeze %dma_wait3A_961 : memref<1x128x64xf32, #tpu.memory_space<vmem>> -> memref<128x64xf32, #tpu.memory_space<vmem>>
    %dma_wait3A_963 = arith.constant 0 : i32
    %dma_wait3A_964 = tpu.memref_slice %arg5[%dma_wait3A_956, %dma_wait3A_963] : memref<16x128xi32, #tpu.memory_space<vmem>> -> memref<1x128xi32, #tpu.memory_space<vmem>>
    %dma_wait3A_965 = tpu.memref_squeeze %dma_wait3A_964 : memref<1x128xi32, #tpu.memory_space<vmem>> -> memref<128xi32, #tpu.memory_space<vmem>>
    %dma_wait3A_966 = arith.constant 0 : i32
    %dma_wait3A_967 = arith.constant 0 : i32
    %dma_wait3A_968 = tpu.memref_slice %arg2[%dma_wait3A_966, %dma_wait3A_967] : memref<4096x64xf32, #tpu.memory_space<hbm>> -> memref<4096x64xf32, #tpu.memory_space<hbm>>
    %dma_wait3A_969 = tpu.memref_slice %arg7[%dma_wait3A_958] : memref<4x!tpu.dma_semaphore, #tpu.memory_space<semaphore_mem>> -> memref<1x!tpu.dma_semaphore, #tpu.memory_space<semaphore_mem>>
    %dma_wait3A_970 = tpu.memref_squeeze %dma_wait3A_969 : memref<1x!tpu.dma_semaphore, #tpu.memory_space<semaphore_mem>> -> memref<!tpu.dma_semaphore, #tpu.memory_space<semaphore_mem>>
    tpu.wait_indirect_dma semaphore(%dma_wait3A_970 : memref<!tpu.dma_semaphore, #tpu.memory_space<semaphore_mem>>) src(%dma_wait3A_968 : memref<4096x64xf32, #tpu.memory_space<hbm>>) dst(%dma_wait3A_962 : memref<128x64xf32, #tpu.memory_space<vmem>>)
    %mul3A_971 = arith.constant 512 : i32
    %mul3A_972 = arith.muli %add3A, %mul3A_971 : i32
    %add3A_973 = arith.constant 384 : i32
    %add3A_974 = arith.addi %mul3A_972, %add3A_973 : i32
    %dma_start3A_975 = arith.constant 3 : i32
    %dma_start3A_976 = arith.constant 3 : i32
    %dma_start3A_977 = arith.constant 0 : i32
    %dma_start3A_978 = arith.constant 0 : i32
    %dma_start3A_979 = tpu.memref_slice %arg6[%dma_start3A_975, %dma_start3A_977, %dma_start3A_978] : memref<4x128x64xf32, #tpu.memory_space<vmem>> -> memref<1x128x64xf32, #tpu.memory_space<vmem>>
    %dma_start3A_980 = tpu.memref_squeeze %dma_start3A_979 : memref<1x128x64xf32, #tpu.memory_space<vmem>> -> memref<128x64xf32, #tpu.memory_space<vmem>>
    %dma_start3A_981 = arith.constant 192 : i32
    %dma_start3A_982 = tpu.memref_slice %arg4[%add3A_974, %dma_start3A_981] : memref<16384x256xf32, #tpu.memory_space<hbm>> -> memref<128x64xf32, #tpu.memory_space<hbm>>
    %dma_start3A_983 = tpu.memref_slice %arg8[%dma_start3A_976] : memref<4x!tpu.dma_semaphore, #tpu.memory_space<semaphore_mem>> -> memref<1x!tpu.dma_semaphore, #tpu.memory_space<semaphore_mem>>
    %dma_start3A_984 = tpu.memref_squeeze %dma_start3A_983 : memref<1x!tpu.dma_semaphore, #tpu.memory_space<semaphore_mem>> -> memref<!tpu.dma_semaphore, #tpu.memory_space<semaphore_mem>>
    %dma_start3A_985 = arith.constant 192 : i32
    %dma_start3A_986 = tpu.memref_slice %arg4[%add3A_974, %dma_start3A_985] : memref<16384x256xf32, #tpu.memory_space<hbm>> -> memref<128x64xf32, #tpu.memory_space<hbm>>
    %dma_start3A_987 = arith.constant 0 : i32
    %dma_start3A_988 = arith.constant 0 : i32
    %dma_start3A_989 = tpu.memref_slice %arg6[%dma_start3A_975, %dma_start3A_987, %dma_start3A_988] : memref<4x128x64xf32, #tpu.memory_space<vmem>> -> memref<1x128x64xf32, #tpu.memory_space<vmem>>
    %dma_start3A_990 = tpu.memref_squeeze %dma_start3A_989 : memref<1x128x64xf32, #tpu.memory_space<vmem>> -> memref<128x64xf32, #tpu.memory_space<vmem>>
    tpu.enqueue_dma source(%dma_start3A_990 : memref<128x64xf32, #tpu.memory_space<vmem>>) target(%dma_start3A_986 : memref<128x64xf32, #tpu.memory_space<hbm>>) target_semaphore(%dma_start3A_984 : memref<!tpu.dma_semaphore, #tpu.memory_space<semaphore_mem>>)
    %dma_wait3A_991 = arith.constant 0 : i32
    %dma_wait3A_992 = arith.constant 0 : i32
    %dma_wait3A_993 = arith.constant 0 : i32
    %dma_wait3A_994 = arith.constant 0 : i32
    %dma_wait3A_995 = tpu.memref_slice %arg6[%dma_wait3A_991, %dma_wait3A_993, %dma_wait3A_994] : memref<4x128x64xf32, #tpu.memory_space<vmem>> -> memref<1x128x64xf32, #tpu.memory_space<vmem>>
    %dma_wait3A_996 = tpu.memref_squeeze %dma_wait3A_995 : memref<1x128x64xf32, #tpu.memory_space<vmem>> -> memref<128x64xf32, #tpu.memory_space<vmem>>
    %dma_wait3A_997 = arith.constant 192 : i32
    %dma_wait3A_998 = tpu.memref_slice %arg4[%add3A_869, %dma_wait3A_997] : memref<16384x256xf32, #tpu.memory_space<hbm>> -> memref<128x64xf32, #tpu.memory_space<hbm>>
    %dma_wait3A_999 = tpu.memref_slice %arg8[%dma_wait3A_992] : memref<4x!tpu.dma_semaphore, #tpu.memory_space<semaphore_mem>> -> memref<1x!tpu.dma_semaphore, #tpu.memory_space<semaphore_mem>>
    %dma_wait3A_1000 = tpu.memref_squeeze %dma_wait3A_999 : memref<1x!tpu.dma_semaphore, #tpu.memory_space<semaphore_mem>> -> memref<!tpu.dma_semaphore, #tpu.memory_space<semaphore_mem>>
    %dma_wait3A_1001 = arith.constant 192 : i32
    %dma_wait3A_1002 = tpu.memref_slice %arg4[%add3A_869, %dma_wait3A_1001] : memref<16384x256xf32, #tpu.memory_space<hbm>> -> memref<128x64xf32, #tpu.memory_space<hbm>>
    %dma_wait3A_1003 = arith.constant 0 : i32
    %dma_wait3A_1004 = arith.constant 0 : i32
    %dma_wait3A_1005 = tpu.memref_slice %arg6[%dma_wait3A_991, %dma_wait3A_1003, %dma_wait3A_1004] : memref<4x128x64xf32, #tpu.memory_space<vmem>> -> memref<1x128x64xf32, #tpu.memory_space<vmem>>
    %dma_wait3A_1006 = tpu.memref_squeeze %dma_wait3A_1005 : memref<1x128x64xf32, #tpu.memory_space<vmem>> -> memref<128x64xf32, #tpu.memory_space<vmem>>
    tpu.wait_dma2 semaphore(%dma_wait3A_1000 : memref<!tpu.dma_semaphore, #tpu.memory_space<semaphore_mem>>) src(%dma_wait3A_1006 : memref<128x64xf32, #tpu.memory_space<vmem>>) dst(%dma_wait3A_1002 : memref<128x64xf32, #tpu.memory_space<hbm>>)
    %dma_wait3A_1007 = arith.constant 1 : i32
    %dma_wait3A_1008 = arith.constant 1 : i32
    %dma_wait3A_1009 = arith.constant 0 : i32
    %dma_wait3A_1010 = arith.constant 0 : i32
    %dma_wait3A_1011 = tpu.memref_slice %arg6[%dma_wait3A_1007, %dma_wait3A_1009, %dma_wait3A_1010] : memref<4x128x64xf32, #tpu.memory_space<vmem>> -> memref<1x128x64xf32, #tpu.memory_space<vmem>>
    %dma_wait3A_1012 = tpu.memref_squeeze %dma_wait3A_1011 : memref<1x128x64xf32, #tpu.memory_space<vmem>> -> memref<128x64xf32, #tpu.memory_space<vmem>>
    %dma_wait3A_1013 = arith.constant 192 : i32
    %dma_wait3A_1014 = tpu.memref_slice %arg4[%add3A_904, %dma_wait3A_1013] : memref<16384x256xf32, #tpu.memory_space<hbm>> -> memref<128x64xf32, #tpu.memory_space<hbm>>
    %dma_wait3A_1015 = tpu.memref_slice %arg8[%dma_wait3A_1008] : memref<4x!tpu.dma_semaphore, #tpu.memory_space<semaphore_mem>> -> memref<1x!tpu.dma_semaphore, #tpu.memory_space<semaphore_mem>>
    %dma_wait3A_1016 = tpu.memref_squeeze %dma_wait3A_1015 : memref<1x!tpu.dma_semaphore, #tpu.memory_space<semaphore_mem>> -> memref<!tpu.dma_semaphore, #tpu.memory_space<semaphore_mem>>
    %dma_wait3A_1017 = arith.constant 192 : i32
    %dma_wait3A_1018 = tpu.memref_slice %arg4[%add3A_904, %dma_wait3A_1017] : memref<16384x256xf32, #tpu.memory_space<hbm>> -> memref<128x64xf32, #tpu.memory_space<hbm>>
    %dma_wait3A_1019 = arith.constant 0 : i32
    %dma_wait3A_1020 = arith.constant 0 : i32
    %dma_wait3A_1021 = tpu.memref_slice %arg6[%dma_wait3A_1007, %dma_wait3A_1019, %dma_wait3A_1020] : memref<4x128x64xf32, #tpu.memory_space<vmem>> -> memref<1x128x64xf32, #tpu.memory_space<vmem>>
    %dma_wait3A_1022 = tpu.memref_squeeze %dma_wait3A_1021 : memref<1x128x64xf32, #tpu.memory_space<vmem>> -> memref<128x64xf32, #tpu.memory_space<vmem>>
    tpu.wait_dma2 semaphore(%dma_wait3A_1016 : memref<!tpu.dma_semaphore, #tpu.memory_space<semaphore_mem>>) src(%dma_wait3A_1022 : memref<128x64xf32, #tpu.memory_space<vmem>>) dst(%dma_wait3A_1018 : memref<128x64xf32, #tpu.memory_space<hbm>>)
    %dma_wait3A_1023 = arith.constant 2 : i32
    %dma_wait3A_1024 = arith.constant 2 : i32
    %dma_wait3A_1025 = arith.constant 0 : i32
    %dma_wait3A_1026 = arith.constant 0 : i32
    %dma_wait3A_1027 = tpu.memref_slice %arg6[%dma_wait3A_1023, %dma_wait3A_1025, %dma_wait3A_1026] : memref<4x128x64xf32, #tpu.memory_space<vmem>> -> memref<1x128x64xf32, #tpu.memory_space<vmem>>
    %dma_wait3A_1028 = tpu.memref_squeeze %dma_wait3A_1027 : memref<1x128x64xf32, #tpu.memory_space<vmem>> -> memref<128x64xf32, #tpu.memory_space<vmem>>
    %dma_wait3A_1029 = arith.constant 192 : i32
    %dma_wait3A_1030 = tpu.memref_slice %arg4[%add3A_939, %dma_wait3A_1029] : memref<16384x256xf32, #tpu.memory_space<hbm>> -> memref<128x64xf32, #tpu.memory_space<hbm>>
    %dma_wait3A_1031 = tpu.memref_slice %arg8[%dma_wait3A_1024] : memref<4x!tpu.dma_semaphore, #tpu.memory_space<semaphore_mem>> -> memref<1x!tpu.dma_semaphore, #tpu.memory_space<semaphore_mem>>
    %dma_wait3A_1032 = tpu.memref_squeeze %dma_wait3A_1031 : memref<1x!tpu.dma_semaphore, #tpu.memory_space<semaphore_mem>> -> memref<!tpu.dma_semaphore, #tpu.memory_space<semaphore_mem>>
    %dma_wait3A_1033 = arith.constant 192 : i32
    %dma_wait3A_1034 = tpu.memref_slice %arg4[%add3A_939, %dma_wait3A_1033] : memref<16384x256xf32, #tpu.memory_space<hbm>> -> memref<128x64xf32, #tpu.memory_space<hbm>>
    %dma_wait3A_1035 = arith.constant 0 : i32
    %dma_wait3A_1036 = arith.constant 0 : i32
    %dma_wait3A_1037 = tpu.memref_slice %arg6[%dma_wait3A_1023, %dma_wait3A_1035, %dma_wait3A_1036] : memref<4x128x64xf32, #tpu.memory_space<vmem>> -> memref<1x128x64xf32, #tpu.memory_space<vmem>>
    %dma_wait3A_1038 = tpu.memref_squeeze %dma_wait3A_1037 : memref<1x128x64xf32, #tpu.memory_space<vmem>> -> memref<128x64xf32, #tpu.memory_space<vmem>>
    tpu.wait_dma2 semaphore(%dma_wait3A_1032 : memref<!tpu.dma_semaphore, #tpu.memory_space<semaphore_mem>>) src(%dma_wait3A_1038 : memref<128x64xf32, #tpu.memory_space<vmem>>) dst(%dma_wait3A_1034 : memref<128x64xf32, #tpu.memory_space<hbm>>)
    %dma_wait3A_1039 = arith.constant 3 : i32
    %dma_wait3A_1040 = arith.constant 3 : i32
    %dma_wait3A_1041 = arith.constant 0 : i32
    %dma_wait3A_1042 = arith.constant 0 : i32
    %dma_wait3A_1043 = tpu.memref_slice %arg6[%dma_wait3A_1039, %dma_wait3A_1041, %dma_wait3A_1042] : memref<4x128x64xf32, #tpu.memory_space<vmem>> -> memref<1x128x64xf32, #tpu.memory_space<vmem>>
    %dma_wait3A_1044 = tpu.memref_squeeze %dma_wait3A_1043 : memref<1x128x64xf32, #tpu.memory_space<vmem>> -> memref<128x64xf32, #tpu.memory_space<vmem>>
    %dma_wait3A_1045 = arith.constant 192 : i32
    %dma_wait3A_1046 = tpu.memref_slice %arg4[%add3A_974, %dma_wait3A_1045] : memref<16384x256xf32, #tpu.memory_space<hbm>> -> memref<128x64xf32, #tpu.memory_space<hbm>>
    %dma_wait3A_1047 = tpu.memref_slice %arg8[%dma_wait3A_1040] : memref<4x!tpu.dma_semaphore, #tpu.memory_space<semaphore_mem>> -> memref<1x!tpu.dma_semaphore, #tpu.memory_space<semaphore_mem>>
    %dma_wait3A_1048 = tpu.memref_squeeze %dma_wait3A_1047 : memref<1x!tpu.dma_semaphore, #tpu.memory_space<semaphore_mem>> -> memref<!tpu.dma_semaphore, #tpu.memory_space<semaphore_mem>>
    %dma_wait3A_1049 = arith.constant 192 : i32
    %dma_wait3A_1050 = tpu.memref_slice %arg4[%add3A_974, %dma_wait3A_1049] : memref<16384x256xf32, #tpu.memory_space<hbm>> -> memref<128x64xf32, #tpu.memory_space<hbm>>
    %dma_wait3A_1051 = arith.constant 0 : i32
    %dma_wait3A_1052 = arith.constant 0 : i32
    %dma_wait3A_1053 = tpu.memref_slice %arg6[%dma_wait3A_1039, %dma_wait3A_1051, %dma_wait3A_1052] : memref<4x128x64xf32, #tpu.memory_space<vmem>> -> memref<1x128x64xf32, #tpu.memory_space<vmem>>
    %dma_wait3A_1054 = tpu.memref_squeeze %dma_wait3A_1053 : memref<1x128x64xf32, #tpu.memory_space<vmem>> -> memref<128x64xf32, #tpu.memory_space<vmem>>
    tpu.wait_dma2 semaphore(%dma_wait3A_1048 : memref<!tpu.dma_semaphore, #tpu.memory_space<semaphore_mem>>) src(%dma_wait3A_1054 : memref<128x64xf32, #tpu.memory_space<vmem>>) dst(%dma_wait3A_1050 : memref<128x64xf32, #tpu.memory_space<hbm>>)
    return
  }
}

module attributes {stable_mosaic.version = 14 : i64} {
  func.func @_tc_body(%arg0: i32, %arg1: memref<512x256xf32, #tpu.memory_space<vmem>>, %arg2: memref<4x1024x64xf32, #tpu.memory_space<vmem>>, %arg3: memref<512x4x1024xf32, #tpu.memory_space<vmem>>, %arg4: memref<16x128xi32, #tpu.memory_space<vmem>>, %arg5: memref<1x1xf32, #tpu.memory_space<smem>>, %arg6: memref<4x1024xf32, #tpu.memory_space<vmem>>) attributes {dimension_semantics = [#tpu.dimension_semantics<arbitrary>], iteration_bounds = array<i64: 32>, scalar_prefetch = 0 : i64, scratch_operands = 1 : i64, tpu.core_type = #tpu.core_type<tc>, window_params = [{transform_indices = @transform_0, window_bounds = array<i64: 512, 256>}, {pipeline_mode = #tpu.pipeline_mode<synchronous>, transform_indices = @transform_1, window_bounds = array<i64: 4, 1024, 64>}, {transform_indices = @transform_2, window_bounds = array<i64: 512, 4, 1024>}, {transform_indices = @transform_3, window_bounds = array<i64: 16, 128>}, {transform_indices = @transform_4, window_bounds = array<i64: 1, 1>}]} {
    %eq3A = arith.constant 0 : i32
    %eq3A_0 = arith.cmpi eq, %arg0, %eq3A : i32
    %convert_element_type3A = arith.extui %eq3A_0 : i1 to i32
    %cond3A = arith.constant 0 : i32
    %cond3A_1 = arith.cmpi ne, %convert_element_type3A, %cond3A : i32
    scf.if %cond3A_1 {
      %swap3A_501 = arith.constant 0.000000e+00 : f32
      %swap3A_502 = arith.constant 0 : index
      %swap3A_503 = arith.constant 0 : index
      %swap3A_504 = memref.load %arg5[%swap3A_502, %swap3A_503] : memref<1x1xf32, #tpu.memory_space<smem>>
      memref.store %swap3A_501, %arg5[%swap3A_502, %swap3A_503] : memref<1x1xf32, #tpu.memory_space<smem>>
      %get3A_505 = arith.constant 0 : index
      %get3A_506 = arith.constant 0 : index
      %get3A_507 = arith.constant 0 : index
      %get3A_508 = vector.load %arg2[%get3A_505, %get3A_506, %get3A_507] : memref<4x1024x64xf32, #tpu.memory_space<vmem>>, vector<1x1024x64xf32>
      %get3A_509 = vector.shape_cast %get3A_508 : vector<1x1024x64xf32> to vector<1024x64xf32>
      %get3A_510 = arith.constant 0 : index
      %get3A_511 = arith.constant 0 : index
      %get3A_512 = arith.constant 0 : index
      %get3A_513 = vector.load %arg2[%get3A_510, %get3A_511, %get3A_512] : memref<4x1024x64xf32, #tpu.memory_space<vmem>>, vector<1x1024x64xf32>
      %get3A_514 = vector.shape_cast %get3A_513 : vector<1x1024x64xf32> to vector<1024x64xf32>
      %mul3A_515 = arith.mulf %get3A_509, %get3A_514 : vector<1024x64xf32>
      %reduce_sum3A_516 = arith.constant dense<0.000000e+00> : vector<1024xf32>
      %reduce_sum3A_517 = vector.multi_reduction <add>, %mul3A_515, %reduce_sum3A_516 [1] : vector<1024x64xf32> to vector<1024xf32>
      %swap3A_518 = arith.constant 0 : index
      %swap3A_519 = arith.constant 0 : index
      %swap3A_520 = vector.load %arg6[%swap3A_518, %swap3A_519] : memref<4x1024xf32, #tpu.memory_space<vmem>>, vector<1x1024xf32>
      %swap3A_521 = vector.shape_cast %swap3A_520 : vector<1x1024xf32> to vector<1024xf32>
      %swap3A_522 = vector.shape_cast %reduce_sum3A_517 : vector<1024xf32> to vector<1x1024xf32>
      tpu.vector_store %arg6[%swap3A_518, %swap3A_519], %swap3A_522 {strides = array<i32>} : memref<4x1024xf32, #tpu.memory_space<vmem>>, vector<1x1024xf32>,
      %get3A_523 = arith.constant 1 : index
      %get3A_524 = arith.constant 0 : index
      %get3A_525 = arith.constant 0 : index
      %get3A_526 = vector.load %arg2[%get3A_523, %get3A_524, %get3A_525] : memref<4x1024x64xf32, #tpu.memory_space<vmem>>, vector<1x1024x64xf32>
      %get3A_527 = vector.shape_cast %get3A_526 : vector<1x1024x64xf32> to vector<1024x64xf32>
      %get3A_528 = arith.constant 1 : index
      %get3A_529 = arith.constant 0 : index
      %get3A_530 = arith.constant 0 : index
      %get3A_531 = vector.load %arg2[%get3A_528, %get3A_529, %get3A_530] : memref<4x1024x64xf32, #tpu.memory_space<vmem>>, vector<1x1024x64xf32>
      %get3A_532 = vector.shape_cast %get3A_531 : vector<1x1024x64xf32> to vector<1024x64xf32>
      %mul3A_533 = arith.mulf %get3A_527, %get3A_532 : vector<1024x64xf32>
      %reduce_sum3A_534 = arith.constant dense<0.000000e+00> : vector<1024xf32>
      %reduce_sum3A_535 = vector.multi_reduction <add>, %mul3A_533, %reduce_sum3A_534 [1] : vector<1024x64xf32> to vector<1024xf32>
      %swap3A_536 = arith.constant 1 : index
      %swap3A_537 = arith.constant 0 : index
      %swap3A_538 = vector.load %arg6[%swap3A_536, %swap3A_537] : memref<4x1024xf32, #tpu.memory_space<vmem>>, vector<1x1024xf32>
      %swap3A_539 = vector.shape_cast %swap3A_538 : vector<1x1024xf32> to vector<1024xf32>
      %swap3A_540 = vector.shape_cast %reduce_sum3A_535 : vector<1024xf32> to vector<1x1024xf32>
      tpu.vector_store %arg6[%swap3A_536, %swap3A_537], %swap3A_540 {strides = array<i32>} : memref<4x1024xf32, #tpu.memory_space<vmem>>, vector<1x1024xf32>,
      %get3A_541 = arith.constant 2 : index
      %get3A_542 = arith.constant 0 : index
      %get3A_543 = arith.constant 0 : index
      %get3A_544 = vector.load %arg2[%get3A_541, %get3A_542, %get3A_543] : memref<4x1024x64xf32, #tpu.memory_space<vmem>>, vector<1x1024x64xf32>
      %get3A_545 = vector.shape_cast %get3A_544 : vector<1x1024x64xf32> to vector<1024x64xf32>
      %get3A_546 = arith.constant 2 : index
      %get3A_547 = arith.constant 0 : index
      %get3A_548 = arith.constant 0 : index
      %get3A_549 = vector.load %arg2[%get3A_546, %get3A_547, %get3A_548] : memref<4x1024x64xf32, #tpu.memory_space<vmem>>, vector<1x1024x64xf32>
      %get3A_550 = vector.shape_cast %get3A_549 : vector<1x1024x64xf32> to vector<1024x64xf32>
      %mul3A_551 = arith.mulf %get3A_545, %get3A_550 : vector<1024x64xf32>
      %reduce_sum3A_552 = arith.constant dense<0.000000e+00> : vector<1024xf32>
      %reduce_sum3A_553 = vector.multi_reduction <add>, %mul3A_551, %reduce_sum3A_552 [1] : vector<1024x64xf32> to vector<1024xf32>
      %swap3A_554 = arith.constant 2 : index
      %swap3A_555 = arith.constant 0 : index
      %swap3A_556 = vector.load %arg6[%swap3A_554, %swap3A_555] : memref<4x1024xf32, #tpu.memory_space<vmem>>, vector<1x1024xf32>
      %swap3A_557 = vector.shape_cast %swap3A_556 : vector<1x1024xf32> to vector<1024xf32>
      %swap3A_558 = vector.shape_cast %reduce_sum3A_553 : vector<1024xf32> to vector<1x1024xf32>
      tpu.vector_store %arg6[%swap3A_554, %swap3A_555], %swap3A_558 {strides = array<i32>} : memref<4x1024xf32, #tpu.memory_space<vmem>>, vector<1x1024xf32>,
      %get3A_559 = arith.constant 3 : index
      %get3A_560 = arith.constant 0 : index
      %get3A_561 = arith.constant 0 : index
      %get3A_562 = vector.load %arg2[%get3A_559, %get3A_560, %get3A_561] : memref<4x1024x64xf32, #tpu.memory_space<vmem>>, vector<1x1024x64xf32>
      %get3A_563 = vector.shape_cast %get3A_562 : vector<1x1024x64xf32> to vector<1024x64xf32>
      %get3A_564 = arith.constant 3 : index
      %get3A_565 = arith.constant 0 : index
      %get3A_566 = arith.constant 0 : index
      %get3A_567 = vector.load %arg2[%get3A_564, %get3A_565, %get3A_566] : memref<4x1024x64xf32, #tpu.memory_space<vmem>>, vector<1x1024x64xf32>
      %get3A_568 = vector.shape_cast %get3A_567 : vector<1x1024x64xf32> to vector<1024x64xf32>
      %mul3A_569 = arith.mulf %get3A_563, %get3A_568 : vector<1024x64xf32>
      %reduce_sum3A_570 = arith.constant dense<0.000000e+00> : vector<1024xf32>
      %reduce_sum3A_571 = vector.multi_reduction <add>, %mul3A_569, %reduce_sum3A_570 [1] : vector<1024x64xf32> to vector<1024xf32>
      %swap3A_572 = arith.constant 3 : index
      %swap3A_573 = arith.constant 0 : index
      %swap3A_574 = vector.load %arg6[%swap3A_572, %swap3A_573] : memref<4x1024xf32, #tpu.memory_space<vmem>>, vector<1x1024xf32>
      %swap3A_575 = vector.shape_cast %swap3A_574 : vector<1x1024xf32> to vector<1024xf32>
      %swap3A_576 = vector.shape_cast %reduce_sum3A_571 : vector<1024xf32> to vector<1x1024xf32>
      tpu.vector_store %arg6[%swap3A_572, %swap3A_573], %swap3A_576 {strides = array<i32>} : memref<4x1024xf32, #tpu.memory_space<vmem>>, vector<1x1024xf32>,
    } else {
    }
    %get3A = arith.constant 0 : index
    %get3A_2 = arith.constant 0 : index
    %get3A_3 = vector.load %arg1[%get3A, %get3A_2] : memref<512x256xf32, #tpu.memory_space<vmem>>, vector<512x64xf32>
    %mul3A = arith.constant -2.000000e+00 : f32
    %mul3A_4 = vector.broadcast %mul3A : f32 to vector<512x64xf32>
    %mul3A_5 = arith.mulf %mul3A_4, %get3A_3 : vector<512x64xf32>
    %get3A_6 = arith.constant 0 : index
    %get3A_7 = arith.constant 0 : index
    %get3A_8 = arith.constant 0 : index
    %get3A_9 = vector.load %arg2[%get3A_6, %get3A_7, %get3A_8] : memref<4x1024x64xf32, #tpu.memory_space<vmem>>, vector<1x1024x64xf32>
    %get3A_10 = vector.shape_cast %get3A_9 : vector<1x1024x64xf32> to vector<1024x64xf32>
    %dot_general3A = arith.constant dense<0.000000e+00> : vector<512x1024xf32>
    %dot_general3A_11 = tpu.matmul %mul3A_5, %get3A_10, %dot_general3A {dimension_numbers = #tpu.dot_dimension_numbers<[1], [1], [0], [0], [0, 0, 1, 0], [], []>, transpose_lhs_hint = false} : vector<512x64xf32>, vector<1024x64xf32>, vector<512x1024xf32> -> vector<512x1024xf32>
    %mul3A_12 = arith.mulf %get3A_3, %get3A_3 : vector<512x64xf32>
    %reduce_sum3A = arith.constant dense<0.000000e+00> : vector<512xf32>
    %reduce_sum3A_13 = vector.multi_reduction <add>, %mul3A_12, %reduce_sum3A [1] : vector<512x64xf32> to vector<512xf32>
    %broadcast_in_dim3A = vector.shape_cast %reduce_sum3A_13 : vector<512xf32> to vector<512x1xf32>
    %get3A_14 = arith.constant 0 : index
    %get3A_15 = arith.constant 0 : index
    %get3A_16 = vector.load %arg6[%get3A_14, %get3A_15] : memref<4x1024xf32, #tpu.memory_space<vmem>>, vector<1x1024xf32>
    %get3A_17 = vector.shape_cast %get3A_16 : vector<1x1024xf32> to vector<1024xf32>
    %broadcast_in_dim3A_18 = vector.shape_cast %get3A_17 : vector<1024xf32> to vector<1x1024xf32>
    %add3A = vector.broadcast %broadcast_in_dim3A : vector<512x1xf32> to vector<512x1024xf32>
    %add3A_19 = vector.broadcast %broadcast_in_dim3A_18 : vector<1x1024xf32> to vector<512x1024xf32>
    %add3A_20 = arith.addf %add3A, %add3A_19 : vector<512x1024xf32>
    %add3A_21 = arith.addf %add3A_20, %dot_general3A_11 : vector<512x1024xf32>
    %swap3A = arith.constant 0 : index
    %swap3A_22 = arith.constant 0 : index
    %swap3A_23 = arith.constant 0 : index
    %swap3A_24 = vector.load %arg3[%swap3A, %swap3A_22, %swap3A_23] : memref<512x4x1024xf32, #tpu.memory_space<vmem>>, vector<512x1x1024xf32>
    %swap3A_25 = vector.shape_cast %swap3A_24 : vector<512x1x1024xf32> to vector<512x1024xf32>
    %swap3A_26 = vector.shape_cast %add3A_21 : vector<512x1024xf32> to vector<512x1x1024xf32>
    tpu.vector_store %arg3[%swap3A, %swap3A_22, %swap3A_23], %swap3A_26 {strides = array<i32>} : memref<512x4x1024xf32, #tpu.memory_space<vmem>>, vector<512x1x1024xf32>,
    %slice3A = vector.extract_strided_slice %add3A_21 {offsets = [0, 0], sizes = [512, 128], strides = [1, 1]} : vector<512x1024xf32> to vector<512x128xf32>
    %broadcast_in_dim3A_27 = arith.constant 0 : i32
    %broadcast_in_dim3A_28 = vector.broadcast %broadcast_in_dim3A_27 : i32 to vector<512x128xi32>
    %slice3A_29 = vector.extract_strided_slice %add3A_21 {offsets = [0, 128], sizes = [512, 128], strides = [1, 1]} : vector<512x1024xf32> to vector<512x128xf32>
    %lt3A = arith.cmpf olt, %slice3A_29, %slice3A : vector<512x128xf32>
    %min3A = arith.minimumf %slice3A_29, %slice3A : vector<512x128xf32>
    %jit3A = arith.constant 1 : i32
    %broadcast_in_dim3A_30 = vector.broadcast %jit3A : i32 to vector<512x128xi32>
    %select_n3A = arith.select %lt3A, %broadcast_in_dim3A_30, %broadcast_in_dim3A_28 : vector<512x128xi1>, vector<512x128xi32>
    %slice3A_31 = vector.extract_strided_slice %add3A_21 {offsets = [0, 256], sizes = [512, 128], strides = [1, 1]} : vector<512x1024xf32> to vector<512x128xf32>
    %lt3A_32 = arith.cmpf olt, %slice3A_31, %min3A : vector<512x128xf32>
    %min3A_33 = arith.minimumf %slice3A_31, %min3A : vector<512x128xf32>
    %jit3A_34 = arith.constant 2 : i32
    %broadcast_in_dim3A_35 = vector.broadcast %jit3A_34 : i32 to vector<512x128xi32>
    %select_n3A_36 = arith.select %lt3A_32, %broadcast_in_dim3A_35, %select_n3A : vector<512x128xi1>, vector<512x128xi32>
    %slice3A_37 = vector.extract_strided_slice %add3A_21 {offsets = [0, 384], sizes = [512, 128], strides = [1, 1]} : vector<512x1024xf32> to vector<512x128xf32>
    %lt3A_38 = arith.cmpf olt, %slice3A_37, %min3A_33 : vector<512x128xf32>
    %min3A_39 = arith.minimumf %slice3A_37, %min3A_33 : vector<512x128xf32>
    %jit3A_40 = arith.constant 3 : i32
    %broadcast_in_dim3A_41 = vector.broadcast %jit3A_40 : i32 to vector<512x128xi32>
    %select_n3A_42 = arith.select %lt3A_38, %broadcast_in_dim3A_41, %select_n3A_36 : vector<512x128xi1>, vector<512x128xi32>
    %slice3A_43 = vector.extract_strided_slice %add3A_21 {offsets = [0, 512], sizes = [512, 128], strides = [1, 1]} : vector<512x1024xf32> to vector<512x128xf32>
    %lt3A_44 = arith.cmpf olt, %slice3A_43, %min3A_39 : vector<512x128xf32>
    %min3A_45 = arith.minimumf %slice3A_43, %min3A_39 : vector<512x128xf32>
    %jit3A_46 = arith.constant 4 : i32
    %broadcast_in_dim3A_47 = vector.broadcast %jit3A_46 : i32 to vector<512x128xi32>
    %select_n3A_48 = arith.select %lt3A_44, %broadcast_in_dim3A_47, %select_n3A_42 : vector<512x128xi1>, vector<512x128xi32>
    %slice3A_49 = vector.extract_strided_slice %add3A_21 {offsets = [0, 640], sizes = [512, 128], strides = [1, 1]} : vector<512x1024xf32> to vector<512x128xf32>
    %lt3A_50 = arith.cmpf olt, %slice3A_49, %min3A_45 : vector<512x128xf32>
    %min3A_51 = arith.minimumf %slice3A_49, %min3A_45 : vector<512x128xf32>
    %jit3A_52 = arith.constant 5 : i32
    %broadcast_in_dim3A_53 = vector.broadcast %jit3A_52 : i32 to vector<512x128xi32>
    %select_n3A_54 = arith.select %lt3A_50, %broadcast_in_dim3A_53, %select_n3A_48 : vector<512x128xi1>, vector<512x128xi32>
    %slice3A_55 = vector.extract_strided_slice %add3A_21 {offsets = [0, 768], sizes = [512, 128], strides = [1, 1]} : vector<512x1024xf32> to vector<512x128xf32>
    %lt3A_56 = arith.cmpf olt, %slice3A_55, %min3A_51 : vector<512x128xf32>
    %min3A_57 = arith.minimumf %slice3A_55, %min3A_51 : vector<512x128xf32>
    %jit3A_58 = arith.constant 6 : i32
    %broadcast_in_dim3A_59 = vector.broadcast %jit3A_58 : i32 to vector<512x128xi32>
    %select_n3A_60 = arith.select %lt3A_56, %broadcast_in_dim3A_59, %select_n3A_54 : vector<512x128xi1>, vector<512x128xi32>
    %slice3A_61 = vector.extract_strided_slice %add3A_21 {offsets = [0, 896], sizes = [512, 128], strides = [1, 1]} : vector<512x1024xf32> to vector<512x128xf32>
    %lt3A_62 = arith.cmpf olt, %slice3A_61, %min3A_57 : vector<512x128xf32>
    %min3A_63 = arith.minimumf %slice3A_61, %min3A_57 : vector<512x128xf32>
    %jit3A_64 = arith.constant 7 : i32
    %broadcast_in_dim3A_65 = vector.broadcast %jit3A_64 : i32 to vector<512x128xi32>
    %select_n3A_66 = arith.select %lt3A_62, %broadcast_in_dim3A_65, %select_n3A_60 : vector<512x128xi1>, vector<512x128xi32>
    %reduce_min3A = arith.constant dense<0x7F800000> : vector<512xf32>
    %reduce_min3A_67 = vector.multi_reduction <minimumf>, %min3A_63, %reduce_min3A [1] : vector<512x128xf32> to vector<512xf32>
    %mul3A_68 = arith.constant 128 : i32
    %mul3A_69 = vector.broadcast %mul3A_68 : i32 to vector<512x128xi32>
    %mul3A_70 = arith.muli %select_n3A_66, %mul3A_69 : vector<512x128xi32>
    %iota3A = tpu.iota {dimensions = array<i32: 1>} : vector<512x128xi32>
    %add3A_71 = arith.addi %mul3A_70, %iota3A : vector<512x128xi32>
    %broadcast_in_dim3A_72 = vector.shape_cast %reduce_min3A_67 : vector<512xf32> to vector<512x1xf32>
    %eq3A_73 = vector.broadcast %broadcast_in_dim3A_72 : vector<512x1xf32> to vector<512x128xf32>
    %eq3A_74 = arith.cmpf oeq, %min3A_63, %eq3A_73 : vector<512x128xf32>
    %jit3A_75 = arith.constant 1024 : i32
    %broadcast_in_dim3A_76 = vector.broadcast %jit3A_75 : i32 to vector<512x128xi32>
    %select_n3A_77 = arith.select %eq3A_74, %add3A_71, %broadcast_in_dim3A_76 : vector<512x128xi1>, vector<512x128xi32>
    %reduce_min3A_78 = arith.constant dense<2147483647> : vector<512xi32>
    %reduce_min3A_79 = vector.multi_reduction <minsi>, %select_n3A_77, %reduce_min3A_78 [1] : vector<512x128xi32> to vector<512xi32>
    %add3A_80 = arith.constant 0 : i32
    %add3A_81 = vector.broadcast %add3A_80 : i32 to vector<512xi32>
    %add3A_82 = arith.addi %reduce_min3A_79, %add3A_81 : vector<512xi32>
    %slice3A_83 = vector.extract_strided_slice %add3A_82 {offsets = [0], sizes = [128], strides = [1]} : vector<512xi32> to vector<128xi32>
    %swap3A_84 = arith.constant 0 : index
    %swap3A_85 = arith.constant 0 : index
    %swap3A_86 = vector.load %arg4[%swap3A_84, %swap3A_85] : memref<16x128xi32, #tpu.memory_space<vmem>>, vector<1x128xi32>
    %swap3A_87 = vector.shape_cast %swap3A_86 : vector<1x128xi32> to vector<128xi32>
    %swap3A_88 = vector.shape_cast %slice3A_83 : vector<128xi32> to vector<1x128xi32>
    tpu.vector_store %arg4[%swap3A_84, %swap3A_85], %swap3A_88 {strides = array<i32>} : memref<16x128xi32, #tpu.memory_space<vmem>>, vector<1x128xi32>,
    %slice3A_89 = vector.extract_strided_slice %add3A_82 {offsets = [128], sizes = [128], strides = [1]} : vector<512xi32> to vector<128xi32>
    %swap3A_90 = arith.constant 1 : index
    %swap3A_91 = arith.constant 0 : index
    %swap3A_92 = vector.load %arg4[%swap3A_90, %swap3A_91] : memref<16x128xi32, #tpu.memory_space<vmem>>, vector<1x128xi32>
    %swap3A_93 = vector.shape_cast %swap3A_92 : vector<1x128xi32> to vector<128xi32>
    %swap3A_94 = vector.shape_cast %slice3A_89 : vector<128xi32> to vector<1x128xi32>
    tpu.vector_store %arg4[%swap3A_90, %swap3A_91], %swap3A_94 {strides = array<i32>} : memref<16x128xi32, #tpu.memory_space<vmem>>, vector<1x128xi32>,
    %slice3A_95 = vector.extract_strided_slice %add3A_82 {offsets = [256], sizes = [128], strides = [1]} : vector<512xi32> to vector<128xi32>
    %swap3A_96 = arith.constant 2 : index
    %swap3A_97 = arith.constant 0 : index
    %swap3A_98 = vector.load %arg4[%swap3A_96, %swap3A_97] : memref<16x128xi32, #tpu.memory_space<vmem>>, vector<1x128xi32>
    %swap3A_99 = vector.shape_cast %swap3A_98 : vector<1x128xi32> to vector<128xi32>
    %swap3A_100 = vector.shape_cast %slice3A_95 : vector<128xi32> to vector<1x128xi32>
    tpu.vector_store %arg4[%swap3A_96, %swap3A_97], %swap3A_100 {strides = array<i32>} : memref<16x128xi32, #tpu.memory_space<vmem>>, vector<1x128xi32>,
    %slice3A_101 = vector.extract_strided_slice %add3A_82 {offsets = [384], sizes = [128], strides = [1]} : vector<512xi32> to vector<128xi32>
    %swap3A_102 = arith.constant 3 : index
    %swap3A_103 = arith.constant 0 : index
    %swap3A_104 = vector.load %arg4[%swap3A_102, %swap3A_103] : memref<16x128xi32, #tpu.memory_space<vmem>>, vector<1x128xi32>
    %swap3A_105 = vector.shape_cast %swap3A_104 : vector<1x128xi32> to vector<128xi32>
    %swap3A_106 = vector.shape_cast %slice3A_101 : vector<128xi32> to vector<1x128xi32>
    tpu.vector_store %arg4[%swap3A_102, %swap3A_103], %swap3A_106 {strides = array<i32>} : memref<16x128xi32, #tpu.memory_space<vmem>>, vector<1x128xi32>,
    %reduce_sum3A_107 = vector.shape_cast %reduce_min3A_67 : vector<512xf32> to vector<1x512xf32>
    %reduce_sum3A_108 = arith.constant dense<0.000000e+00> : vector<1xf32>
    %reduce_sum3A_109 = vector.multi_reduction <add>, %reduce_sum3A_107, %reduce_sum3A_108 [1] : vector<1x512xf32> to vector<1xf32>
    %reduce_sum3A_110 = vector.shape_cast %reduce_sum3A_109 : vector<1xf32> to vector<1x1xf32>
    %reduce_sum3A_111 = vector.extract %reduce_sum3A_110[0, 0] : f32 from vector<1x1xf32>
    %add3A_112 = arith.constant 0.000000e+00 : f32
    %add3A_113 = arith.addf %add3A_112, %reduce_sum3A_111 : f32
    %get3A_114 = arith.constant 0 : index
    %get3A_115 = arith.constant 64 : index
    %get3A_116 = vector.load %arg1[%get3A_114, %get3A_115] : memref<512x256xf32, #tpu.memory_space<vmem>>, vector<512x64xf32>
    %mul3A_117 = arith.constant -2.000000e+00 : f32
    %mul3A_118 = vector.broadcast %mul3A_117 : f32 to vector<512x64xf32>
    %mul3A_119 = arith.mulf %mul3A_118, %get3A_116 : vector<512x64xf32>
    %get3A_120 = arith.constant 1 : index
    %get3A_121 = arith.constant 0 : index
    %get3A_122 = arith.constant 0 : index
    %get3A_123 = vector.load %arg2[%get3A_120, %get3A_121, %get3A_122] : memref<4x1024x64xf32, #tpu.memory_space<vmem>>, vector<1x1024x64xf32>
    %get3A_124 = vector.shape_cast %get3A_123 : vector<1x1024x64xf32> to vector<1024x64xf32>
    %dot_general3A_125 = arith.constant dense<0.000000e+00> : vector<512x1024xf32>
    %dot_general3A_126 = tpu.matmul %mul3A_119, %get3A_124, %dot_general3A_125 {dimension_numbers = #tpu.dot_dimension_numbers<[1], [1], [0], [0], [0, 0, 1, 0], [], []>, transpose_lhs_hint = false} : vector<512x64xf32>, vector<1024x64xf32>, vector<512x1024xf32> -> vector<512x1024xf32>
    %mul3A_127 = arith.mulf %get3A_116, %get3A_116 : vector<512x64xf32>
    %reduce_sum3A_128 = arith.constant dense<0.000000e+00> : vector<512xf32>
    %reduce_sum3A_129 = vector.multi_reduction <add>, %mul3A_127, %reduce_sum3A_128 [1] : vector<512x64xf32> to vector<512xf32>
    %broadcast_in_dim3A_130 = vector.shape_cast %reduce_sum3A_129 : vector<512xf32> to vector<512x1xf32>
    %get3A_131 = arith.constant 1 : index
    %get3A_132 = arith.constant 0 : index
    %get3A_133 = vector.load %arg6[%get3A_131, %get3A_132] : memref<4x1024xf32, #tpu.memory_space<vmem>>, vector<1x1024xf32>
    %get3A_134 = vector.shape_cast %get3A_133 : vector<1x1024xf32> to vector<1024xf32>
    %broadcast_in_dim3A_135 = vector.shape_cast %get3A_134 : vector<1024xf32> to vector<1x1024xf32>
    %add3A_136 = vector.broadcast %broadcast_in_dim3A_130 : vector<512x1xf32> to vector<512x1024xf32>
    %add3A_137 = vector.broadcast %broadcast_in_dim3A_135 : vector<1x1024xf32> to vector<512x1024xf32>
    %add3A_138 = arith.addf %add3A_136, %add3A_137 : vector<512x1024xf32>
    %add3A_139 = arith.addf %add3A_138, %dot_general3A_126 : vector<512x1024xf32>
    %swap3A_140 = arith.constant 0 : index
    %swap3A_141 = arith.constant 1 : index
    %swap3A_142 = arith.constant 0 : index
    %swap3A_143 = vector.load %arg3[%swap3A_140, %swap3A_141, %swap3A_142] : memref<512x4x1024xf32, #tpu.memory_space<vmem>>, vector<512x1x1024xf32>
    %swap3A_144 = vector.shape_cast %swap3A_143 : vector<512x1x1024xf32> to vector<512x1024xf32>
    %swap3A_145 = vector.shape_cast %add3A_139 : vector<512x1024xf32> to vector<512x1x1024xf32>
    tpu.vector_store %arg3[%swap3A_140, %swap3A_141, %swap3A_142], %swap3A_145 {strides = array<i32>} : memref<512x4x1024xf32, #tpu.memory_space<vmem>>, vector<512x1x1024xf32>,
    %slice3A_146 = vector.extract_strided_slice %add3A_139 {offsets = [0, 0], sizes = [512, 128], strides = [1, 1]} : vector<512x1024xf32> to vector<512x128xf32>
    %broadcast_in_dim3A_147 = arith.constant 0 : i32
    %broadcast_in_dim3A_148 = vector.broadcast %broadcast_in_dim3A_147 : i32 to vector<512x128xi32>
    %slice3A_149 = vector.extract_strided_slice %add3A_139 {offsets = [0, 128], sizes = [512, 128], strides = [1, 1]} : vector<512x1024xf32> to vector<512x128xf32>
    %lt3A_150 = arith.cmpf olt, %slice3A_149, %slice3A_146 : vector<512x128xf32>
    %min3A_151 = arith.minimumf %slice3A_149, %slice3A_146 : vector<512x128xf32>
    %jit3A_152 = arith.constant 1 : i32
    %broadcast_in_dim3A_153 = vector.broadcast %jit3A_152 : i32 to vector<512x128xi32>
    %select_n3A_154 = arith.select %lt3A_150, %broadcast_in_dim3A_153, %broadcast_in_dim3A_148 : vector<512x128xi1>, vector<512x128xi32>
    %slice3A_155 = vector.extract_strided_slice %add3A_139 {offsets = [0, 256], sizes = [512, 128], strides = [1, 1]} : vector<512x1024xf32> to vector<512x128xf32>
    %lt3A_156 = arith.cmpf olt, %slice3A_155, %min3A_151 : vector<512x128xf32>
    %min3A_157 = arith.minimumf %slice3A_155, %min3A_151 : vector<512x128xf32>
    %jit3A_158 = arith.constant 2 : i32
    %broadcast_in_dim3A_159 = vector.broadcast %jit3A_158 : i32 to vector<512x128xi32>
    %select_n3A_160 = arith.select %lt3A_156, %broadcast_in_dim3A_159, %select_n3A_154 : vector<512x128xi1>, vector<512x128xi32>
    %slice3A_161 = vector.extract_strided_slice %add3A_139 {offsets = [0, 384], sizes = [512, 128], strides = [1, 1]} : vector<512x1024xf32> to vector<512x128xf32>
    %lt3A_162 = arith.cmpf olt, %slice3A_161, %min3A_157 : vector<512x128xf32>
    %min3A_163 = arith.minimumf %slice3A_161, %min3A_157 : vector<512x128xf32>
    %jit3A_164 = arith.constant 3 : i32
    %broadcast_in_dim3A_165 = vector.broadcast %jit3A_164 : i32 to vector<512x128xi32>
    %select_n3A_166 = arith.select %lt3A_162, %broadcast_in_dim3A_165, %select_n3A_160 : vector<512x128xi1>, vector<512x128xi32>
    %slice3A_167 = vector.extract_strided_slice %add3A_139 {offsets = [0, 512], sizes = [512, 128], strides = [1, 1]} : vector<512x1024xf32> to vector<512x128xf32>
    %lt3A_168 = arith.cmpf olt, %slice3A_167, %min3A_163 : vector<512x128xf32>
    %min3A_169 = arith.minimumf %slice3A_167, %min3A_163 : vector<512x128xf32>
    %jit3A_170 = arith.constant 4 : i32
    %broadcast_in_dim3A_171 = vector.broadcast %jit3A_170 : i32 to vector<512x128xi32>
    %select_n3A_172 = arith.select %lt3A_168, %broadcast_in_dim3A_171, %select_n3A_166 : vector<512x128xi1>, vector<512x128xi32>
    %slice3A_173 = vector.extract_strided_slice %add3A_139 {offsets = [0, 640], sizes = [512, 128], strides = [1, 1]} : vector<512x1024xf32> to vector<512x128xf32>
    %lt3A_174 = arith.cmpf olt, %slice3A_173, %min3A_169 : vector<512x128xf32>
    %min3A_175 = arith.minimumf %slice3A_173, %min3A_169 : vector<512x128xf32>
    %jit3A_176 = arith.constant 5 : i32
    %broadcast_in_dim3A_177 = vector.broadcast %jit3A_176 : i32 to vector<512x128xi32>
    %select_n3A_178 = arith.select %lt3A_174, %broadcast_in_dim3A_177, %select_n3A_172 : vector<512x128xi1>, vector<512x128xi32>
    %slice3A_179 = vector.extract_strided_slice %add3A_139 {offsets = [0, 768], sizes = [512, 128], strides = [1, 1]} : vector<512x1024xf32> to vector<512x128xf32>
    %lt3A_180 = arith.cmpf olt, %slice3A_179, %min3A_175 : vector<512x128xf32>
    %min3A_181 = arith.minimumf %slice3A_179, %min3A_175 : vector<512x128xf32>
    %jit3A_182 = arith.constant 6 : i32
    %broadcast_in_dim3A_183 = vector.broadcast %jit3A_182 : i32 to vector<512x128xi32>
    %select_n3A_184 = arith.select %lt3A_180, %broadcast_in_dim3A_183, %select_n3A_178 : vector<512x128xi1>, vector<512x128xi32>
    %slice3A_185 = vector.extract_strided_slice %add3A_139 {offsets = [0, 896], sizes = [512, 128], strides = [1, 1]} : vector<512x1024xf32> to vector<512x128xf32>
    %lt3A_186 = arith.cmpf olt, %slice3A_185, %min3A_181 : vector<512x128xf32>
    %min3A_187 = arith.minimumf %slice3A_185, %min3A_181 : vector<512x128xf32>
    %jit3A_188 = arith.constant 7 : i32
    %broadcast_in_dim3A_189 = vector.broadcast %jit3A_188 : i32 to vector<512x128xi32>
    %select_n3A_190 = arith.select %lt3A_186, %broadcast_in_dim3A_189, %select_n3A_184 : vector<512x128xi1>, vector<512x128xi32>
    %reduce_min3A_191 = arith.constant dense<0x7F800000> : vector<512xf32>
    %reduce_min3A_192 = vector.multi_reduction <minimumf>, %min3A_187, %reduce_min3A_191 [1] : vector<512x128xf32> to vector<512xf32>
    %mul3A_193 = arith.constant 128 : i32
    %mul3A_194 = vector.broadcast %mul3A_193 : i32 to vector<512x128xi32>
    %mul3A_195 = arith.muli %select_n3A_190, %mul3A_194 : vector<512x128xi32>
    %iota3A_196 = tpu.iota {dimensions = array<i32: 1>} : vector<512x128xi32>
    %add3A_197 = arith.addi %mul3A_195, %iota3A_196 : vector<512x128xi32>
    %broadcast_in_dim3A_198 = vector.shape_cast %reduce_min3A_192 : vector<512xf32> to vector<512x1xf32>
    %eq3A_199 = vector.broadcast %broadcast_in_dim3A_198 : vector<512x1xf32> to vector<512x128xf32>
    %eq3A_200 = arith.cmpf oeq, %min3A_187, %eq3A_199 : vector<512x128xf32>
    %jit3A_201 = arith.constant 1024 : i32
    %broadcast_in_dim3A_202 = vector.broadcast %jit3A_201 : i32 to vector<512x128xi32>
    %select_n3A_203 = arith.select %eq3A_200, %add3A_197, %broadcast_in_dim3A_202 : vector<512x128xi1>, vector<512x128xi32>
    %reduce_min3A_204 = arith.constant dense<2147483647> : vector<512xi32>
    %reduce_min3A_205 = vector.multi_reduction <minsi>, %select_n3A_203, %reduce_min3A_204 [1] : vector<512x128xi32> to vector<512xi32>
    %add3A_206 = arith.constant 1024 : i32
    %add3A_207 = vector.broadcast %add3A_206 : i32 to vector<512xi32>
    %add3A_208 = arith.addi %reduce_min3A_205, %add3A_207 : vector<512xi32>
    %slice3A_209 = vector.extract_strided_slice %add3A_208 {offsets = [0], sizes = [128], strides = [1]} : vector<512xi32> to vector<128xi32>
    %swap3A_210 = arith.constant 4 : index
    %swap3A_211 = arith.constant 0 : index
    %swap3A_212 = vector.load %arg4[%swap3A_210, %swap3A_211] : memref<16x128xi32, #tpu.memory_space<vmem>>, vector<1x128xi32>
    %swap3A_213 = vector.shape_cast %swap3A_212 : vector<1x128xi32> to vector<128xi32>
    %swap3A_214 = vector.shape_cast %slice3A_209 : vector<128xi32> to vector<1x128xi32>
    tpu.vector_store %arg4[%swap3A_210, %swap3A_211], %swap3A_214 {strides = array<i32>} : memref<16x128xi32, #tpu.memory_space<vmem>>, vector<1x128xi32>,
    %slice3A_215 = vector.extract_strided_slice %add3A_208 {offsets = [128], sizes = [128], strides = [1]} : vector<512xi32> to vector<128xi32>
    %swap3A_216 = arith.constant 5 : index
    %swap3A_217 = arith.constant 0 : index
    %swap3A_218 = vector.load %arg4[%swap3A_216, %swap3A_217] : memref<16x128xi32, #tpu.memory_space<vmem>>, vector<1x128xi32>
    %swap3A_219 = vector.shape_cast %swap3A_218 : vector<1x128xi32> to vector<128xi32>
    %swap3A_220 = vector.shape_cast %slice3A_215 : vector<128xi32> to vector<1x128xi32>
    tpu.vector_store %arg4[%swap3A_216, %swap3A_217], %swap3A_220 {strides = array<i32>} : memref<16x128xi32, #tpu.memory_space<vmem>>, vector<1x128xi32>,
    %slice3A_221 = vector.extract_strided_slice %add3A_208 {offsets = [256], sizes = [128], strides = [1]} : vector<512xi32> to vector<128xi32>
    %swap3A_222 = arith.constant 6 : index
    %swap3A_223 = arith.constant 0 : index
    %swap3A_224 = vector.load %arg4[%swap3A_222, %swap3A_223] : memref<16x128xi32, #tpu.memory_space<vmem>>, vector<1x128xi32>
    %swap3A_225 = vector.shape_cast %swap3A_224 : vector<1x128xi32> to vector<128xi32>
    %swap3A_226 = vector.shape_cast %slice3A_221 : vector<128xi32> to vector<1x128xi32>
    tpu.vector_store %arg4[%swap3A_222, %swap3A_223], %swap3A_226 {strides = array<i32>} : memref<16x128xi32, #tpu.memory_space<vmem>>, vector<1x128xi32>,
    %slice3A_227 = vector.extract_strided_slice %add3A_208 {offsets = [384], sizes = [128], strides = [1]} : vector<512xi32> to vector<128xi32>
    %swap3A_228 = arith.constant 7 : index
    %swap3A_229 = arith.constant 0 : index
    %swap3A_230 = vector.load %arg4[%swap3A_228, %swap3A_229] : memref<16x128xi32, #tpu.memory_space<vmem>>, vector<1x128xi32>
    %swap3A_231 = vector.shape_cast %swap3A_230 : vector<1x128xi32> to vector<128xi32>
    %swap3A_232 = vector.shape_cast %slice3A_227 : vector<128xi32> to vector<1x128xi32>
    tpu.vector_store %arg4[%swap3A_228, %swap3A_229], %swap3A_232 {strides = array<i32>} : memref<16x128xi32, #tpu.memory_space<vmem>>, vector<1x128xi32>,
    %reduce_sum3A_233 = vector.shape_cast %reduce_min3A_192 : vector<512xf32> to vector<1x512xf32>
    %reduce_sum3A_234 = arith.constant dense<0.000000e+00> : vector<1xf32>
    %reduce_sum3A_235 = vector.multi_reduction <add>, %reduce_sum3A_233, %reduce_sum3A_234 [1] : vector<1x512xf32> to vector<1xf32>
    %reduce_sum3A_236 = vector.shape_cast %reduce_sum3A_235 : vector<1xf32> to vector<1x1xf32>
    %reduce_sum3A_237 = vector.extract %reduce_sum3A_236[0, 0] : f32 from vector<1x1xf32>
    %add3A_238 = arith.addf %add3A_113, %reduce_sum3A_237 : f32
    %get3A_239 = arith.constant 0 : index
    %get3A_240 = arith.constant 128 : index
    %get3A_241 = vector.load %arg1[%get3A_239, %get3A_240] : memref<512x256xf32, #tpu.memory_space<vmem>>, vector<512x64xf32>
    %mul3A_242 = arith.constant -2.000000e+00 : f32
    %mul3A_243 = vector.broadcast %mul3A_242 : f32 to vector<512x64xf32>
    %mul3A_244 = arith.mulf %mul3A_243, %get3A_241 : vector<512x64xf32>
    %get3A_245 = arith.constant 2 : index
    %get3A_246 = arith.constant 0 : index
    %get3A_247 = arith.constant 0 : index
    %get3A_248 = vector.load %arg2[%get3A_245, %get3A_246, %get3A_247] : memref<4x1024x64xf32, #tpu.memory_space<vmem>>, vector<1x1024x64xf32>
    %get3A_249 = vector.shape_cast %get3A_248 : vector<1x1024x64xf32> to vector<1024x64xf32>
    %dot_general3A_250 = arith.constant dense<0.000000e+00> : vector<512x1024xf32>
    %dot_general3A_251 = tpu.matmul %mul3A_244, %get3A_249, %dot_general3A_250 {dimension_numbers = #tpu.dot_dimension_numbers<[1], [1], [0], [0], [0, 0, 1, 0], [], []>, transpose_lhs_hint = false} : vector<512x64xf32>, vector<1024x64xf32>, vector<512x1024xf32> -> vector<512x1024xf32>
    %mul3A_252 = arith.mulf %get3A_241, %get3A_241 : vector<512x64xf32>
    %reduce_sum3A_253 = arith.constant dense<0.000000e+00> : vector<512xf32>
    %reduce_sum3A_254 = vector.multi_reduction <add>, %mul3A_252, %reduce_sum3A_253 [1] : vector<512x64xf32> to vector<512xf32>
    %broadcast_in_dim3A_255 = vector.shape_cast %reduce_sum3A_254 : vector<512xf32> to vector<512x1xf32>
    %get3A_256 = arith.constant 2 : index
    %get3A_257 = arith.constant 0 : index
    %get3A_258 = vector.load %arg6[%get3A_256, %get3A_257] : memref<4x1024xf32, #tpu.memory_space<vmem>>, vector<1x1024xf32>
    %get3A_259 = vector.shape_cast %get3A_258 : vector<1x1024xf32> to vector<1024xf32>
    %broadcast_in_dim3A_260 = vector.shape_cast %get3A_259 : vector<1024xf32> to vector<1x1024xf32>
    %add3A_261 = vector.broadcast %broadcast_in_dim3A_255 : vector<512x1xf32> to vector<512x1024xf32>
    %add3A_262 = vector.broadcast %broadcast_in_dim3A_260 : vector<1x1024xf32> to vector<512x1024xf32>
    %add3A_263 = arith.addf %add3A_261, %add3A_262 : vector<512x1024xf32>
    %add3A_264 = arith.addf %add3A_263, %dot_general3A_251 : vector<512x1024xf32>
    %swap3A_265 = arith.constant 0 : index
    %swap3A_266 = arith.constant 2 : index
    %swap3A_267 = arith.constant 0 : index
    %swap3A_268 = vector.load %arg3[%swap3A_265, %swap3A_266, %swap3A_267] : memref<512x4x1024xf32, #tpu.memory_space<vmem>>, vector<512x1x1024xf32>
    %swap3A_269 = vector.shape_cast %swap3A_268 : vector<512x1x1024xf32> to vector<512x1024xf32>
    %swap3A_270 = vector.shape_cast %add3A_264 : vector<512x1024xf32> to vector<512x1x1024xf32>
    tpu.vector_store %arg3[%swap3A_265, %swap3A_266, %swap3A_267], %swap3A_270 {strides = array<i32>} : memref<512x4x1024xf32, #tpu.memory_space<vmem>>, vector<512x1x1024xf32>,
    %slice3A_271 = vector.extract_strided_slice %add3A_264 {offsets = [0, 0], sizes = [512, 128], strides = [1, 1]} : vector<512x1024xf32> to vector<512x128xf32>
    %broadcast_in_dim3A_272 = arith.constant 0 : i32
    %broadcast_in_dim3A_273 = vector.broadcast %broadcast_in_dim3A_272 : i32 to vector<512x128xi32>
    %slice3A_274 = vector.extract_strided_slice %add3A_264 {offsets = [0, 128], sizes = [512, 128], strides = [1, 1]} : vector<512x1024xf32> to vector<512x128xf32>
    %lt3A_275 = arith.cmpf olt, %slice3A_274, %slice3A_271 : vector<512x128xf32>
    %min3A_276 = arith.minimumf %slice3A_274, %slice3A_271 : vector<512x128xf32>
    %jit3A_277 = arith.constant 1 : i32
    %broadcast_in_dim3A_278 = vector.broadcast %jit3A_277 : i32 to vector<512x128xi32>
    %select_n3A_279 = arith.select %lt3A_275, %broadcast_in_dim3A_278, %broadcast_in_dim3A_273 : vector<512x128xi1>, vector<512x128xi32>
    %slice3A_280 = vector.extract_strided_slice %add3A_264 {offsets = [0, 256], sizes = [512, 128], strides = [1, 1]} : vector<512x1024xf32> to vector<512x128xf32>
    %lt3A_281 = arith.cmpf olt, %slice3A_280, %min3A_276 : vector<512x128xf32>
    %min3A_282 = arith.minimumf %slice3A_280, %min3A_276 : vector<512x128xf32>
    %jit3A_283 = arith.constant 2 : i32
    %broadcast_in_dim3A_284 = vector.broadcast %jit3A_283 : i32 to vector<512x128xi32>
    %select_n3A_285 = arith.select %lt3A_281, %broadcast_in_dim3A_284, %select_n3A_279 : vector<512x128xi1>, vector<512x128xi32>
    %slice3A_286 = vector.extract_strided_slice %add3A_264 {offsets = [0, 384], sizes = [512, 128], strides = [1, 1]} : vector<512x1024xf32> to vector<512x128xf32>
    %lt3A_287 = arith.cmpf olt, %slice3A_286, %min3A_282 : vector<512x128xf32>
    %min3A_288 = arith.minimumf %slice3A_286, %min3A_282 : vector<512x128xf32>
    %jit3A_289 = arith.constant 3 : i32
    %broadcast_in_dim3A_290 = vector.broadcast %jit3A_289 : i32 to vector<512x128xi32>
    %select_n3A_291 = arith.select %lt3A_287, %broadcast_in_dim3A_290, %select_n3A_285 : vector<512x128xi1>, vector<512x128xi32>
    %slice3A_292 = vector.extract_strided_slice %add3A_264 {offsets = [0, 512], sizes = [512, 128], strides = [1, 1]} : vector<512x1024xf32> to vector<512x128xf32>
    %lt3A_293 = arith.cmpf olt, %slice3A_292, %min3A_288 : vector<512x128xf32>
    %min3A_294 = arith.minimumf %slice3A_292, %min3A_288 : vector<512x128xf32>
    %jit3A_295 = arith.constant 4 : i32
    %broadcast_in_dim3A_296 = vector.broadcast %jit3A_295 : i32 to vector<512x128xi32>
    %select_n3A_297 = arith.select %lt3A_293, %broadcast_in_dim3A_296, %select_n3A_291 : vector<512x128xi1>, vector<512x128xi32>
    %slice3A_298 = vector.extract_strided_slice %add3A_264 {offsets = [0, 640], sizes = [512, 128], strides = [1, 1]} : vector<512x1024xf32> to vector<512x128xf32>
    %lt3A_299 = arith.cmpf olt, %slice3A_298, %min3A_294 : vector<512x128xf32>
    %min3A_300 = arith.minimumf %slice3A_298, %min3A_294 : vector<512x128xf32>
    %jit3A_301 = arith.constant 5 : i32
    %broadcast_in_dim3A_302 = vector.broadcast %jit3A_301 : i32 to vector<512x128xi32>
    %select_n3A_303 = arith.select %lt3A_299, %broadcast_in_dim3A_302, %select_n3A_297 : vector<512x128xi1>, vector<512x128xi32>
    %slice3A_304 = vector.extract_strided_slice %add3A_264 {offsets = [0, 768], sizes = [512, 128], strides = [1, 1]} : vector<512x1024xf32> to vector<512x128xf32>
    %lt3A_305 = arith.cmpf olt, %slice3A_304, %min3A_300 : vector<512x128xf32>
    %min3A_306 = arith.minimumf %slice3A_304, %min3A_300 : vector<512x128xf32>
    %jit3A_307 = arith.constant 6 : i32
    %broadcast_in_dim3A_308 = vector.broadcast %jit3A_307 : i32 to vector<512x128xi32>
    %select_n3A_309 = arith.select %lt3A_305, %broadcast_in_dim3A_308, %select_n3A_303 : vector<512x128xi1>, vector<512x128xi32>
    %slice3A_310 = vector.extract_strided_slice %add3A_264 {offsets = [0, 896], sizes = [512, 128], strides = [1, 1]} : vector<512x1024xf32> to vector<512x128xf32>
    %lt3A_311 = arith.cmpf olt, %slice3A_310, %min3A_306 : vector<512x128xf32>
    %min3A_312 = arith.minimumf %slice3A_310, %min3A_306 : vector<512x128xf32>
    %jit3A_313 = arith.constant 7 : i32
    %broadcast_in_dim3A_314 = vector.broadcast %jit3A_313 : i32 to vector<512x128xi32>
    %select_n3A_315 = arith.select %lt3A_311, %broadcast_in_dim3A_314, %select_n3A_309 : vector<512x128xi1>, vector<512x128xi32>
    %reduce_min3A_316 = arith.constant dense<0x7F800000> : vector<512xf32>
    %reduce_min3A_317 = vector.multi_reduction <minimumf>, %min3A_312, %reduce_min3A_316 [1] : vector<512x128xf32> to vector<512xf32>
    %mul3A_318 = arith.constant 128 : i32
    %mul3A_319 = vector.broadcast %mul3A_318 : i32 to vector<512x128xi32>
    %mul3A_320 = arith.muli %select_n3A_315, %mul3A_319 : vector<512x128xi32>
    %iota3A_321 = tpu.iota {dimensions = array<i32: 1>} : vector<512x128xi32>
    %add3A_322 = arith.addi %mul3A_320, %iota3A_321 : vector<512x128xi32>
    %broadcast_in_dim3A_323 = vector.shape_cast %reduce_min3A_317 : vector<512xf32> to vector<512x1xf32>
    %eq3A_324 = vector.broadcast %broadcast_in_dim3A_323 : vector<512x1xf32> to vector<512x128xf32>
    %eq3A_325 = arith.cmpf oeq, %min3A_312, %eq3A_324 : vector<512x128xf32>
    %jit3A_326 = arith.constant 1024 : i32
    %broadcast_in_dim3A_327 = vector.broadcast %jit3A_326 : i32 to vector<512x128xi32>
    %select_n3A_328 = arith.select %eq3A_325, %add3A_322, %broadcast_in_dim3A_327 : vector<512x128xi1>, vector<512x128xi32>
    %reduce_min3A_329 = arith.constant dense<2147483647> : vector<512xi32>
    %reduce_min3A_330 = vector.multi_reduction <minsi>, %select_n3A_328, %reduce_min3A_329 [1] : vector<512x128xi32> to vector<512xi32>
    %add3A_331 = arith.constant 2048 : i32
    %add3A_332 = vector.broadcast %add3A_331 : i32 to vector<512xi32>
    %add3A_333 = arith.addi %reduce_min3A_330, %add3A_332 : vector<512xi32>
    %slice3A_334 = vector.extract_strided_slice %add3A_333 {offsets = [0], sizes = [128], strides = [1]} : vector<512xi32> to vector<128xi32>
    %swap3A_335 = arith.constant 8 : index
    %swap3A_336 = arith.constant 0 : index
    %swap3A_337 = vector.load %arg4[%swap3A_335, %swap3A_336] : memref<16x128xi32, #tpu.memory_space<vmem>>, vector<1x128xi32>
    %swap3A_338 = vector.shape_cast %swap3A_337 : vector<1x128xi32> to vector<128xi32>
    %swap3A_339 = vector.shape_cast %slice3A_334 : vector<128xi32> to vector<1x128xi32>
    tpu.vector_store %arg4[%swap3A_335, %swap3A_336], %swap3A_339 {strides = array<i32>} : memref<16x128xi32, #tpu.memory_space<vmem>>, vector<1x128xi32>,
    %slice3A_340 = vector.extract_strided_slice %add3A_333 {offsets = [128], sizes = [128], strides = [1]} : vector<512xi32> to vector<128xi32>
    %swap3A_341 = arith.constant 9 : index
    %swap3A_342 = arith.constant 0 : index
    %swap3A_343 = vector.load %arg4[%swap3A_341, %swap3A_342] : memref<16x128xi32, #tpu.memory_space<vmem>>, vector<1x128xi32>
    %swap3A_344 = vector.shape_cast %swap3A_343 : vector<1x128xi32> to vector<128xi32>
    %swap3A_345 = vector.shape_cast %slice3A_340 : vector<128xi32> to vector<1x128xi32>
    tpu.vector_store %arg4[%swap3A_341, %swap3A_342], %swap3A_345 {strides = array<i32>} : memref<16x128xi32, #tpu.memory_space<vmem>>, vector<1x128xi32>,
    %slice3A_346 = vector.extract_strided_slice %add3A_333 {offsets = [256], sizes = [128], strides = [1]} : vector<512xi32> to vector<128xi32>
    %swap3A_347 = arith.constant 10 : index
    %swap3A_348 = arith.constant 0 : index
    %swap3A_349 = vector.load %arg4[%swap3A_347, %swap3A_348] : memref<16x128xi32, #tpu.memory_space<vmem>>, vector<1x128xi32>
    %swap3A_350 = vector.shape_cast %swap3A_349 : vector<1x128xi32> to vector<128xi32>
    %swap3A_351 = vector.shape_cast %slice3A_346 : vector<128xi32> to vector<1x128xi32>
    tpu.vector_store %arg4[%swap3A_347, %swap3A_348], %swap3A_351 {strides = array<i32>} : memref<16x128xi32, #tpu.memory_space<vmem>>, vector<1x128xi32>,
    %slice3A_352 = vector.extract_strided_slice %add3A_333 {offsets = [384], sizes = [128], strides = [1]} : vector<512xi32> to vector<128xi32>
    %swap3A_353 = arith.constant 11 : index
    %swap3A_354 = arith.constant 0 : index
    %swap3A_355 = vector.load %arg4[%swap3A_353, %swap3A_354] : memref<16x128xi32, #tpu.memory_space<vmem>>, vector<1x128xi32>
    %swap3A_356 = vector.shape_cast %swap3A_355 : vector<1x128xi32> to vector<128xi32>
    %swap3A_357 = vector.shape_cast %slice3A_352 : vector<128xi32> to vector<1x128xi32>
    tpu.vector_store %arg4[%swap3A_353, %swap3A_354], %swap3A_357 {strides = array<i32>} : memref<16x128xi32, #tpu.memory_space<vmem>>, vector<1x128xi32>,
    %reduce_sum3A_358 = vector.shape_cast %reduce_min3A_317 : vector<512xf32> to vector<1x512xf32>
    %reduce_sum3A_359 = arith.constant dense<0.000000e+00> : vector<1xf32>
    %reduce_sum3A_360 = vector.multi_reduction <add>, %reduce_sum3A_358, %reduce_sum3A_359 [1] : vector<1x512xf32> to vector<1xf32>
    %reduce_sum3A_361 = vector.shape_cast %reduce_sum3A_360 : vector<1xf32> to vector<1x1xf32>
    %reduce_sum3A_362 = vector.extract %reduce_sum3A_361[0, 0] : f32 from vector<1x1xf32>
    %add3A_363 = arith.addf %add3A_238, %reduce_sum3A_362 : f32
    %get3A_364 = arith.constant 0 : index
    %get3A_365 = arith.constant 192 : index
    %get3A_366 = vector.load %arg1[%get3A_364, %get3A_365] : memref<512x256xf32, #tpu.memory_space<vmem>>, vector<512x64xf32>
    %mul3A_367 = arith.constant -2.000000e+00 : f32
    %mul3A_368 = vector.broadcast %mul3A_367 : f32 to vector<512x64xf32>
    %mul3A_369 = arith.mulf %mul3A_368, %get3A_366 : vector<512x64xf32>
    %get3A_370 = arith.constant 3 : index
    %get3A_371 = arith.constant 0 : index
    %get3A_372 = arith.constant 0 : index
    %get3A_373 = vector.load %arg2[%get3A_370, %get3A_371, %get3A_372] : memref<4x1024x64xf32, #tpu.memory_space<vmem>>, vector<1x1024x64xf32>
    %get3A_374 = vector.shape_cast %get3A_373 : vector<1x1024x64xf32> to vector<1024x64xf32>
    %dot_general3A_375 = arith.constant dense<0.000000e+00> : vector<512x1024xf32>
    %dot_general3A_376 = tpu.matmul %mul3A_369, %get3A_374, %dot_general3A_375 {dimension_numbers = #tpu.dot_dimension_numbers<[1], [1], [0], [0], [0, 0, 1, 0], [], []>, transpose_lhs_hint = false} : vector<512x64xf32>, vector<1024x64xf32>, vector<512x1024xf32> -> vector<512x1024xf32>
    %mul3A_377 = arith.mulf %get3A_366, %get3A_366 : vector<512x64xf32>
    %reduce_sum3A_378 = arith.constant dense<0.000000e+00> : vector<512xf32>
    %reduce_sum3A_379 = vector.multi_reduction <add>, %mul3A_377, %reduce_sum3A_378 [1] : vector<512x64xf32> to vector<512xf32>
    %broadcast_in_dim3A_380 = vector.shape_cast %reduce_sum3A_379 : vector<512xf32> to vector<512x1xf32>
    %get3A_381 = arith.constant 3 : index
    %get3A_382 = arith.constant 0 : index
    %get3A_383 = vector.load %arg6[%get3A_381, %get3A_382] : memref<4x1024xf32, #tpu.memory_space<vmem>>, vector<1x1024xf32>
    %get3A_384 = vector.shape_cast %get3A_383 : vector<1x1024xf32> to vector<1024xf32>
    %broadcast_in_dim3A_385 = vector.shape_cast %get3A_384 : vector<1024xf32> to vector<1x1024xf32>
    %add3A_386 = vector.broadcast %broadcast_in_dim3A_380 : vector<512x1xf32> to vector<512x1024xf32>
    %add3A_387 = vector.broadcast %broadcast_in_dim3A_385 : vector<1x1024xf32> to vector<512x1024xf32>
    %add3A_388 = arith.addf %add3A_386, %add3A_387 : vector<512x1024xf32>
    %add3A_389 = arith.addf %add3A_388, %dot_general3A_376 : vector<512x1024xf32>
    %swap3A_390 = arith.constant 0 : index
    %swap3A_391 = arith.constant 3 : index
    %swap3A_392 = arith.constant 0 : index
    %swap3A_393 = vector.load %arg3[%swap3A_390, %swap3A_391, %swap3A_392] : memref<512x4x1024xf32, #tpu.memory_space<vmem>>, vector<512x1x1024xf32>
    %swap3A_394 = vector.shape_cast %swap3A_393 : vector<512x1x1024xf32> to vector<512x1024xf32>
    %swap3A_395 = vector.shape_cast %add3A_389 : vector<512x1024xf32> to vector<512x1x1024xf32>
    tpu.vector_store %arg3[%swap3A_390, %swap3A_391, %swap3A_392], %swap3A_395 {strides = array<i32>} : memref<512x4x1024xf32, #tpu.memory_space<vmem>>, vector<512x1x1024xf32>,
    %slice3A_396 = vector.extract_strided_slice %add3A_389 {offsets = [0, 0], sizes = [512, 128], strides = [1, 1]} : vector<512x1024xf32> to vector<512x128xf32>
    %broadcast_in_dim3A_397 = arith.constant 0 : i32
    %broadcast_in_dim3A_398 = vector.broadcast %broadcast_in_dim3A_397 : i32 to vector<512x128xi32>
    %slice3A_399 = vector.extract_strided_slice %add3A_389 {offsets = [0, 128], sizes = [512, 128], strides = [1, 1]} : vector<512x1024xf32> to vector<512x128xf32>
    %lt3A_400 = arith.cmpf olt, %slice3A_399, %slice3A_396 : vector<512x128xf32>
    %min3A_401 = arith.minimumf %slice3A_399, %slice3A_396 : vector<512x128xf32>
    %jit3A_402 = arith.constant 1 : i32
    %broadcast_in_dim3A_403 = vector.broadcast %jit3A_402 : i32 to vector<512x128xi32>
    %select_n3A_404 = arith.select %lt3A_400, %broadcast_in_dim3A_403, %broadcast_in_dim3A_398 : vector<512x128xi1>, vector<512x128xi32>
    %slice3A_405 = vector.extract_strided_slice %add3A_389 {offsets = [0, 256], sizes = [512, 128], strides = [1, 1]} : vector<512x1024xf32> to vector<512x128xf32>
    %lt3A_406 = arith.cmpf olt, %slice3A_405, %min3A_401 : vector<512x128xf32>
    %min3A_407 = arith.minimumf %slice3A_405, %min3A_401 : vector<512x128xf32>
    %jit3A_408 = arith.constant 2 : i32
    %broadcast_in_dim3A_409 = vector.broadcast %jit3A_408 : i32 to vector<512x128xi32>
    %select_n3A_410 = arith.select %lt3A_406, %broadcast_in_dim3A_409, %select_n3A_404 : vector<512x128xi1>, vector<512x128xi32>
    %slice3A_411 = vector.extract_strided_slice %add3A_389 {offsets = [0, 384], sizes = [512, 128], strides = [1, 1]} : vector<512x1024xf32> to vector<512x128xf32>
    %lt3A_412 = arith.cmpf olt, %slice3A_411, %min3A_407 : vector<512x128xf32>
    %min3A_413 = arith.minimumf %slice3A_411, %min3A_407 : vector<512x128xf32>
    %jit3A_414 = arith.constant 3 : i32
    %broadcast_in_dim3A_415 = vector.broadcast %jit3A_414 : i32 to vector<512x128xi32>
    %select_n3A_416 = arith.select %lt3A_412, %broadcast_in_dim3A_415, %select_n3A_410 : vector<512x128xi1>, vector<512x128xi32>
    %slice3A_417 = vector.extract_strided_slice %add3A_389 {offsets = [0, 512], sizes = [512, 128], strides = [1, 1]} : vector<512x1024xf32> to vector<512x128xf32>
    %lt3A_418 = arith.cmpf olt, %slice3A_417, %min3A_413 : vector<512x128xf32>
    %min3A_419 = arith.minimumf %slice3A_417, %min3A_413 : vector<512x128xf32>
    %jit3A_420 = arith.constant 4 : i32
    %broadcast_in_dim3A_421 = vector.broadcast %jit3A_420 : i32 to vector<512x128xi32>
    %select_n3A_422 = arith.select %lt3A_418, %broadcast_in_dim3A_421, %select_n3A_416 : vector<512x128xi1>, vector<512x128xi32>
    %slice3A_423 = vector.extract_strided_slice %add3A_389 {offsets = [0, 640], sizes = [512, 128], strides = [1, 1]} : vector<512x1024xf32> to vector<512x128xf32>
    %lt3A_424 = arith.cmpf olt, %slice3A_423, %min3A_419 : vector<512x128xf32>
    %min3A_425 = arith.minimumf %slice3A_423, %min3A_419 : vector<512x128xf32>
    %jit3A_426 = arith.constant 5 : i32
    %broadcast_in_dim3A_427 = vector.broadcast %jit3A_426 : i32 to vector<512x128xi32>
    %select_n3A_428 = arith.select %lt3A_424, %broadcast_in_dim3A_427, %select_n3A_422 : vector<512x128xi1>, vector<512x128xi32>
    %slice3A_429 = vector.extract_strided_slice %add3A_389 {offsets = [0, 768], sizes = [512, 128], strides = [1, 1]} : vector<512x1024xf32> to vector<512x128xf32>
    %lt3A_430 = arith.cmpf olt, %slice3A_429, %min3A_425 : vector<512x128xf32>
    %min3A_431 = arith.minimumf %slice3A_429, %min3A_425 : vector<512x128xf32>
    %jit3A_432 = arith.constant 6 : i32
    %broadcast_in_dim3A_433 = vector.broadcast %jit3A_432 : i32 to vector<512x128xi32>
    %select_n3A_434 = arith.select %lt3A_430, %broadcast_in_dim3A_433, %select_n3A_428 : vector<512x128xi1>, vector<512x128xi32>
    %slice3A_435 = vector.extract_strided_slice %add3A_389 {offsets = [0, 896], sizes = [512, 128], strides = [1, 1]} : vector<512x1024xf32> to vector<512x128xf32>
    %lt3A_436 = arith.cmpf olt, %slice3A_435, %min3A_431 : vector<512x128xf32>
    %min3A_437 = arith.minimumf %slice3A_435, %min3A_431 : vector<512x128xf32>
    %jit3A_438 = arith.constant 7 : i32
    %broadcast_in_dim3A_439 = vector.broadcast %jit3A_438 : i32 to vector<512x128xi32>
    %select_n3A_440 = arith.select %lt3A_436, %broadcast_in_dim3A_439, %select_n3A_434 : vector<512x128xi1>, vector<512x128xi32>
    %reduce_min3A_441 = arith.constant dense<0x7F800000> : vector<512xf32>
    %reduce_min3A_442 = vector.multi_reduction <minimumf>, %min3A_437, %reduce_min3A_441 [1] : vector<512x128xf32> to vector<512xf32>
    %mul3A_443 = arith.constant 128 : i32
    %mul3A_444 = vector.broadcast %mul3A_443 : i32 to vector<512x128xi32>
    %mul3A_445 = arith.muli %select_n3A_440, %mul3A_444 : vector<512x128xi32>
    %iota3A_446 = tpu.iota {dimensions = array<i32: 1>} : vector<512x128xi32>
    %add3A_447 = arith.addi %mul3A_445, %iota3A_446 : vector<512x128xi32>
    %broadcast_in_dim3A_448 = vector.shape_cast %reduce_min3A_442 : vector<512xf32> to vector<512x1xf32>
    %eq3A_449 = vector.broadcast %broadcast_in_dim3A_448 : vector<512x1xf32> to vector<512x128xf32>
    %eq3A_450 = arith.cmpf oeq, %min3A_437, %eq3A_449 : vector<512x128xf32>
    %jit3A_451 = arith.constant 1024 : i32
    %broadcast_in_dim3A_452 = vector.broadcast %jit3A_451 : i32 to vector<512x128xi32>
    %select_n3A_453 = arith.select %eq3A_450, %add3A_447, %broadcast_in_dim3A_452 : vector<512x128xi1>, vector<512x128xi32>
    %reduce_min3A_454 = arith.constant dense<2147483647> : vector<512xi32>
    %reduce_min3A_455 = vector.multi_reduction <minsi>, %select_n3A_453, %reduce_min3A_454 [1] : vector<512x128xi32> to vector<512xi32>
    %add3A_456 = arith.constant 3072 : i32
    %add3A_457 = vector.broadcast %add3A_456 : i32 to vector<512xi32>
    %add3A_458 = arith.addi %reduce_min3A_455, %add3A_457 : vector<512xi32>
    %slice3A_459 = vector.extract_strided_slice %add3A_458 {offsets = [0], sizes = [128], strides = [1]} : vector<512xi32> to vector<128xi32>
    %swap3A_460 = arith.constant 12 : index
    %swap3A_461 = arith.constant 0 : index
    %swap3A_462 = vector.load %arg4[%swap3A_460, %swap3A_461] : memref<16x128xi32, #tpu.memory_space<vmem>>, vector<1x128xi32>
    %swap3A_463 = vector.shape_cast %swap3A_462 : vector<1x128xi32> to vector<128xi32>
    %swap3A_464 = vector.shape_cast %slice3A_459 : vector<128xi32> to vector<1x128xi32>
    tpu.vector_store %arg4[%swap3A_460, %swap3A_461], %swap3A_464 {strides = array<i32>} : memref<16x128xi32, #tpu.memory_space<vmem>>, vector<1x128xi32>,
    %slice3A_465 = vector.extract_strided_slice %add3A_458 {offsets = [128], sizes = [128], strides = [1]} : vector<512xi32> to vector<128xi32>
    %swap3A_466 = arith.constant 13 : index
    %swap3A_467 = arith.constant 0 : index
    %swap3A_468 = vector.load %arg4[%swap3A_466, %swap3A_467] : memref<16x128xi32, #tpu.memory_space<vmem>>, vector<1x128xi32>
    %swap3A_469 = vector.shape_cast %swap3A_468 : vector<1x128xi32> to vector<128xi32>
    %swap3A_470 = vector.shape_cast %slice3A_465 : vector<128xi32> to vector<1x128xi32>
    tpu.vector_store %arg4[%swap3A_466, %swap3A_467], %swap3A_470 {strides = array<i32>} : memref<16x128xi32, #tpu.memory_space<vmem>>, vector<1x128xi32>,
    %slice3A_471 = vector.extract_strided_slice %add3A_458 {offsets = [256], sizes = [128], strides = [1]} : vector<512xi32> to vector<128xi32>
    %swap3A_472 = arith.constant 14 : index
    %swap3A_473 = arith.constant 0 : index
    %swap3A_474 = vector.load %arg4[%swap3A_472, %swap3A_473] : memref<16x128xi32, #tpu.memory_space<vmem>>, vector<1x128xi32>
    %swap3A_475 = vector.shape_cast %swap3A_474 : vector<1x128xi32> to vector<128xi32>
    %swap3A_476 = vector.shape_cast %slice3A_471 : vector<128xi32> to vector<1x128xi32>
    tpu.vector_store %arg4[%swap3A_472, %swap3A_473], %swap3A_476 {strides = array<i32>} : memref<16x128xi32, #tpu.memory_space<vmem>>, vector<1x128xi32>,
    %slice3A_477 = vector.extract_strided_slice %add3A_458 {offsets = [384], sizes = [128], strides = [1]} : vector<512xi32> to vector<128xi32>
    %swap3A_478 = arith.constant 15 : index
    %swap3A_479 = arith.constant 0 : index
    %swap3A_480 = vector.load %arg4[%swap3A_478, %swap3A_479] : memref<16x128xi32, #tpu.memory_space<vmem>>, vector<1x128xi32>
    %swap3A_481 = vector.shape_cast %swap3A_480 : vector<1x128xi32> to vector<128xi32>
    %swap3A_482 = vector.shape_cast %slice3A_477 : vector<128xi32> to vector<1x128xi32>
    tpu.vector_store %arg4[%swap3A_478, %swap3A_479], %swap3A_482 {strides = array<i32>} : memref<16x128xi32, #tpu.memory_space<vmem>>, vector<1x128xi32>,
    %reduce_sum3A_483 = vector.shape_cast %reduce_min3A_442 : vector<512xf32> to vector<1x512xf32>
    %reduce_sum3A_484 = arith.constant dense<0.000000e+00> : vector<1xf32>
    %reduce_sum3A_485 = vector.multi_reduction <add>, %reduce_sum3A_483, %reduce_sum3A_484 [1] : vector<1x512xf32> to vector<1xf32>
    %reduce_sum3A_486 = vector.shape_cast %reduce_sum3A_485 : vector<1xf32> to vector<1x1xf32>
    %reduce_sum3A_487 = vector.extract %reduce_sum3A_486[0, 0] : f32 from vector<1x1xf32>
    %add3A_488 = arith.addf %add3A_363, %reduce_sum3A_487 : f32
    %get3A_489 = arith.constant 0 : index
    %get3A_490 = arith.constant 0 : index
    %get3A_491 = memref.load %arg5[%get3A_489, %get3A_490] : memref<1x1xf32, #tpu.memory_space<smem>>
    %add3A_492 = arith.addf %get3A_491, %add3A_488 : f32
    %swap3A_493 = arith.constant 0 : index
    %swap3A_494 = arith.constant 0 : index
    %swap3A_495 = memref.load %arg5[%swap3A_493, %swap3A_494] : memref<1x1xf32, #tpu.memory_space<smem>>
    memref.store %add3A_492, %arg5[%swap3A_493, %swap3A_494] : memref<1x1xf32, #tpu.memory_space<smem>>
    %eq3A_496 = arith.constant 31 : i32
    %eq3A_497 = arith.cmpi eq, %arg0, %eq3A_496 : i32
    %convert_element_type3A_498 = arith.extui %eq3A_497 : i1 to i32
    %cond3A_499 = arith.constant 0 : i32
    %cond3A_500 = arith.cmpi ne, %convert_element_type3A_498, %cond3A_499 : i32
    scf.if %cond3A_500 {
      %get3A_501 = arith.constant 0 : index
      %get3A_502 = arith.constant 0 : index
      %get3A_503 = memref.load %arg5[%get3A_501, %get3A_502] : memref<1x1xf32, #tpu.memory_space<smem>>
      %mul3A_504 = arith.constant 2.98023224E-7 : f32
      %mul3A_505 = arith.mulf %get3A_503, %mul3A_504 : f32
      %swap3A_506 = arith.constant 0 : index
      %swap3A_507 = arith.constant 0 : index
      %swap3A_508 = memref.load %arg5[%swap3A_506, %swap3A_507] : memref<1x1xf32, #tpu.memory_space<smem>>
      memref.store %mul3A_505, %arg5[%swap3A_506, %swap3A_507] : memref<1x1xf32, #tpu.memory_space<smem>>
    } else {
    }
    return
  }
  func.func @transform_0(%arg0: i32) -> (i32, i32) {
    %c0_i32 = arith.constant 0 : i32
    %c0_i32_0 = arith.constant 0 : i32
    return %arg0, %c0_i32 : i32, i32
  }
  func.func @transform_1(%arg0: i32) -> (i32, i32, i32) {
    %c0_i32 = arith.constant 0 : i32
    %c0_i32_0 = arith.constant 0 : i32
    %c0_i32_1 = arith.constant 0 : i32
    %c0_i32_2 = arith.constant 0 : i32
    return %c0_i32, %c0_i32_0, %c0_i32_1 : i32, i32, i32
  }
  func.func @transform_2(%arg0: i32) -> (i32, i32, i32) {
    %c0_i32 = arith.constant 0 : i32
    %c0_i32_0 = arith.constant 0 : i32
    %c0_i32_1 = arith.constant 0 : i32
    return %arg0, %c0_i32, %c0_i32_0 : i32, i32, i32
  }
  func.func @transform_3(%arg0: i32) -> (i32, i32) {
    %c0_i32 = arith.constant 0 : i32
    %c0_i32_0 = arith.constant 0 : i32
    return %arg0, %c0_i32 : i32, i32
  }
  func.func @transform_4(%arg0: i32) -> (i32, i32) {
    %c0_i32 = arith.constant 0 : i32
    %c0_i32_0 = arith.constant 0 : i32
    %c0_i32_1 = arith.constant 0 : i32
    return %c0_i32, %c0_i32_0 : i32, i32
  }
}

</mosaic_0001>

<sc_bundles>
// kernel: kernel.4.cloned.1.call-start
scs
__scs_entry_jumppad:
0x0: {  	(pc) =	sbr.rel $0x88, $3  }
0x1: {  	(tag) =	ssettag $0x0;
	lr =	simm.s32 $0x1  }
0x2: {  	[smem:$0x3F9C] =	sst lr;
	_ =	strace $0xD0000000  }
0x3: {  	_ = 	snop  }
0x4: {  	_ = 	snop  }
0x5: {  	_ = 	snop  }
0x6: {  	_ = 	snop  }
0x7: {  	_ = 	snop  }
__scs_overlays_trampoline_lowered:
0x8: {  	[smem:$0x3FAB] =	sst s0  }
0x9: {  	[smem:$0x3FAC] =	sst s1  }
0xa: {  	[smem:$0x3FAD] =	sst s2  }
0xb: {  	[smem:$0x3FAE] =	sst s3  }
0xc: {  	[smem:$0x3FAF] =	sst s4  }
0xd: {  	[smem:$0x3FB0] =	sst s5  }
0xe: {  	[smem:$0x3FB1] =	sst s6  }
0xf: {  	[smem:$0x3FB2] =	sst s7  }
0x10: {  	[smem:$0x3FB3] =	sst s8  }
0x11: {  	[smem:$0x3FB4] =	sst s9;
	s0 =	simm.s32 @!p0 $0x0  }
0x12: {  	s1 =	sld [smem:$0x3F9A];
	s0 =	simm.s32 @p0 $0x1  }
0x13: {  	[smem:$0x3FB5] =	sst s0;
	s0 =	simm.s32 @!p1 $0x0  }
0x14: {  	s2 =	sld [smem:$0x3F99];
	s0 =	simm.s32 @p1 $0x1  }
0x15: {  	[smem:$0x3FB6] =	sst s0;
	s0 =	simm.s32 @!p2 $0x0  }
0x16: {  	s3 =	sld [smem:$0x3FDB];
	s0 =	simm.s32 @p2 $0x1  }
0x17: {  	s4 =	simm.s32 $0x1BF5;
	[smem:$0x3FB8] =	sst s0  }
0x18: {  	s0 =	sld [smem:$0x3F9B];
	_ =	swait.ge [sflag:s4], $0x0  }
0x19: {  	s7 =	sld [smem:$0x3F9C]  }
0x1a: {  	s8 =	sadd.s32 $0xFFFFE003, lr  }
0x1b: {  	s9 =	sadd.s32 $0xFFFFFEF7, lr;
	s5 =	simm.s32 $0xFFFFFFFF;
	p2 =	slt.u32 s8, $0xFFFFF086  }
0x1c: {  	p1 =	slt.u32 s9, $0xF7A;
	s5 =	simm.s32 @!p2 $0x0  }
0x1d: {  	s5 =	simm.s32 @p1 $0x1;
	p0 =	seq.s32 s7, s2  }
0x1e: {  	s7 =	smul.u32 @!p0 $0xF7A, s2;
	p2 =	seq.s32 @!p0 s5, $0x0  }
0x1f: {  	s9 =	smul.u32 $0xF7A, s1;
	s8 =	simm.s32 @!p0 $0x1BF5;
	p2 =	por !p2, p0  }
0x20: {  	[sflag:s8] =	ssyncset.s32 @!p0 $0xFFFFF086;
	s6 =	sadd.s32 @!p0 s3, s7;
	s7 =	simm.s32 @!p0 $0x108  }
0x21: {  	s3 =	sadd.s32 s3, s9;
	s6 =	sadd.s32 @!p0 $0x88, s6;
	s7 =	simm.s32 @p2 $0x1082  }
0x22: {  	[simem:s7], [sflag:s8] =	dma.local @!p0 [hbm:s6], $0xF7A  }
0x23: {  	s9 =	sor.u32 $0xD0000000, s2;
	s6 =	simm.s32 $0x108;
	_ =	swait.ge @!p0 [sflag:s8], $0x0  }
0x24: {  	s3 =	sadd.s32 $0x88, s3;
	s6 =	simm.s32 @!p1 $0x1082;
	[sflag:s4] =	ssyncset.s32 $0xFFFFF086  }
0x25: {  	[simem:s6], [sflag:s4] =	dma.local [hbm:s3], $0xF7A  }
0x26: {  	[smem:$0x3F9C] =	sst s1;
	(tag) =	ssettag s2;
	_ =	strace s9  }
0x27: {  	s1 =	sld [smem:$0x3FAC]  }
0x28: {  	s2 =	sld [smem:$0x3FAD]  }
0x29: {  	s4 =	sld [smem:$0x3FAF]  }
0x2a: {  	p0 =	seq.s32 s5, $0x0;
	s5 =	sld [smem:$0x3FB0]  }
0x2b: {  	s6 =	sld [smem:$0x3FB1]  }
0x2c: {  	s7 =	sld [smem:$0x3FB2]  }
0x2d: {  	s3 =	simm.s32 $0x108;
	s8 =	sld [smem:$0x3FB3]  }
0x2e: {  	s3 =	simm.s32 @!p0 $0x1082;
	s9 =	sld [smem:$0x3FB4]  }
0x2f: {  	lr =	sadd.s32 s0, s3;
	s0 =	sld [smem:$0x3FAB]  }
0x30: {  	s3 =	sld [smem:$0x3FAE]  }
0x31: {  	[smem:$0x3FB7] =	sst s10  }
0x32: {  	s10 =	sld [smem:$0x3FB5];
	_ =	sdelay $0x3  }
0x33: {  	p0 =	seq.s32 s10, $0x1;
	s10 =	sld [smem:$0x3FB7];
	_ =	sdelay $0x3  }
0x34: {  	[smem:$0x3FB7] =	sst s10  }
0x35: {  	s10 =	sld [smem:$0x3FB6];
	_ =	sdelay $0x3  }
0x36: {  	p1 =	seq.s32 s10, $0x1;
	s10 =	sld [smem:$0x3FB7];
	_ =	sdelay $0x3  }
0x37: {  	[smem:$0x3FB7] =	sst s10  }
0x38: {  	s10 =	sld [smem:$0x3FB8]  }
0x39: {  	_ = 	snop;
	(pc) =	sbr.ind lr, $3  }
0x3a: {  	_ = 	snop  }
0x3b: {  	_ = 	snop  }
0x3c: {  	p2 =	seq.s32 s10, $0x1;
	s10 =	sld [smem:$0x3FB7]  }
0x3d: {  	_ =	shalt  }
0x3e: {  	_ =	shalt  }
0x3f: {  	_ =	shalt  }
0x40: {  	_ =	shalt  }
0x41: {  	_ =	shalt  }
0x42: {  	_ =	shalt  }
0x43: {  	_ =	shalt  }
0x44: {  	_ =	shalt  }
0x45: {  	_ =	shalt  }
0x46: {  	_ =	shalt  }
0x47: {  	_ =	shalt  }
0x48: {  	_ =	shalt  }
0x49: {  	_ =	shalt  }
0x4a: {  	_ =	shalt  }
0x4b: {  	_ =	shalt  }
0x4c: {  	_ =	shalt  }
0x4d: {  	_ =	shalt  }
0x4e: {  	_ =	shalt  }
0x4f: {  	_ =	shalt  }
0x50: {  	_ =	shalt  }
0x51: {  	_ =	shalt  }
0x52: {  	_ =	shalt  }
0x53: {  	_ =	shalt  }
0x54: {  	_ =	shalt  }
0x55: {  	_ =	shalt  }
0x56: {  	_ =	shalt  }
0x57: {  	_ =	shalt  }
0x58: {  	_ =	shalt  }
0x59: {  	_ =	shalt  }
0x5a: {  	_ =	shalt  }
0x5b: {  	_ =	shalt  }
0x5c: {  	_ =	shalt  }
0x5d: {  	_ =	shalt  }
0x5e: {  	_ =	shalt  }
0x5f: {  	_ =	shalt  }
0x60: {  	_ =	shalt  }
0x61: {  	_ =	shalt  }
0x62: {  	_ =	shalt  }
0x63: {  	_ =	shalt  }
0x64: {  	_ =	shalt  }
0x65: {  	_ =	shalt  }
0x66: {  	_ =	shalt  }
0x67: {  	_ =	shalt  }
0x68: {  	_ =	shalt  }
0x69: {  	_ =	shalt  }
0x6a: {  	_ =	shalt  }
0x6b: {  	_ =	shalt  }
0x6c: {  	_ =	shalt  }
0x6d: {  	_ =	shalt  }
0x6e: {  	_ =	shalt  }
0x6f: {  	_ =	shalt  }
0x70: {  	_ =	shalt  }
0x71: {  	_ =	shalt  }
0x72: {  	_ =	shalt  }
0x73: {  	_ =	shalt  }
0x74: {  	_ =	shalt  }
0x75: {  	_ =	shalt  }
0x76: {  	_ =	shalt  }
0x77: {  	_ =	shalt  }
0x78: {  	_ =	shalt  }
0x79: {  	_ =	shalt  }
0x7a: {  	_ =	shalt  }
0x7b: {  	_ =	shalt  }
0x7c: {  	_ =	shalt  }
0x7d: {  	_ =	shalt  }
0x7e: {  	_ =	shalt  }
0x7f: {  	_ =	shalt  }
0x80: {  	_ =	shalt  }
0x81: {  	_ =	shalt  }
0x82: {  	_ =	shalt  }
0x83: {  	_ =	shalt  }
0x84: {  	_ =	shalt  }
0x85: {  	_ =	shalt  }
0x86: {  	_ =	shalt  }
0x87: {  	_ =	shalt  }
.Lfunc_end0:
.L_simem_size_0:
called_computation_lowered:
.L_overlay_start_0:
0x88: {  	s2 =	sld [smem:$0x3FD9]  }
0x89: {  	s3 =	sld [smem:$0x3FFE];
	_ =	sdelay $0x1  }
0x8a: {  	s1 =	srdreg.scid  }
0x8b: {  	s0 =	sand.u32 $0x1, s1  }
0x8c: {  	s14 =	sshll.u32 s0, $0xA;
	s2 =	sadd.s32 s3, s2  }
0x8d: {  	s2 =	sadd.s32 s2, s14  }
0x8e: {  	[smem:$0x3FC3] =	sst s2  }
0x8f: {  	_ = 	snop  }
0x90: {  	s2 =	sld [smem:$0x3FD0];
	_ =	sdelay $0x2  }
0x91: {  	s15 =	simm.s32 $0xA;
	s4 =	simm.s32 $0x10  }
0x92: {  	[smem:s4], [sflag:s15] =	dma.local [hbm:s2], $0x1  }
0x93: {  	_ =	swait.eq [sflag:s15], $0x1  }
0x94: {  	[sflag:s15] =	ssyncset.done $0x0  }
0x95: {  	[sflag:s15] =	ssyncadd.s32 $0xFFFFFFFF  }
0x96: {  	s16 =	sld [smem:$0x10];
	(tm) =	ssettm $0x1  }
0x97: {  	s17 =	sld [smem:$0x3FFB];
	_ =	sdelay $0x3  }
0x98: {  	_ =	strace s17  }
0x99: {  	s3 =	sld [smem:$0x3FFC];
	_ =	sdelay $0x3  }
0x9a: {  	_ =	strace s3  }
0x9b: {  	s3 =	sld [smem:$0x3FFD];
	_ =	sdelay $0x3  }
0x9c: {  	_ =	strace s3  }
0x9d: {  	_ =	strace $0x8FFFFFFF  }
0x9e: {  	s18 =	sld [smem:$0x3FDB];
	_ =	sdelay $0x1  }
0x9f: {  	s19 =	simm.s32 $_scs_section_size  }
0xa0: {  	s5 =	simm.s32 $_size__tile_overlayer_lowered;
	s6 =	simm.s32 $_tile_overlayer_lowered  }
0xa1: {  	s22 =	simm.s32 $0x1BFF;
	s21 =	sshll.u32 s6, $0x1;
	s3 =	sadd.s32 s19, s18  }
0xa2: {  	s7 =	simm.s32 $0x0;
	s20 =	sshll.u32 s5, $0x1;
	s5 =	sadd.s32 s21, s3  }
0xa3: {  	[timem:s7], [sflag:s22] =	dma.local [hbm:s5], s20  }
0xa4: {  	_ =	swait.ge [sflag:s22], s20  }
0xa5: {  	s4 =	ssub.s32 $0x0, s20;
	[sflag:s22] =	ssyncset.done $0x0  }
0xa6: {  	[sflag:s22] =	ssyncadd.s32 s4;
	_ =	sdelay $0x1  }
0xa7: {  	s23 =	simm.s32 $0x1B8B  }
0xa8: {  	_ =	swait.ge [sflag:s23], $0x1  }
0xa9: {  	[sflag:s23] =	ssyncset.done $0x0  }
0xaa: {  	s25 =	simm.s32 $0x1B8E;
	s24 =	sld [smem:$0x3FFE];
	[sflag:s23] =	ssyncadd.s32 $0xFFFFFFFF  }
0xab: {  	s26 =	simm.s32 $execute0_lowered;
	[smem:$0x3FD2] =	sst s25  }
0xac: {  	s5 =	sshll.u32 s26, $0x1;
	_ =	strace $0x80000046;
	[dreg:$0x1] =	wrdreg $0xFFFFFFFF  }
0xad: {  	s28 =	simm.s32 $_size_execute0_lowered;
	s3 =	sadd.s32 s3, s5;
	[dreg:$0x0] =	wrdreg $0x0  }
0xae: {  	s5 =	sshll.u32 s28, $0x1;
	[dreg:$0x2] =	wrdreg s3  }
0xaf: {  	[dreg:$0x3] =	wrdreg s5  }
0xb0: {  	[dreg:$0x4] =	wrdreg $0xC0  }
0xb1: {  	_ =	task [dreg:s7], $0x5FFFF  }
0xb2: {  	[dreg:$0x1] =	wrdreg $0xFFFFFFFF  }
0xb3: {  	[dreg:$0x0] =	wrdreg $0x60  }
0xb4: {  	[dreg:$0x2] =	wrdreg s16  }
0xb5: {  	[dreg:$0x3] =	wrdreg s24  }
0xb6: {  	[dreg:$0x4] =	wrdreg $0x9  }
0xb7: {  	_ =	task.clear_ibuf [dreg:s7], $0x5FFFF;
	_ =	strace $0x90000046  }
0xb8: {  	s29 =	simm.s32 $0x9;
	_ =	strace $0x80000048  }
0xb9: {  	_ =	swait.ge [sflag:s29], $0x1  }
0xba: {  	[sflag:s29] =	ssyncadd.s32 $0xFFFFFFFF  }
0xbb: {  	_ =	strace $0x90000048  }
0xbc: {  	_ =	sfence  }
0xbd: {  	s30 =	sld [smem:$0x0];
	_ =	sdelay $0x2  }
0xbe: {  	s31 =	sshll.u32 s1, $0xD;
	s1 =	sshrl.u32 s1, $0x2  }
0xbf: {  	s3 =	sand.u32 $0x4000, s31;
	s1 =	sadd.s32 s1, s30  }
0xc0: {  	s0 =	sor.u32 s3, s0;
	s1 =	sshll.u32 s1, $0x11  }
0xc1: {  	s0 =	sor.u32 s1, s0  }
0xc2: {  	s0 =	sadd.s32 $0x8F2B, s0  }
0xc3: {  	[sflag:s0] =	ssyncadd.remote.s32 $0x1  }
0xc4: {  	_ =	sfence.sel $0xFFFF  }
0xc5: {  	[dreg:$0x0] =	wrdreg $0xFFFFFFFF;
	(pc) =	sbr.abs _section_cstart, $3  }
0xc6: {  	[dreg:$0x1] =	wrdreg $0xFFFFFFFF  }
0xc7: {  	_ =	task.clear_ibuf [dreg:s7], $0x2FFFF;
	_ =	strace $0x9FFFFFFF  }
0xc8: {  	(tm) =	ssettm $0x7FFFFFFF  }
0xc9: {  	_ =	shalt  }
tec
execute0_lowered:
.L_overlay_start_1:
0x0: {  	(tag) =	ssettag $0x1  }
0x1: {  	s0 =	srdreg.scid;
	s2 =	rddreg [dreg:$0x0]  }
0x2: {  	s1 =	stileid.u32;
	s3 =	rddreg [dreg:$0x1]  }
0x3: {  	s23 =	simm.s32 $0x0;
	s0 =	sand.u32 $0x1, s0;
	s1 =	sshll.u32 s1, $0x1  }
0x4: {  	s25 =	simm.s32 $0x180;
	[smem:$0x7FF] =	sst s23;
	s1 =	sor.u32 s0, s1  }
0x5: {  	s26 =	simm.s32 $0x200;
	_ =	strace $0x80000047;
	s4 =	sshll.u32 s1, $0x8  }
0x6: {  	[dreg:$0x14] =	wrdreg s25;
	s1 =	sshll.u32 s1, $0xE;
	s4 =	sadd.s32 s4, s3  }
0x7: {  	[dreg:$0x15] =	wrdreg s26;
	s1 =	sadd.s32 s1, s3;
	s7 =	sadd.s32 $0xE00, s4  }
0x8: {  	s31 =	simm.s32 $0x9;
	s8 =	sadd.s32 $0x2E00, s1;
	[dreg:$0x3] =	wrdreg s7  }
0x9: {  	s5 =	simm.s32 $0x5;
	s9 =	sadd.s32 $0x3E00, s1;
	[dreg:$0x4] =	wrdreg s8  }
0xa: {  	s6 =	simm.s32 $0x6;
	s10 =	sadd.s32 $0x4E00, s1;
	[dreg:$0x5] =	wrdreg s9  }
0xb: {  	s30 =	simm.s32 $0x280;
	s11 =	sadd.s32 $0x5E00, s1;
	[dreg:$0x6] =	wrdreg s10  }
0xc: {  	s29 =	simm.s32 $0x300;
	s12 =	sadd.s32 $0x2E08, s1;
	[dreg:$0x7] =	wrdreg s11  }
0xd: {  	s28 =	simm.s32 $0x380;
	s13 =	sadd.s32 $0x3E08, s1;
	[dreg:$0x8] =	wrdreg s12  }
0xe: {  	p0 =	por $0x0, $0x0;
	s14 =	sadd.s32 $0x4E08, s1;
	[dreg:$0x9] =	wrdreg s13  }
0xf: {  	s0 =	ssub.s32 $0x2, s0;
	s15 =	sadd.s32 $0x5E08, s1;
	[dreg:$0xa] =	wrdreg s14  }
0x10: {  	s26 =	simm.s32 $0x400;
	s16 =	sadd.s32 $0x2E10, s1;
	[dreg:$0xb] =	wrdreg s15  }
0x11: {  	s25 =	simm.s32 $0x480;
	s17 =	sadd.s32 $0x3E10, s1;
	[dreg:$0xc] =	wrdreg s16  }
0x12: {  	s24 =	sshrl.u32 s0, $0x1;
	s18 =	sadd.s32 $0x4E10, s1;
	[dreg:$0xd] =	wrdreg s17  }
0x13: {  	s0 =	ssub.s32 s0, s24;
	s19 =	sadd.s32 $0x5E10, s1;
	[dreg:$0xe] =	wrdreg s18  }
0x14: {  	s3 =	simm.s32 $0x100;
	s20 =	sadd.s32 $0x2E18, s1;
	[dreg:$0xf] =	wrdreg s19  }
0x15: {  	s24 =	simm.s32 $0x500;
	s21 =	sadd.s32 $0x3E18, s1;
	[dreg:$0x10] =	wrdreg s20  }
0x16: {  	s22 =	sadd.s32 $0x4E18, s1;
	s1 =	sadd.s32 $0x5E18, s1;
	[dreg:$0x11] =	wrdreg s21  }
0x17: {  	s0 =	smax.u32 s0, $0x1;
	s4 =	simm.s32 $0x6800;
	[dreg:$0x12] =	wrdreg s22  }
0x18: {  	[dreg:$0x13] =	wrdreg s1;
	s13 =	simm.s32 $0x80;
	s12 =	simm.s32 $0x800  }
0x19: {  	s11 =	simm.s32 $0x2800;
	s9 =	simm.s32 $0x4800;
	p1 =	sne.s32 s0, $0x1  }
.Ltmp0:
0x1a: {  	s16 =	simm.s32 $0x1;
	s10 =	simm.s32 $0x40;
	(pc) =	sbr.rel @!p1 .LBB2_3-.Ltmp0, $4  }
0x1b: {  	s17 =	simm.s32 $0x2;
	s15 =	simm.s32 $0x3;
	s7 =	simm.s32 $0x7  }
0x1c: {  	s14 =	simm.s32 $0x4;
	s8 =	simm.s32 $0x8;
	s1 =	sadd.s32 $0xFFFFFFFF, s0  }
0x1d: {  	s22 =	simm.s32 $0x580;
	s21 =	simm.s32 $0x600;
	s20 =	simm.s32 $0x680  }
0x1e: {  	s19 =	simm.s32 $0x700;
	s18 =	simm.s32 $0x780;
	s0 =	rddreg [dreg:$0x3]  }
0x1f: {  	[tilespmem:s23], [sflag:$0x9] =	stream.linear.gather [hbm4b:s0+s23], $0x800, $0x38;
	[tilespmem:$0x8800] =	vst v63  }
0x20: {  	_ =	swait.ge [sflag:s31], $0x800  }
0x21: {  	[sflag:s31] =	ssyncset.done $0x0  }
0x22: {  	[sflag:s31] =	ssyncadd.s32 $0xFFFFF800  }
0x23: {  	[tilespmem:s12], [sflag:$0x1] =	stream.indirect.gather [hbm4b:s2+s13], $0x40, s23, s13, $0xb8;
	[tilespmem:$0x8800] =	vst v63  }
0x24: {  	_ = 	snop  }
0x25: {  	[tilespmem:s11], [sflag:$0x2] =	stream.indirect.gather [hbm4b:s2+s13], $0x40, s13, s13, $0xb8;
	[tilespmem:$0x8800] =	vst v63  }
0x26: {  	_ = 	snop  }
0x27: {  	[tilespmem:s9], [sflag:$0x3] =	stream.indirect.gather [hbm4b:s2+s13], $0x40, s3, s13, $0xb8;
	[tilespmem:$0x8800] =	vst v63  }
0x28: {  	s0 =	rddreg [dreg:$0x14]  }
0x29: {  	[tilespmem:s4], [sflag:$0x4] =	stream.indirect.gather [hbm4b:s2+s13], $0x40, s0, s13, $0xb8;
	[tilespmem:$0x8800] =	vst v63  }
0x2a: {  	_ =	swait.ge [sflag:s16], $0x2000  }
0x2b: {  	[sflag:s16] =	ssyncset.done $0x0  }
0x2c: {  	s0 =	rddreg [dreg:$0x4];
	[sflag:s16] =	ssyncadd.s32 $0xFFFFE000  }
0x2d: {  	[hbm4b:s0+s10] =	stream.strided.scatter [tilespmem:s12], [sflag:$0x5], $0x2000, s3, s10, $0x38;
	[tilespmem:$0x8800] =	vst v63  }
0x2e: {  	_ =	swait.ge [sflag:s5], $0x2000  }
0x2f: {  	[sflag:s5] =	ssyncset.done $0x0  }
0x30: {  	s0 =	rddreg [dreg:$0x15];
	[sflag:s5] =	ssyncadd.s32 $0xFFFFE000  }
0x31: {  	[tilespmem:s12], [sflag:$0x1] =	stream.indirect.gather [hbm4b:s2+s13], $0x40, s0, s13, $0xb8;
	[tilespmem:$0x8800] =	vst v63  }
0x32: {  	_ =	swait.ge [sflag:s17], $0x2000  }
0x33: {  	[sflag:s17] =	ssyncset.done $0x0  }
0x34: {  	s0 =	rddreg [dreg:$0x5];
	[sflag:s17] =	ssyncadd.s32 $0xFFFFE000  }
0x35: {  	[hbm4b:s0+s10] =	stream.strided.scatter [tilespmem:s11], [sflag:$0x6], $0x2000, s3, s10, $0x38;
	[tilespmem:$0x8800] =	vst v63  }
0x36: {  	_ =	swait.ge [sflag:s6], $0x2000  }
0x37: {  	[sflag:s6] =	ssyncset.done $0x0  }
0x38: {  	[sflag:s6] =	ssyncadd.s32 $0xFFFFE000  }
0x39: {  	[tilespmem:s11], [sflag:$0x2] =	stream.indirect.gather [hbm4b:s2+s13], $0x40, s30, s13, $0xb8;
	[tilespmem:$0x8800] =	vst v63  }
0x3a: {  	_ =	swait.ge [sflag:s15], $0x2000  }
0x3b: {  	[sflag:s15] =	ssyncset.done $0x0  }
0x3c: {  	s0 =	rddreg [dreg:$0x6];
	[sflag:s15] =	ssyncadd.s32 $0xFFFFE000  }
0x3d: {  	[hbm4b:s0+s10] =	stream.strided.scatter [tilespmem:s9], [sflag:$0x7], $0x2000, s3, s10, $0x38;
	[tilespmem:$0x8800] =	vst v63  }
0x3e: {  	_ =	swait.ge [sflag:s7], $0x2000  }
0x3f: {  	[sflag:s7] =	ssyncset.done $0x0  }
0x40: {  	[sflag:s7] =	ssyncadd.s32 $0xFFFFE000  }
0x41: {  	[tilespmem:s9], [sflag:$0x3] =	stream.indirect.gather [hbm4b:s2+s13], $0x40, s29, s13, $0xb8;
	[tilespmem:$0x8800] =	vst v63  }
0x42: {  	_ =	swait.ge [sflag:s14], $0x2000  }
0x43: {  	[sflag:s14] =	ssyncset.done $0x0  }
0x44: {  	s0 =	rddreg [dreg:$0x7];
	[sflag:s14] =	ssyncadd.s32 $0xFFFFE000  }
0x45: {  	[hbm4b:s0+s10] =	stream.strided.scatter [tilespmem:s4], [sflag:$0x8], $0x2000, s3, s10, $0x38;
	[tilespmem:$0x8800] =	vst v63  }
0x46: {  	_ =	swait.ge [sflag:s8], $0x2000  }
0x47: {  	[sflag:s8] =	ssyncset.done $0x0  }
0x48: {  	[sflag:s8] =	ssyncadd.s32 $0xFFFFE000  }
0x49: {  	[tilespmem:s4], [sflag:$0x4] =	stream.indirect.gather [hbm4b:s2+s13], $0x40, s28, s13, $0xb8;
	[tilespmem:$0x8800] =	vst v63  }
0x4a: {  	_ =	swait.ge [sflag:s16], $0x2000  }
0x4b: {  	[sflag:s16] =	ssyncset.done $0x0  }
0x4c: {  	s0 =	rddreg [dreg:$0x8];
	[sflag:s16] =	ssyncadd.s32 $0xFFFFE000  }
0x4d: {  	[hbm4b:s0+s10] =	stream.strided.scatter [tilespmem:s12], [sflag:$0x5], $0x2000, s3, s10, $0x38;
	[tilespmem:$0x8800] =	vst v63  }
0x4e: {  	_ =	swait.ge [sflag:s5], $0x2000  }
0x4f: {  	[sflag:s5] =	ssyncset.done $0x0  }
0x50: {  	[sflag:s5] =	ssyncadd.s32 $0xFFFFE000  }
0x51: {  	[tilespmem:s12], [sflag:$0x1] =	stream.indirect.gather [hbm4b:s2+s13], $0x40, s26, s13, $0xb8;
	[tilespmem:$0x8800] =	vst v63  }
0x52: {  	_ =	swait.ge [sflag:s17], $0x2000  }
0x53: {  	[sflag:s17] =	ssyncset.done $0x0  }
0x54: {  	s0 =	rddreg [dreg:$0x9];
	[sflag:s17] =	ssyncadd.s32 $0xFFFFE000  }
0x55: {  	[hbm4b:s0+s10] =	stream.strided.scatter [tilespmem:s11], [sflag:$0x6], $0x2000, s3, s10, $0x38;
	[tilespmem:$0x8800] =	vst v63  }
0x56: {  	_ =	swait.ge [sflag:s6], $0x2000  }
0x57: {  	[sflag:s6] =	ssyncset.done $0x0  }
0x58: {  	[sflag:s6] =	ssyncadd.s32 $0xFFFFE000  }
0x59: {  	[tilespmem:s11], [sflag:$0x2] =	stream.indirect.gather [hbm4b:s2+s13], $0x40, s25, s13, $0xb8;
	[tilespmem:$0x8800] =	vst v63  }
0x5a: {  	_ =	swait.ge [sflag:s15], $0x2000  }
0x5b: {  	[sflag:s15] =	ssyncset.done $0x0  }
0x5c: {  	s0 =	rddreg [dreg:$0xa];
	[sflag:s15] =	ssyncadd.s32 $0xFFFFE000  }
0x5d: {  	[hbm4b:s0+s10] =	stream.strided.scatter [tilespmem:s9], [sflag:$0x7], $0x2000, s3, s10, $0x38;
	[tilespmem:$0x8800] =	vst v63  }
0x5e: {  	_ =	swait.ge [sflag:s7], $0x2000  }
0x5f: {  	[sflag:s7] =	ssyncset.done $0x0  }
0x60: {  	[sflag:s7] =	ssyncadd.s32 $0xFFFFE000  }
0x61: {  	[tilespmem:s9], [sflag:$0x3] =	stream.indirect.gather [hbm4b:s2+s13], $0x40, s24, s13, $0xb8;
	[tilespmem:$0x8800] =	vst v63  }
0x62: {  	_ =	swait.ge [sflag:s14], $0x2000  }
0x63: {  	[sflag:s14] =	ssyncset.done $0x0  }
0x64: {  	s0 =	rddreg [dreg:$0xb];
	[sflag:s14] =	ssyncadd.s32 $0xFFFFE000  }
0x65: {  	[hbm4b:s0+s10] =	stream.strided.scatter [tilespmem:s4], [sflag:$0x8], $0x2000, s3, s10, $0x38;
	[tilespmem:$0x8800] =	vst v63  }
0x66: {  	_ =	swait.ge [sflag:s8], $0x2000  }
0x67: {  	[sflag:s8] =	ssyncset.done $0x0  }
0x68: {  	[sflag:s8] =	ssyncadd.s32 $0xFFFFE000  }
0x69: {  	[tilespmem:s4], [sflag:$0x4] =	stream.indirect.gather [hbm4b:s2+s13], $0x40, s22, s13, $0xb8;
	[tilespmem:$0x8800] =	vst v63  }
0x6a: {  	_ =	swait.ge [sflag:s16], $0x2000  }
0x6b: {  	[sflag:s16] =	ssyncset.done $0x0  }
0x6c: {  	s0 =	rddreg [dreg:$0xc];
	[sflag:s16] =	ssyncadd.s32 $0xFFFFE000  }
0x6d: {  	[hbm4b:s0+s10] =	stream.strided.scatter [tilespmem:s12], [sflag:$0x5], $0x2000, s3, s10, $0x38;
	[tilespmem:$0x8800] =	vst v63  }
0x6e: {  	_ =	swait.ge [sflag:s5], $0x2000  }
0x6f: {  	[sflag:s5] =	ssyncset.done $0x0  }
0x70: {  	[sflag:s5] =	ssyncadd.s32 $0xFFFFE000  }
0x71: {  	[tilespmem:s12], [sflag:$0x1] =	stream.indirect.gather [hbm4b:s2+s13], $0x40, s21, s13, $0xb8;
	[tilespmem:$0x8800] =	vst v63  }
0x72: {  	_ =	swait.ge [sflag:s17], $0x2000  }
0x73: {  	[sflag:s17] =	ssyncset.done $0x0  }
0x74: {  	s0 =	rddreg [dreg:$0xd];
	[sflag:s17] =	ssyncadd.s32 $0xFFFFE000  }
0x75: {  	[hbm4b:s0+s10] =	stream.strided.scatter [tilespmem:s11], [sflag:$0x6], $0x2000, s3, s10, $0x38;
	[tilespmem:$0x8800] =	vst v63  }
0x76: {  	_ =	swait.ge [sflag:s6], $0x2000  }
0x77: {  	[sflag:s6] =	ssyncset.done $0x0  }
0x78: {  	[sflag:s6] =	ssyncadd.s32 $0xFFFFE000  }
0x79: {  	[tilespmem:s11], [sflag:$0x2] =	stream.indirect.gather [hbm4b:s2+s13], $0x40, s20, s13, $0xb8;
	[tilespmem:$0x8800] =	vst v63  }
0x7a: {  	_ =	swait.ge [sflag:s15], $0x2000  }
0x7b: {  	[sflag:s15] =	ssyncset.done $0x0  }
0x7c: {  	s0 =	rddreg [dreg:$0xe];
	[sflag:s15] =	ssyncadd.s32 $0xFFFFE000  }
0x7d: {  	[hbm4b:s0+s10] =	stream.strided.scatter [tilespmem:s9], [sflag:$0x7], $0x2000, s3, s10, $0x38;
	[tilespmem:$0x8800] =	vst v63  }
0x7e: {  	_ =	swait.ge [sflag:s7], $0x2000  }
0x7f: {  	[sflag:s7] =	ssyncset.done $0x0  }
0x80: {  	[sflag:s7] =	ssyncadd.s32 $0xFFFFE000  }
0x81: {  	[tilespmem:s9], [sflag:$0x3] =	stream.indirect.gather [hbm4b:s2+s13], $0x40, s19, s13, $0xb8;
	[tilespmem:$0x8800] =	vst v63  }
0x82: {  	_ =	swait.ge [sflag:s14], $0x2000  }
0x83: {  	[sflag:s14] =	ssyncset.done $0x0  }
0x84: {  	s0 =	rddreg [dreg:$0xf];
	[sflag:s14] =	ssyncadd.s32 $0xFFFFE000  }
0x85: {  	[hbm4b:s0+s10] =	stream.strided.scatter [tilespmem:s4], [sflag:$0x8], $0x2000, s3, s10, $0x38;
	[tilespmem:$0x8800] =	vst v63  }
0x86: {  	_ =	swait.ge [sflag:s8], $0x2000  }
0x87: {  	[sflag:s8] =	ssyncset.done $0x0  }
0x88: {  	[sflag:s8] =	ssyncadd.s32 $0xFFFFE000  }
0x89: {  	[tilespmem:s4], [sflag:$0x4] =	stream.indirect.gather [hbm4b:s2+s13], $0x40, s18, s13, $0xb8;
	[tilespmem:$0x8800] =	vst v63  }
0x8a: {  	_ =	swait.ge [sflag:s16], $0x2000  }
0x8b: {  	[sflag:s16] =	ssyncset.done $0x0  }
0x8c: {  	s0 =	rddreg [dreg:$0x10];
	[sflag:s16] =	ssyncadd.s32 $0xFFFFE000  }
0x8d: {  	[hbm4b:s0+s10] =	stream.strided.scatter [tilespmem:s12], [sflag:$0x5], $0x2000, s3, s10, $0x38;
	[tilespmem:$0x8800] =	vst v63  }
0x8e: {  	_ =	swait.ge [sflag:s17], $0x2000  }
0x8f: {  	[sflag:s17] =	ssyncset.done $0x0  }
0x90: {  	s0 =	rddreg [dreg:$0x11];
	[sflag:s17] =	ssyncadd.s32 $0xFFFFE000  }
0x91: {  	[hbm4b:s0+s10] =	stream.strided.scatter [tilespmem:s11], [sflag:$0x6], $0x2000, s3, s10, $0x38;
	[tilespmem:$0x8800] =	vst v63  }
0x92: {  	_ =	swait.ge [sflag:s15], $0x2000  }
0x93: {  	[sflag:s15] =	ssyncset.done $0x0  }
0x94: {  	s0 =	rddreg [dreg:$0x12];
	[sflag:s15] =	ssyncadd.s32 $0xFFFFE000  }
0x95: {  	[hbm4b:s0+s10] =	stream.strided.scatter [tilespmem:s9], [sflag:$0x7], $0x2000, s3, s10, $0x38;
	[tilespmem:$0x8800] =	vst v63  }
0x96: {  	_ =	swait.ge [sflag:s14], $0x2000  }
0x97: {  	[sflag:s14] =	ssyncset.done $0x0  }
0x98: {  	s0 =	rddreg [dreg:$0x13];
	[sflag:s14] =	ssyncadd.s32 $0xFFFFE000  }
0x99: {  	[hbm4b:s0+s10] =	stream.strided.scatter [tilespmem:s4], [sflag:$0x8], $0x2000, s3, s10, $0x38;
	[tilespmem:$0x8800] =	vst v63  }
0x9a: {  	_ =	swait.ge [sflag:s5], $0x2000  }
0x9b: {  	[sflag:s5] =	ssyncset.done $0x0  }
0x9c: {  	[sflag:s5] =	ssyncadd.s32 $0xFFFFE000  }
0x9d: {  	_ =	swait.ge [sflag:s6], $0x2000  }
0x9e: {  	[sflag:s6] =	ssyncset.done $0x0  }
0x9f: {  	p1 =	sne.s32 s1, $0x1;
	[sflag:s6] =	ssyncadd.s32 $0xFFFFE000  }
.Ltmp1:
0xa0: {  	_ =	swait.ge [sflag:s7], $0x2000;
	(pc) =	sbr.rel @!p1 .LBB2_3-.Ltmp1, $4  }
0xa1: {  	[sflag:s7] =	ssyncset.done $0x0  }
0xa2: {  	[sflag:s7] =	ssyncadd.s32 $0xFFFFE000  }
0xa3: {  	s1 =	sadd.s32 $0xFFFFFFFF, s1;
	_ =	swait.ge [sflag:s8], $0x2000  }
0xa4: {  	p0 =	por $0x1, $0x1;
	s0 =	rddreg [dreg:$0x3];
	[sflag:s8] =	ssyncset.done $0x0  }
.LBB2_2:
0xa5: {  	[sflag:s8] =	ssyncadd.s32 $0xFFFFE000  }
0xa6: {  	[tilespmem:s23], [sflag:$0x9] =	stream.linear.gather [hbm4b:s0+s23], $0x800, $0x38;
	[tilespmem:$0x8800] =	vst v63  }
0xa7: {  	_ =	swait.ge [sflag:s31], $0x800  }
0xa8: {  	[sflag:s31] =	ssyncset.done $0x0  }
0xa9: {  	[sflag:s31] =	ssyncadd.s32 $0xFFFFF800  }
0xaa: {  	[tilespmem:s12], [sflag:$0x1] =	stream.indirect.gather [hbm4b:s2+s13], $0x40, s23, s13, $0xb8;
	[tilespmem:$0x8800] =	vst v63  }
0xab: {  	_ = 	snop  }
0xac: {  	[tilespmem:s11], [sflag:$0x2] =	stream.indirect.gather [hbm4b:s2+s13], $0x40, s13, s13, $0xb8;
	[tilespmem:$0x8800] =	vst v63  }
0xad: {  	_ = 	snop  }
0xae: {  	[tilespmem:s9], [sflag:$0x3] =	stream.indirect.gather [hbm4b:s2+s13], $0x40, s3, s13, $0xb8;
	[tilespmem:$0x8800] =	vst v63  }
0xaf: {  	s0 =	rddreg [dreg:$0x14]  }
0xb0: {  	[tilespmem:s4], [sflag:$0x4] =	stream.indirect.gather [hbm4b:s2+s13], $0x40, s0, s13, $0xb8;
	[tilespmem:$0x8800] =	vst v63  }
0xb1: {  	_ =	swait.ge [sflag:s16], $0x2000  }
0xb2: {  	[sflag:s16] =	ssyncset.done $0x0  }
0xb3: {  	s0 =	rddreg [dreg:$0x4];
	[sflag:s16] =	ssyncadd.s32 $0xFFFFE000  }
0xb4: {  	[hbm4b:s0+s10] =	stream.strided.scatter [tilespmem:s12], [sflag:$0x5], $0x2000, s3, s10, $0x38;
	[tilespmem:$0x8800] =	vst v63  }
0xb5: {  	_ =	swait.ge [sflag:s5], $0x2000  }
0xb6: {  	[sflag:s5] =	ssyncset.done $0x0  }
0xb7: {  	s0 =	rddreg [dreg:$0x15];
	[sflag:s5] =	ssyncadd.s32 $0xFFFFE000  }
0xb8: {  	[tilespmem:s12], [sflag:$0x1] =	stream.indirect.gather [hbm4b:s2+s13], $0x40, s0, s13, $0xb8;
	[tilespmem:$0x8800] =	vst v63  }
0xb9: {  	_ =	swait.ge [sflag:s17], $0x2000  }
0xba: {  	[sflag:s17] =	ssyncset.done $0x0  }
0xbb: {  	s0 =	rddreg [dreg:$0x5];
	[sflag:s17] =	ssyncadd.s32 $0xFFFFE000  }
0xbc: {  	[hbm4b:s0+s10] =	stream.strided.scatter [tilespmem:s11], [sflag:$0x6], $0x2000, s3, s10, $0x38;
	[tilespmem:$0x8800] =	vst v63  }
0xbd: {  	_ =	swait.ge [sflag:s6], $0x2000  }
0xbe: {  	[sflag:s6] =	ssyncset.done $0x0  }
0xbf: {  	[sflag:s6] =	ssyncadd.s32 $0xFFFFE000  }
0xc0: {  	[tilespmem:s11], [sflag:$0x2] =	stream.indirect.gather [hbm4b:s2+s13], $0x40, s30, s13, $0xb8;
	[tilespmem:$0x8800] =	vst v63  }
0xc1: {  	_ =	swait.ge [sflag:s15], $0x2000  }
0xc2: {  	[sflag:s15] =	ssyncset.done $0x0  }
0xc3: {  	s0 =	rddreg [dreg:$0x6];
	[sflag:s15] =	ssyncadd.s32 $0xFFFFE000  }
0xc4: {  	[hbm4b:s0+s10] =	stream.strided.scatter [tilespmem:s9], [sflag:$0x7], $0x2000, s3, s10, $0x38;
	[tilespmem:$0x8800] =	vst v63  }
0xc5: {  	_ =	swait.ge [sflag:s7], $0x2000  }
0xc6: {  	[sflag:s7] =	ssyncset.done $0x0  }
0xc7: {  	[sflag:s7] =	ssyncadd.s32 $0xFFFFE000  }
0xc8: {  	[tilespmem:s9], [sflag:$0x3] =	stream.indirect.gather [hbm4b:s2+s13], $0x40, s29, s13, $0xb8;
	[tilespmem:$0x8800] =	vst v63  }
0xc9: {  	_ =	swait.ge [sflag:s14], $0x2000  }
0xca: {  	[sflag:s14] =	ssyncset.done $0x0  }
0xcb: {  	s0 =	rddreg [dreg:$0x7];
	[sflag:s14] =	ssyncadd.s32 $0xFFFFE000  }
0xcc: {  	[hbm4b:s0+s10] =	stream.strided.scatter [tilespmem:s4], [sflag:$0x8], $0x2000, s3, s10, $0x38;
	[tilespmem:$0x8800] =	vst v63  }
0xcd: {  	_ =	swait.ge [sflag:s8], $0x2000  }
0xce: {  	[sflag:s8] =	ssyncset.done $0x0  }
0xcf: {  	[sflag:s8] =	ssyncadd.s32 $0xFFFFE000  }
0xd0: {  	[tilespmem:s4], [sflag:$0x4] =	stream.indirect.gather [hbm4b:s2+s13], $0x40, s28, s13, $0xb8;
	[tilespmem:$0x8800] =	vst v63  }
0xd1: {  	_ =	swait.ge [sflag:s16], $0x2000  }
0xd2: {  	[sflag:s16] =	ssyncset.done $0x0  }
0xd3: {  	s0 =	rddreg [dreg:$0x8];
	[sflag:s16] =	ssyncadd.s32 $0xFFFFE000  }
0xd4: {  	[hbm4b:s0+s10] =	stream.strided.scatter [tilespmem:s12], [sflag:$0x5], $0x2000, s3, s10, $0x38;
	[tilespmem:$0x8800] =	vst v63  }
0xd5: {  	_ =	swait.ge [sflag:s5], $0x2000  }
0xd6: {  	[sflag:s5] =	ssyncset.done $0x0  }
0xd7: {  	[sflag:s5] =	ssyncadd.s32 $0xFFFFE000  }
0xd8: {  	[tilespmem:s12], [sflag:$0x1] =	stream.indirect.gather [hbm4b:s2+s13], $0x40, s26, s13, $0xb8;
	[tilespmem:$0x8800] =	vst v63  }
0xd9: {  	_ =	swait.ge [sflag:s17], $0x2000  }
0xda: {  	[sflag:s17] =	ssyncset.done $0x0  }
0xdb: {  	s0 =	rddreg [dreg:$0x9];
	[sflag:s17] =	ssyncadd.s32 $0xFFFFE000  }
0xdc: {  	[hbm4b:s0+s10] =	stream.strided.scatter [tilespmem:s11], [sflag:$0x6], $0x2000, s3, s10, $0x38;
	[tilespmem:$0x8800] =	vst v63  }
0xdd: {  	_ =	swait.ge [sflag:s6], $0x2000  }
0xde: {  	[sflag:s6] =	ssyncset.done $0x0  }
0xdf: {  	[sflag:s6] =	ssyncadd.s32 $0xFFFFE000  }
0xe0: {  	[tilespmem:s11], [sflag:$0x2] =	stream.indirect.gather [hbm4b:s2+s13], $0x40, s25, s13, $0xb8;
	[tilespmem:$0x8800] =	vst v63  }
0xe1: {  	_ =	swait.ge [sflag:s15], $0x2000  }
0xe2: {  	[sflag:s15] =	ssyncset.done $0x0  }
0xe3: {  	s0 =	rddreg [dreg:$0xa];
	[sflag:s15] =	ssyncadd.s32 $0xFFFFE000  }
0xe4: {  	[hbm4b:s0+s10] =	stream.strided.scatter [tilespmem:s9], [sflag:$0x7], $0x2000, s3, s10, $0x38;
	[tilespmem:$0x8800] =	vst v63  }
0xe5: {  	_ =	swait.ge [sflag:s7], $0x2000  }
0xe6: {  	[sflag:s7] =	ssyncset.done $0x0  }
0xe7: {  	[sflag:s7] =	ssyncadd.s32 $0xFFFFE000  }
0xe8: {  	[tilespmem:s9], [sflag:$0x3] =	stream.indirect.gather [hbm4b:s2+s13], $0x40, s24, s13, $0xb8;
	[tilespmem:$0x8800] =	vst v63  }
0xe9: {  	_ =	swait.ge [sflag:s14], $0x2000  }
0xea: {  	[sflag:s14] =	ssyncset.done $0x0  }
0xeb: {  	s0 =	rddreg [dreg:$0xb];
	[sflag:s14] =	ssyncadd.s32 $0xFFFFE000  }
0xec: {  	[hbm4b:s0+s10] =	stream.strided.scatter [tilespmem:s4], [sflag:$0x8], $0x2000, s3, s10, $0x38;
	[tilespmem:$0x8800] =	vst v63  }
0xed: {  	_ =	swait.ge [sflag:s8], $0x2000  }
0xee: {  	[sflag:s8] =	ssyncset.done $0x0  }
0xef: {  	[sflag:s8] =	ssyncadd.s32 $0xFFFFE000  }
0xf0: {  	[tilespmem:s4], [sflag:$0x4] =	stream.indirect.gather [hbm4b:s2+s13], $0x40, s22, s13, $0xb8;
	[tilespmem:$0x8800] =	vst v63  }
0xf1: {  	_ =	swait.ge [sflag:s16], $0x2000  }
0xf2: {  	[sflag:s16] =	ssyncset.done $0x0  }
0xf3: {  	s0 =	rddreg [dreg:$0xc];
	[sflag:s16] =	ssyncadd.s32 $0xFFFFE000  }
0xf4: {  	[hbm4b:s0+s10] =	stream.strided.scatter [tilespmem:s12], [sflag:$0x5], $0x2000, s3, s10, $0x38;
	[tilespmem:$0x8800] =	vst v63  }
0xf5: {  	_ =	swait.ge [sflag:s5], $0x2000  }
0xf6: {  	[sflag:s5] =	ssyncset.done $0x0  }
0xf7: {  	[sflag:s5] =	ssyncadd.s32 $0xFFFFE000  }
0xf8: {  	[tilespmem:s12], [sflag:$0x1] =	stream.indirect.gather [hbm4b:s2+s13], $0x40, s21, s13, $0xb8;
	[tilespmem:$0x8800] =	vst v63  }
0xf9: {  	_ =	swait.ge [sflag:s17], $0x2000  }
0xfa: {  	[sflag:s17] =	ssyncset.done $0x0  }
0xfb: {  	s0 =	rddreg [dreg:$0xd];
	[sflag:s17] =	ssyncadd.s32 $0xFFFFE000  }
0xfc: {  	[hbm4b:s0+s10] =	stream.strided.scatter [tilespmem:s11], [sflag:$0x6], $0x2000, s3, s10, $0x38;
	[tilespmem:$0x8800] =	vst v63  }
0xfd: {  	_ =	swait.ge [sflag:s6], $0x2000  }
0xfe: {  	[sflag:s6] =	ssyncset.done $0x0  }
0xff: {  	[sflag:s6] =	ssyncadd.s32 $0xFFFFE000  }
0x100: {  	[tilespmem:s11], [sflag:$0x2] =	stream.indirect.gather [hbm4b:s2+s13], $0x40, s20, s13, $0xb8;
	[tilespmem:$0x8800] =	vst v63  }
0x101: {  	_ =	swait.ge [sflag:s15], $0x2000  }
0x102: {  	[sflag:s15] =	ssyncset.done $0x0  }
0x103: {  	s0 =	rddreg [dreg:$0xe];
	[sflag:s15] =	ssyncadd.s32 $0xFFFFE000  }
0x104: {  	[hbm4b:s0+s10] =	stream.strided.scatter [tilespmem:s9], [sflag:$0x7], $0x2000, s3, s10, $0x38;
	[tilespmem:$0x8800] =	vst v63  }
0x105: {  	_ =	swait.ge [sflag:s7], $0x2000  }
0x106: {  	[sflag:s7] =	ssyncset.done $0x0  }
0x107: {  	[sflag:s7] =	ssyncadd.s32 $0xFFFFE000  }
0x108: {  	[tilespmem:s9], [sflag:$0x3] =	stream.indirect.gather [hbm4b:s2+s13], $0x40, s19, s13, $0xb8;
	[tilespmem:$0x8800] =	vst v63  }
0x109: {  	_ =	swait.ge [sflag:s14], $0x2000  }
0x10a: {  	[sflag:s14] =	ssyncset.done $0x0  }
0x10b: {  	s0 =	rddreg [dreg:$0xf];
	[sflag:s14] =	ssyncadd.s32 $0xFFFFE000  }
0x10c: {  	[hbm4b:s0+s10] =	stream.strided.scatter [tilespmem:s4], [sflag:$0x8], $0x2000, s3, s10, $0x38;
	[tilespmem:$0x8800] =	vst v63  }
0x10d: {  	_ =	swait.ge [sflag:s8], $0x2000  }
0x10e: {  	[sflag:s8] =	ssyncset.done $0x0  }
0x10f: {  	[sflag:s8] =	ssyncadd.s32 $0xFFFFE000  }
0x110: {  	[tilespmem:s4], [sflag:$0x4] =	stream.indirect.gather [hbm4b:s2+s13], $0x40, s18, s13, $0xb8;
	[tilespmem:$0x8800] =	vst v63  }
0x111: {  	_ =	swait.ge [sflag:s16], $0x2000  }
0x112: {  	[sflag:s16] =	ssyncset.done $0x0  }
0x113: {  	s0 =	rddreg [dreg:$0x10];
	[sflag:s16] =	ssyncadd.s32 $0xFFFFE000  }
0x114: {  	[hbm4b:s0+s10] =	stream.strided.scatter [tilespmem:s12], [sflag:$0x5], $0x2000, s3, s10, $0x38;
	[tilespmem:$0x8800] =	vst v63  }
0x115: {  	_ =	swait.ge [sflag:s17], $0x2000  }
0x116: {  	[sflag:s17] =	ssyncset.done $0x0  }
0x117: {  	s0 =	rddreg [dreg:$0x11];
	[sflag:s17] =	ssyncadd.s32 $0xFFFFE000  }
0x118: {  	[hbm4b:s0+s10] =	stream.strided.scatter [tilespmem:s11], [sflag:$0x6], $0x2000, s3, s10, $0x38;
	[tilespmem:$0x8800] =	vst v63  }
0x119: {  	_ =	swait.ge [sflag:s15], $0x2000  }
0x11a: {  	[sflag:s15] =	ssyncset.done $0x0  }
0x11b: {  	s0 =	rddreg [dreg:$0x12];
	[sflag:s15] =	ssyncadd.s32 $0xFFFFE000  }
0x11c: {  	[hbm4b:s0+s10] =	stream.strided.scatter [tilespmem:s9], [sflag:$0x7], $0x2000, s3, s10, $0x38;
	[tilespmem:$0x8800] =	vst v63  }
0x11d: {  	_ =	swait.ge [sflag:s14], $0x2000  }
0x11e: {  	[sflag:s14] =	ssyncset.done $0x0  }
0x11f: {  	s0 =	rddreg [dreg:$0x13];
	[sflag:s14] =	ssyncadd.s32 $0xFFFFE000  }
0x120: {  	[hbm4b:s0+s10] =	stream.strided.scatter [tilespmem:s4], [sflag:$0x8], $0x2000, s3, s10, $0x38;
	[tilespmem:$0x8800] =	vst v63  }
0x121: {  	_ =	swait.ge [sflag:s5], $0x2000  }
0x122: {  	[sflag:s5] =	ssyncset.done $0x0  }
0x123: {  	[sflag:s5] =	ssyncadd.s32 $0xFFFFE000  }
0x124: {  	_ =	swait.ge [sflag:s6], $0x2000  }
0x125: {  	[sflag:s6] =	ssyncset.done $0x0  }
0x126: {  	p1 =	sne.s32 s1, $0x1;
	[sflag:s6] =	ssyncadd.s32 $0xFFFFE000  }
.Ltmp2:
0x127: {  	_ =	swait.ge [sflag:s7], $0x2000;
	(pc) =	sbr.rel @p1 .LBB2_2-.Ltmp2, $4  }
0x128: {  	[sflag:s7] =	ssyncset.done $0x0  }
0x129: {  	[sflag:s7] =	ssyncadd.s32 $0xFFFFE000  }
0x12a: {  	_ =	swait.ge [sflag:s8], $0x2000  }
0x12b: {  	s1 =	sadd.s32 $0xFFFFFFFF, s1;
	s0 =	rddreg [dreg:$0x3];
	[sflag:s8] =	ssyncset.done $0x0  }
.LBB2_3:
0x12c: {  	[sflag:s8] =	ssyncadd.s32 @p0 $0xFFFFE000  }
0x12d: {  	[tilespmem:s23], [sflag:$0x9] =	stream.linear.gather [hbm4b:s0+s23], $0x800, $0x38;
	[tilespmem:$0x8800] =	vst v63  }
0x12e: {  	_ =	swait.ge [sflag:s31], $0x800  }
0x12f: {  	[sflag:s31] =	ssyncset.done $0x0  }
0x130: {  	[sflag:s31] =	ssyncadd.s32 $0xFFFFF800  }
0x131: {  	[tilespmem:s12], [sflag:$0x1] =	stream.indirect.gather [hbm4b:s2+s13], $0x40, s23, s13, $0xb8;
	[tilespmem:$0x8800] =	vst v63  }
0x132: {  	_ = 	snop  }
0x133: {  	[tilespmem:s11], [sflag:$0x2] =	stream.indirect.gather [hbm4b:s2+s13], $0x40, s13, s13, $0xb8;
	[tilespmem:$0x8800] =	vst v63  }
0x134: {  	_ = 	snop  }
0x135: {  	[tilespmem:s9], [sflag:$0x3] =	stream.indirect.gather [hbm4b:s2+s13], $0x40, s3, s13, $0xb8;
	[tilespmem:$0x8800] =	vst v63  }
0x136: {  	s31 =	rddreg [dreg:$0x14]  }
0x137: {  	[tilespmem:s4], [sflag:$0x4] =	stream.indirect.gather [hbm4b:s2+s13], $0x40, s31, s13, $0xb8;
	[tilespmem:$0x8800] =	vst v63  }
0x138: {  	_ =	swait.ge [sflag:s16], $0x2000  }
0x139: {  	[sflag:s16] =	ssyncset.done $0x0  }
0x13a: {  	s1 =	rddreg [dreg:$0x4];
	[sflag:s16] =	ssyncadd.s32 $0xFFFFE000  }
0x13b: {  	[hbm4b:s1+s10] =	stream.strided.scatter [tilespmem:s12], [sflag:$0x5], $0x2000, s3, s10, $0x38;
	[tilespmem:$0x8800] =	vst v63  }
0x13c: {  	_ =	swait.ge [sflag:s5], $0x2000  }
0x13d: {  	[sflag:s5] =	ssyncset.done $0x0  }
0x13e: {  	s23 =	rddreg [dreg:$0x15];
	[sflag:s5] =	ssyncadd.s32 $0xFFFFE000  }
0x13f: {  	[tilespmem:s12], [sflag:$0x1] =	stream.indirect.gather [hbm4b:s2+s13], $0x40, s23, s13, $0xb8;
	[tilespmem:$0x8800] =	vst v63  }
0x140: {  	_ =	swait.ge [sflag:s17], $0x2000  }
0x141: {  	[sflag:s17] =	ssyncset.done $0x0  }
0x142: {  	s31 =	rddreg [dreg:$0x5];
	[sflag:s17] =	ssyncadd.s32 $0xFFFFE000  }
0x143: {  	[hbm4b:s31+s10] =	stream.strided.scatter [tilespmem:s11], [sflag:$0x6], $0x2000, s3, s10, $0x38;
	[tilespmem:$0x8800] =	vst v63  }
0x144: {  	_ =	swait.ge [sflag:s6], $0x2000  }
0x145: {  	[sflag:s6] =	ssyncset.done $0x0  }
0x146: {  	[sflag:s6] =	ssyncadd.s32 $0xFFFFE000  }
0x147: {  	[tilespmem:s11], [sflag:$0x2] =	stream.indirect.gather [hbm4b:s2+s13], $0x40, s30, s13, $0xb8;
	[tilespmem:$0x8800] =	vst v63  }
0x148: {  	_ =	swait.ge [sflag:s15], $0x2000  }
0x149: {  	[sflag:s15] =	ssyncset.done $0x0  }
0x14a: {  	s1 =	rddreg [dreg:$0x6];
	[sflag:s15] =	ssyncadd.s32 $0xFFFFE000  }
0x14b: {  	[hbm4b:s1+s10] =	stream.strided.scatter [tilespmem:s9], [sflag:$0x7], $0x2000, s3, s10, $0x38;
	[tilespmem:$0x8800] =	vst v63  }
0x14c: {  	_ =	swait.ge [sflag:s7], $0x2000  }
0x14d: {  	[sflag:s7] =	ssyncset.done $0x0  }
0x14e: {  	[sflag:s7] =	ssyncadd.s32 $0xFFFFE000  }
0x14f: {  	[tilespmem:s9], [sflag:$0x3] =	stream.indirect.gather [hbm4b:s2+s13], $0x40, s29, s13, $0xb8;
	[tilespmem:$0x8800] =	vst v63  }
0x150: {  	_ =	swait.ge [sflag:s14], $0x2000  }
0x151: {  	[sflag:s14] =	ssyncset.done $0x0  }
0x152: {  	s23 =	rddreg [dreg:$0x7];
	[sflag:s14] =	ssyncadd.s32 $0xFFFFE000  }
0x153: {  	[hbm4b:s23+s10] =	stream.strided.scatter [tilespmem:s4], [sflag:$0x8], $0x2000, s3, s10, $0x38;
	[tilespmem:$0x8800] =	vst v63  }
0x154: {  	_ =	swait.ge [sflag:s8], $0x2000  }
0x155: {  	[sflag:s8] =	ssyncset.done $0x0  }
0x156: {  	[sflag:s8] =	ssyncadd.s32 $0xFFFFE000  }
0x157: {  	[tilespmem:s4], [sflag:$0x4] =	stream.indirect.gather [hbm4b:s2+s13], $0x40, s28, s13, $0xb8;
	[tilespmem:$0x8800] =	vst v63  }
0x158: {  	_ =	swait.ge [sflag:s16], $0x2000  }
0x159: {  	[sflag:s16] =	ssyncset.done $0x0  }
0x15a: {  	s29 =	rddreg [dreg:$0x8];
	[sflag:s16] =	ssyncadd.s32 $0xFFFFE000  }
0x15b: {  	[hbm4b:s29+s10] =	stream.strided.scatter [tilespmem:s12], [sflag:$0x5], $0x2000, s3, s10, $0x38;
	[tilespmem:$0x8800] =	vst v63  }
0x15c: {  	_ =	swait.ge [sflag:s5], $0x2000  }
0x15d: {  	[sflag:s5] =	ssyncset.done $0x0  }
0x15e: {  	[sflag:s5] =	ssyncadd.s32 $0xFFFFE000  }
0x15f: {  	[tilespmem:s12], [sflag:$0x1] =	stream.indirect.gather [hbm4b:s2+s13], $0x40, s26, s13, $0xb8;
	[tilespmem:$0x8800] =	vst v63  }
0x160: {  	_ =	swait.ge [sflag:s17], $0x2000  }
0x161: {  	[sflag:s17] =	ssyncset.done $0x0  }
0x162: {  	s30 =	rddreg [dreg:$0x9];
	[sflag:s17] =	ssyncadd.s32 $0xFFFFE000  }
0x163: {  	[hbm4b:s30+s10] =	stream.strided.scatter [tilespmem:s11], [sflag:$0x6], $0x2000, s3, s10, $0x38;
	[tilespmem:$0x8800] =	vst v63  }
0x164: {  	_ =	swait.ge [sflag:s6], $0x2000  }
0x165: {  	[sflag:s6] =	ssyncset.done $0x0  }
0x166: {  	[sflag:s6] =	ssyncadd.s32 $0xFFFFE000  }
0x167: {  	[tilespmem:s11], [sflag:$0x2] =	stream.indirect.gather [hbm4b:s2+s13], $0x40, s25, s13, $0xb8;
	[tilespmem:$0x8800] =	vst v63  }
0x168: {  	_ =	swait.ge [sflag:s15], $0x2000  }
0x169: {  	[sflag:s15] =	ssyncset.done $0x0  }
0x16a: {  	s31 =	rddreg [dreg:$0xa];
	[sflag:s15] =	ssyncadd.s32 $0xFFFFE000  }
0x16b: {  	[hbm4b:s31+s10] =	stream.strided.scatter [tilespmem:s9], [sflag:$0x7], $0x2000, s3, s10, $0x38;
	[tilespmem:$0x8800] =	vst v63  }
0x16c: {  	_ =	swait.ge [sflag:s7], $0x2000  }
0x16d: {  	[sflag:s7] =	ssyncset.done $0x0  }
0x16e: {  	[sflag:s7] =	ssyncadd.s32 $0xFFFFE000  }
0x16f: {  	[tilespmem:s9], [sflag:$0x3] =	stream.indirect.gather [hbm4b:s2+s13], $0x40, s24, s13, $0xb8;
	[tilespmem:$0x8800] =	vst v63  }
0x170: {  	_ =	swait.ge [sflag:s14], $0x2000  }
0x171: {  	[sflag:s14] =	ssyncset.done $0x0  }
0x172: {  	s1 =	rddreg [dreg:$0xb];
	[sflag:s14] =	ssyncadd.s32 $0xFFFFE000  }
0x173: {  	[hbm4b:s1+s10] =	stream.strided.scatter [tilespmem:s4], [sflag:$0x8], $0x2000, s3, s10, $0x38;
	[tilespmem:$0x8800] =	vst v63  }
0x174: {  	_ =	swait.ge [sflag:s8], $0x2000  }
0x175: {  	[sflag:s8] =	ssyncset.done $0x0  }
0x176: {  	[sflag:s8] =	ssyncadd.s32 $0xFFFFE000  }
0x177: {  	[tilespmem:s4], [sflag:$0x4] =	stream.indirect.gather [hbm4b:s2+s13], $0x40, s22, s13, $0xb8;
	[tilespmem:$0x8800] =	vst v63  }
0x178: {  	_ =	swait.ge [sflag:s16], $0x2000  }
0x179: {  	[sflag:s16] =	ssyncset.done $0x0  }
0x17a: {  	s22 =	rddreg [dreg:$0xc];
	[sflag:s16] =	ssyncadd.s32 $0xFFFFE000  }
0x17b: {  	[hbm4b:s22+s10] =	stream.strided.scatter [tilespmem:s12], [sflag:$0x5], $0x2000, s3, s10, $0x38;
	[tilespmem:$0x8800] =	vst v63  }
0x17c: {  	_ =	swait.ge [sflag:s5], $0x2000  }
0x17d: {  	[sflag:s5] =	ssyncset.done $0x0  }
0x17e: {  	[sflag:s5] =	ssyncadd.s32 $0xFFFFE000  }
0x17f: {  	[tilespmem:s12], [sflag:$0x1] =	stream.indirect.gather [hbm4b:s2+s13], $0x40, s21, s13, $0xb8;
	[tilespmem:$0x8800] =	vst v63  }
0x180: {  	_ =	swait.ge [sflag:s17], $0x2000  }
0x181: {  	[sflag:s17] =	ssyncset.done $0x0  }
0x182: {  	s23 =	rddreg [dreg:$0xd];
	[sflag:s17] =	ssyncadd.s32 $0xFFFFE000  }
0x183: {  	[hbm4b:s23+s10] =	stream.strided.scatter [tilespmem:s11], [sflag:$0x6], $0x2000, s3, s10, $0x38;
	[tilespmem:$0x8800] =	vst v63  }
0x184: {  	_ =	swait.ge [sflag:s6], $0x2000  }
0x185: {  	[sflag:s6] =	ssyncset.done $0x0  }
0x186: {  	[sflag:s6] =	ssyncadd.s32 $0xFFFFE000  }
0x187: {  	[tilespmem:s11], [sflag:$0x2] =	stream.indirect.gather [hbm4b:s2+s13], $0x40, s20, s13, $0xb8;
	[tilespmem:$0x8800] =	vst v63  }
0x188: {  	_ =	swait.ge [sflag:s15], $0x2000  }
0x189: {  	[sflag:s15] =	ssyncset.done $0x0  }
0x18a: {  	s24 =	rddreg [dreg:$0xe];
	[sflag:s15] =	ssyncadd.s32 $0xFFFFE000  }
0x18b: {  	[hbm4b:s24+s10] =	stream.strided.scatter [tilespmem:s9], [sflag:$0x7], $0x2000, s3, s10, $0x38;
	[tilespmem:$0x8800] =	vst v63  }
0x18c: {  	_ =	swait.ge [sflag:s7], $0x2000  }
0x18d: {  	[sflag:s7] =	ssyncset.done $0x0  }
0x18e: {  	[sflag:s7] =	ssyncadd.s32 $0xFFFFE000  }
0x18f: {  	[tilespmem:s9], [sflag:$0x3] =	stream.indirect.gather [hbm4b:s2+s13], $0x40, s19, s13, $0xb8;
	[tilespmem:$0x8800] =	vst v63  }
0x190: {  	_ =	swait.ge [sflag:s14], $0x2000  }
0x191: {  	[sflag:s14] =	ssyncset.done $0x0  }
0x192: {  	s25 =	rddreg [dreg:$0xf];
	[sflag:s14] =	ssyncadd.s32 $0xFFFFE000  }
0x193: {  	[hbm4b:s25+s10] =	stream.strided.scatter [tilespmem:s4], [sflag:$0x8], $0x2000, s3, s10, $0x38;
	[tilespmem:$0x8800] =	vst v63  }
0x194: {  	_ =	swait.ge [sflag:s8], $0x2000  }
0x195: {  	[sflag:s8] =	ssyncset.done $0x0  }
0x196: {  	[sflag:s8] =	ssyncadd.s32 $0xFFFFE000  }
0x197: {  	[tilespmem:s4], [sflag:$0x4] =	stream.indirect.gather [hbm4b:s2+s13], $0x40, s18, s13, $0xb8;
	[tilespmem:$0x8800] =	vst v63  }
0x198: {  	_ =	swait.ge [sflag:s16], $0x2000  }
0x199: {  	[sflag:s16] =	ssyncset.done $0x0  }
0x19a: {  	s26 =	rddreg [dreg:$0x10];
	[sflag:s16] =	ssyncadd.s32 $0xFFFFE000  }
0x19b: {  	[hbm4b:s26+s10] =	stream.strided.scatter [tilespmem:s12], [sflag:$0x5], $0x2000, s3, s10, $0x38;
	[tilespmem:$0x8800] =	vst v63  }
0x19c: {  	_ =	swait.ge [sflag:s17], $0x2000  }
0x19d: {  	[sflag:s17] =	ssyncset.done $0x0  }
0x19e: {  	s28 =	rddreg [dreg:$0x11];
	[sflag:s17] =	ssyncadd.s32 $0xFFFFE000  }
0x19f: {  	[hbm4b:s28+s10] =	stream.strided.scatter [tilespmem:s11], [sflag:$0x6], $0x2000, s3, s10, $0x38;
	[tilespmem:$0x8800] =	vst v63  }
0x1a0: {  	_ =	swait.ge [sflag:s15], $0x2000  }
0x1a1: {  	[sflag:s15] =	ssyncset.done $0x0  }
0x1a2: {  	s29 =	rddreg [dreg:$0x12];
	[sflag:s15] =	ssyncadd.s32 $0xFFFFE000  }
0x1a3: {  	[hbm4b:s29+s10] =	stream.strided.scatter [tilespmem:s9], [sflag:$0x7], $0x2000, s3, s10, $0x38;
	[tilespmem:$0x8800] =	vst v63  }
0x1a4: {  	_ =	swait.ge [sflag:s14], $0x2000  }
0x1a5: {  	[sflag:s14] =	ssyncset.done $0x0  }
0x1a6: {  	s30 =	rddreg [dreg:$0x13];
	[sflag:s14] =	ssyncadd.s32 $0xFFFFE000  }
0x1a7: {  	[hbm4b:s30+s10] =	stream.strided.scatter [tilespmem:s4], [sflag:$0x8], $0x2000, s3, s10, $0x38;
	[tilespmem:$0x8800] =	vst v63  }
0x1a8: {  	_ =	swait.ge [sflag:s5], $0x2000  }
0x1a9: {  	[sflag:s5] =	ssyncset.done $0x0  }
0x1aa: {  	[sflag:s5] =	ssyncadd.s32 $0xFFFFE000  }
0x1ab: {  	_ =	swait.ge [sflag:s6], $0x2000  }
0x1ac: {  	[sflag:s6] =	ssyncset.done $0x0  }
0x1ad: {  	[sflag:s6] =	ssyncadd.s32 $0xFFFFE000  }
0x1ae: {  	_ =	swait.ge [sflag:s7], $0x2000  }
0x1af: {  	[sflag:s7] =	ssyncset.done $0x0  }
0x1b0: {  	[sflag:s7] =	ssyncadd.s32 $0xFFFFE000  }
0x1b1: {  	_ =	swait.ge [sflag:s8], $0x2000  }
0x1b2: {  	[sflag:s8] =	ssyncset.done $0x0  }
0x1b3: {  	[sflag:s8] =	ssyncadd.s32 $0xFFFFE000  }
0x1b4: {  	_ =	sfence.sel $0x180000  }
0x1b5: {  	[bflag:$0x0] =	sbarrier.arrive $0xFFFF  }
0x1b6: {  	_ =	strace $0x90000047  }
0x1b7: {  	s31 =	stileid.u32;
	[bflag:$0x2] =	sbarrier.arrive $0xFFFF  }
0x1b8: {  	p0 =	sne.s32 s31, $0x0;
	s0 =	rddreg [dreg:$0x2]  }
0x1b9: {  	s0 =	sadd.s32 @!p0 $0x100000, s0  }
0x1ba: {  	[sflag:s0] =	ssyncadd.tile.s32 @!p0 $0x1;
	_ =	shalt  }
.Lfunc_end2:
_tile_overlayer_lowered:
.L_overlay_start_2:
0x1bb: {  	(tag) =	ssettag $0x2  }
0x1bc: {  	s0 =	rddreg [dreg:$0x0];
	s2 =	stileid.u32  }
0x1bd: {  	s1 =	rddreg [dreg:$0x1];
	p0 =	sne.s32 s2, $0x0  }
0x1be: {  	s3 =	rddreg [dreg:$0x2];
	[bflag:$0x3] =	sbarrier.arrive $0xFFFF;
	s2 =	simm.s32 @!p0 $0x1C09  }
0x1bf: {  	[timem:s3], [sflag:s2] =	dma.local @!p0 [hbm:s0], s1  }
0x1c0: {  	s0 =	simm.s32 @!p0 $0x9  }
0x1c1: {  	_ =	swait.ge @!p0 [sflag:s0], s1  }
0x1c2: {  	s1 =	ssub.s32 @!p0 $0x0, s1;
	[sflag:s0] =	ssyncset.done @!p0 $0x0  }
0x1c3: {  	[sflag:s0] =	ssyncadd.s32 @!p0 s1  }
0x1c4: {  	[bflag:$0x3] =	sbarrier.arrive $0xFFFF  }
0x1c5: {  	_ =	shalt  }

</sc_bundles>
